<compile_context>
chip_gen: v7x
topology: tpu7x:2x2x1
jax: 0.10.2.dev20260603
libtpu: 0.0.44.dev20260713+nightly
codegen_flags: <defaults>
</compile_context>

<pallas_src>
import functools

import jax
import jax.numpy as jnp
from jax import lax
from jax.experimental import pallas as pl
from jax.experimental.pallas import tpu as pltpu
from jax.experimental.pallas import tpu_sc as plsc

N_FEAT = 100000
IN_DIM = 256
N0 = 1024
S1 = 25
S2 = 10
D1 = 128
D2 = 128
N_PAIR = 512
N_NEG = 512

NW = 32
G2_PER_W = (N0 * S1) // NW
CH_G = 16
CH_R = CH_G * S2
N_CH2 = G2_PER_W // CH_G
H1_PER_W = (N0 * S1) // NW
CH1_R = 80
N_CH1 = H1_PER_W // CH1_R
H0_PER_W = N0 // NW
IDX2_PER_W = G2_PER_W * S2


FB = N_FEAT // 20


def _tc0_body(feat_ref, wn0_ref, g_ref):
    g_ref[...] = jnp.dot(feat_ref[...], wn0_ref[...],
                         preferred_element_type=jnp.float32,
                         precision=lax.Precision.HIGHEST)


def _tc0(feat, Wn0):
    return pl.pallas_call(
        _tc0_body,
        grid=(N_FEAT // FB,),
        in_specs=[
            pl.BlockSpec((FB, IN_DIM), lambda i: (i, 0)),
            pl.BlockSpec((IN_DIM, D1), lambda i: (0, 0)),
        ],
        out_specs=pl.BlockSpec((FB, D1), lambda i: (i, 0)),
        out_shape=jax.ShapeDtypeStruct((N_FEAT, D1), jnp.float32),
    )(feat, Wn0)


def _sc_body(feat, gtab, n0, n1, n2, h0_out, h1_out, s2_out,
             idxbuf, r2a, r2b, r1a, r1b, osum_a, osum_b,
             sem_a, sem_b, sem_oa, sem_ob):
    c = lax.axis_index("c")
    s = lax.axis_index("s")
    wid = s * 2 + c

    def issue(rows, sem, off):
        pltpu.async_copy(gtab.at[idxbuf.at[pl.ds(off, 128)]],
                         rows.at[pl.ds(0, 128)], sem)
        pltpu.async_copy(gtab.at[idxbuf.at[pl.ds(off + 128, 32)]],
                         rows.at[pl.ds(128, 32)], sem)

    def wait_gather(rows, sem, off):
        pltpu.make_async_copy(gtab.at[idxbuf.at[pl.ds(off, 128)]],
                              rows.at[pl.ds(0, 128)], sem).wait()
        pltpu.make_async_copy(gtab.at[idxbuf.at[pl.ds(off + 128, 32)]],
                              rows.at[pl.ds(128, 32)], sem).wait()

    def reduce_into(rows, osum):
        def grp(g, carry):
            r0 = g * S2
            for ch in range(D1 // 16):
                sl = pl.ds(ch * 16, 16)
                acc = rows[r0, sl]
                for k in range(1, S2):
                    acc = acc + rows[r0 + k, sl]
                osum[g, sl] = acc
            return carry

        lax.fori_loop(0, CH_G, grp, 0)

    def s2_dst(i):
        return s2_out.at[pl.ds(wid * G2_PER_W + i * CH_G, CH_G)]

    pltpu.sync_copy(n2.at[pl.ds(wid * IDX2_PER_W, IDX2_PER_W)], idxbuf)
    issue(r2a, sem_a, 0)
    NJ = N_CH2 // 2

    def pipe(j, carry):
        i0 = 2 * j
        issue(r2b, sem_b, (i0 + 1) * CH_R)
        wait_gather(r2a, sem_a, i0 * CH_R)

        @pl.when(j > 0)
        def _():
            pltpu.make_async_copy(osum_a, s2_dst(i0 - 2), sem_oa).wait()

        reduce_into(r2a, osum_a)
        pltpu.async_copy(osum_a, s2_dst(i0), sem_oa)

        @pl.when(j < NJ - 1)
        def _():
            issue(r2a, sem_a, (i0 + 2) * CH_R)

        wait_gather(r2b, sem_b, (i0 + 1) * CH_R)

        @pl.when(j > 0)
        def _():
            pltpu.make_async_copy(osum_b, s2_dst(i0 - 1), sem_ob).wait()

        reduce_into(r2b, osum_b)
        pltpu.async_copy(osum_b, s2_dst(i0 + 1), sem_ob)
        return carry

    lax.fori_loop(0, NJ, pipe, 0)
    pltpu.make_async_copy(osum_a, s2_dst(N_CH2 - 2), sem_oa).wait()
    pltpu.make_async_copy(osum_b, s2_dst(N_CH2 - 1), sem_ob).wait()

    pltpu.sync_copy(n1.at[pl.ds(wid * H1_PER_W, H1_PER_W)],
                    idxbuf.at[pl.ds(0, H1_PER_W)])
    prev_out = [None, None]
    for ci in range(N_CH1):
        rows, sem, osem = ((r1a, sem_a, sem_oa) if ci % 2 == 0
                           else (r1b, sem_b, sem_ob))
        off = ci * CH1_R
        if prev_out[ci % 2] is not None:
            prev_out[ci % 2].wait()
        cp = pltpu.async_copy(feat.at[idxbuf.at[pl.ds(off, CH1_R)]], rows, sem)
        cp.wait()
        prev_out[ci % 2] = pltpu.async_copy(
            rows, h1_out.at[pl.ds(wid * H1_PER_W + off, CH1_R)], osem)
    for h in prev_out:
        h.wait()

    pltpu.sync_copy(n0.at[pl.ds(wid * H0_PER_W, H0_PER_W)],
                    idxbuf.at[pl.ds(0, H0_PER_W)])
    pltpu.async_copy(feat.at[idxbuf.at[pl.ds(0, H0_PER_W)]],
                     r1a.at[pl.ds(0, H0_PER_W)], sem_a).wait()
    pltpu.sync_copy(r1a.at[pl.ds(0, H0_PER_W)],
                    h0_out.at[pl.ds(wid * H0_PER_W, H0_PER_W)])


_sc_gather = functools.partial(
    pl.kernel,
    mesh=plsc.VectorSubcoreMesh(core_axis_name="c", subcore_axis_name="s"),
    out_type=(
        jax.ShapeDtypeStruct((N0, IN_DIM), jnp.float32),
        jax.ShapeDtypeStruct((N0 * S1, IN_DIM), jnp.float32),
        jax.ShapeDtypeStruct((N0 * S1, D1), jnp.float32),
    ),
    scratch_types=[
        pltpu.VMEM((IDX2_PER_W,), jnp.int32),
        pltpu.VMEM((CH_R, D1), jnp.float32),
        pltpu.VMEM((CH_R, D1), jnp.float32),
        pltpu.VMEM((CH1_R, IN_DIM), jnp.float32),
        pltpu.VMEM((CH1_R, IN_DIM), jnp.float32),
        pltpu.VMEM((CH_G, D1), jnp.float32),
        pltpu.VMEM((CH_G, D1), jnp.float32),
        pltpu.SemaphoreType.DMA,
        pltpu.SemaphoreType.DMA,
        pltpu.SemaphoreType.DMA,
        pltpu.SemaphoreType.DMA,
    ],
)(_sc_body)


BG = 128
BR = BG * S1


def _tc1_body(h1_ref, s2_ref, ws0_ref, m1_ref, n1s_ref):
    h1b = h1_ref[...]
    xs = jnp.dot(h1b, ws0_ref[...], preferred_element_type=jnp.float32)
    x = jnp.maximum(jnp.concatenate([xs, s2_ref[...] * (1.0 / S2)], axis=1), 0.0)
    col_grp = lax.broadcasted_iota(jnp.int32, (BG, BR), 1) // S1
    row_grp = lax.broadcasted_iota(jnp.int32, (BG, BR), 0)
    a = (col_grp == row_grp).astype(jnp.float32)
    m1_ref[...] = jnp.dot(a, x, preferred_element_type=jnp.float32) * (1.0 / S1)
    n1s_ref[...] = jnp.dot(a, h1b, preferred_element_type=jnp.float32)


def _tc1(h1, s2, Ws0):
    return pl.pallas_call(
        _tc1_body,
        grid=(N0 // BG,),
        in_specs=[
            pl.BlockSpec((BR, IN_DIM), lambda i: (i, 0)),
            pl.BlockSpec((BR, D1), lambda i: (i, 0)),
            pl.BlockSpec((IN_DIM, D1), lambda i: (0, 0)),
        ],
        out_specs=(
            pl.BlockSpec((BG, 2 * D1), lambda i: (i, 0)),
            pl.BlockSpec((BG, IN_DIM), lambda i: (i, 0)),
        ),
        out_shape=(
            jax.ShapeDtypeStruct((N0, 2 * D1), jnp.float32),
            jax.ShapeDtypeStruct((N0, IN_DIM), jnp.float32),
        ),
    )(h1, s2, Ws0)


def _softplus(x):
    return jnp.maximum(x, 0.0) + jnp.log1p(jnp.exp(-jnp.abs(x)))


def _tc2_body(h0_ref, n1s_ref, m1_ref, ws0_ref, wn0_ref, ws1_ref, wn1_ref,
              si_ref, pi_ref, ni_ref, src_ref, loss_ref, mrr_ref):
    xs = jnp.dot(h0_ref[...], ws0_ref[...], preferred_element_type=jnp.float32)
    xn = jnp.dot(n1s_ref[...] * (1.0 / S1), wn0_ref[...],
                 preferred_element_type=jnp.float32)
    l1h0 = jnp.maximum(jnp.concatenate([xs, xn], axis=1), 0.0)
    ys = jnp.dot(l1h0, ws1_ref[...], preferred_element_type=jnp.float32)
    yn = jnp.dot(m1_ref[...], wn1_ref[...], preferred_element_type=jnp.float32)
    out = jnp.concatenate([ys, yn], axis=1)
    sq = jnp.maximum(jnp.sum(out * out, axis=1, keepdims=True), 1e-12)
    out = out * lax.rsqrt(sq)
    cols = lax.broadcasted_iota(jnp.int32, (N_PAIR, N0), 1)
    src_emb = jnp.dot((cols == si_ref[...]).astype(jnp.float32), out,
                      preferred_element_type=jnp.float32,
                      precision=lax.Precision.HIGHEST)
    pos_emb = jnp.dot((cols == pi_ref[...]).astype(jnp.float32), out,
                      preferred_element_type=jnp.float32,
                      precision=lax.Precision.HIGHEST)
    neg_emb = jnp.dot((cols == ni_ref[...]).astype(jnp.float32), out,
                      preferred_element_type=jnp.float32,
                      precision=lax.Precision.HIGHEST)
    src_ref[...] = src_emb
    aff = jnp.sum(src_emb * pos_emb, axis=1, keepdims=True)
    neg_aff = lax.dot_general(src_emb, neg_emb, (((1,), (1,)), ((), ())),
                              preferred_element_type=jnp.float32)
    rank = jnp.sum((neg_aff >= aff).astype(jnp.int32), axis=1, keepdims=True)
    mrr_ref[...] = jnp.mean(1.0 / (rank.astype(jnp.float32) + 1.0)).reshape(1, 1)
    loss = jnp.sum(_softplus(-aff)) + jnp.sum(_softplus(neg_aff))
    loss_ref[...] = (loss * (1.0 / N_PAIR)).reshape(1, 1)


def _tc2(h0, n1s, m1, Ws0, Wn0, Ws1, Wn1, si, pi, ni):
    return pl.pallas_call(
        _tc2_body,
        out_shape=(
            jax.ShapeDtypeStruct((N_PAIR, D2 * 2), jnp.float32),
            jax.ShapeDtypeStruct((1, 1), jnp.float32),
            jax.ShapeDtypeStruct((1, 1), jnp.float32),
        ),
    )(h0, n1s, m1, Ws0, Wn0, Ws1, Wn1, si, pi, ni)


def kernel(nodes, feat, src_idx, pos_idx, neg_idx, neighbor_0, neighbor_1,
           neighbor_2, W_self_0, W_neigh_0, W_self_1, W_neigh_1):
    gtab = _tc0(feat, W_neigh_0)
    h0, h1, s2g = _sc_gather(feat, gtab, neighbor_0, neighbor_1, neighbor_2)
    m1, n1s = _tc1(h1, s2g, W_self_0)
    src_emb, loss, mrr = _tc2(
        h0, n1s, m1, W_self_0, W_neigh_0, W_self_1, W_neigh_1,
        src_idx.reshape(N_PAIR, 1), pos_idx.reshape(N_PAIR, 1),
        neg_idx.reshape(N_NEG, 1))
    return src_emb, loss[0, 0], mrr[0, 0]

# --- scband reference (transcript-rebuilt; emitter-appended) ---
"""Pipeline reference for scband-unsupervised-graph-sage-84361747628642 (READ-ONLY COPY).

The authoritative reference and input builder live on the scoring server;
editing this copy changes nothing except your own understanding.
"""

import jax, jax.numpy as jnp
import numpy as np

N_FEAT = 100000
IN_DIM = 256
N0 = 1024
S1 = 25
S2 = 10
D1 = 128
D2 = 128
N_PAIR = 512
N_NEG = 512


def setup_inputs(seed: int = 0) -> dict:
    key = jax.random.key(seed)
    ks = jax.random.split(key, 12)
    glorot = jax.nn.initializers.glorot_uniform()
    feat = jax.random.normal(ks[0], (N_FEAT, IN_DIM), dtype=jnp.float32)
    nodes = jax.random.randint(ks[1], (N_FEAT,), 0, N_FEAT, dtype=jnp.int32)
    src_idx = jax.random.randint(ks[2], (N_PAIR,), 0, N0, dtype=jnp.int32)
    pos_idx = jax.random.randint(ks[3], (N_PAIR,), 0, N0, dtype=jnp.int32)
    neg_idx = jax.random.randint(ks[4], (N_NEG,), 0, N0, dtype=jnp.int32)
    neighbor_0 = jax.random.randint(ks[5], (N0,), 0, N_FEAT, dtype=jnp.int32)
    neighbor_1 = jax.random.randint(ks[6], (N0 * S1,), 0, N_FEAT, dtype=jnp.int32)
    neighbor_2 = jax.random.randint(ks[7], (N0 * S1 * S2,), 0, N_FEAT, dtype=jnp.int32)
    W_self_0 = glorot(ks[8], (IN_DIM, D1), jnp.float32)
    W_neigh_0 = glorot(ks[9], (IN_DIM, D1), jnp.float32)
    W_self_1 = glorot(ks[10], (2 * D1, D2), jnp.float32)
    W_neigh_1 = glorot(ks[11], (2 * D1, D2), jnp.float32)
    return {"nodes": nodes, "feat": feat, "src_idx": src_idx, "pos_idx": pos_idx,
            "neg_idx": neg_idx, "neighbor_0": neighbor_0, "neighbor_1": neighbor_1,
            "neighbor_2": neighbor_2, "W_self_0": W_self_0, "W_neigh_0": W_neigh_0,
            "W_self_1": W_self_1, "W_neigh_1": W_neigh_1}


def _mean_agg(self_vecs, neigh_vecs, W_self, W_neigh, activate):
    # GraphSAGE mean aggregator with concat=True
    neigh_mean = jnp.mean(neigh_vecs, axis=1)
    out = jnp.concatenate([self_vecs @ W_self, neigh_mean @ W_neigh], axis=1)
    return jax.nn.relu(out) if activate else out


def reference(nodes, feat, src_idx, pos_idx, neg_idx, neighbor_0, neighbor_1, neighbor_2,
              W_self_0, W_neigh_0, W_self_1, W_neigh_1):
    # hidden = [embedding_lookup(feat, nb) for nb in neighbor_list]
    h0 = jnp.take(feat, neighbor_0, axis=0)
    h1 = jnp.take(feat, neighbor_1, axis=0)
    h2 = jnp.take(feat, neighbor_2, axis=0)
    d = feat.shape[1]
    # layer 1 (aggregator shared across hops)
    l1_h0 = _mean_agg(h0, h1.reshape(N0, S1, d), W_self_0, W_neigh_0, True)
    l1_h1 = _mean_agg(h1, h2.reshape(N0 * S1, S2, d), W_self_0, W_neigh_0, True)
    d1 = l1_h0.shape[1]
    # layer 2 (final layer, identity activation)
    output = _mean_agg(l1_h0, l1_h1.reshape(N0, S1, d1), W_self_1, W_neigh_1, False)
    # tf.nn.l2_normalize
    sq = jnp.sum(output * output, axis=1, keepdims=True)
    output = output * jax.lax.rsqrt(jnp.maximum(sq, 1e-12))
    src_emb = jnp.take(output, src_idx, axis=0)
    pos_emb = jnp.take(output, pos_idx, axis=0)
    neg_emb = jnp.take(output, neg_idx, axis=0)
    # affinities
    aff = jnp.sum(src_emb * pos_emb, axis=1)
    neg_aff = src_emb @ neg_emb.T
    # MRR metric
    aff_all = jnp.concatenate([neg_aff, aff[:, None]], axis=1)
    size = aff_all.shape[1]
    _, indices_of_ranks = jax.lax.top_k(aff_all, size)
    _, ranks = jax.lax.top_k(-indices_of_ranks, size)
    mrr = jnp.mean(1.0 / (ranks[:, -1].astype(jnp.float32) + 1.0))
    # xent loss: sigmoid_cross_entropy_with_logits
    true_xent = jax.nn.softplus(-aff)          # labels = 1
    negative_xent = jax.nn.softplus(neg_aff)   # labels = 0
    loss = jnp.sum(true_xent) + 1.0 * jnp.sum(negative_xent)
    loss = loss / jnp.asarray(src_emb.shape[0], jnp.float32)
    return src_emb, loss, mrr

if __name__ == "__main__":
    import jax
    _d = setup_inputs()
    print(jax.jit(kernel)(*tuple(_d.values())))

</pallas_src>

<mosaic_0001>
#map = affine_map<(d0, d1) -> (0, 0)>
#map1 = affine_map<(d0, d1) -> (0)>
module attributes {stable_mosaic.version = 14 : i64} {
  func.func @_sc_body(%arg0: i32, %arg1: i32, %arg2: memref<100000x256xf32, #tpu.memory_space<hbm>>, %arg3: memref<100000x128xf32, #tpu.memory_space<hbm>>, %arg4: memref<1024xi32, #tpu.memory_space<hbm>>, %arg5: memref<25600xi32, #tpu.memory_space<hbm>>, %arg6: memref<256000xi32, #tpu.memory_space<hbm>>, %arg7: memref<1024x256xf32, #tpu.memory_space<hbm>>, %arg8: memref<25600x256xf32, #tpu.memory_space<hbm>>, %arg9: memref<25600x128xf32, #tpu.memory_space<hbm>>, %arg10: memref<8000xi32, #tpu.memory_space<vmem>>, %arg11: memref<160x128xf32, #tpu.memory_space<vmem>>, %arg12: memref<160x128xf32, #tpu.memory_space<vmem>>, %arg13: memref<80x256xf32, #tpu.memory_space<vmem>>, %arg14: memref<80x256xf32, #tpu.memory_space<vmem>>, %arg15: memref<16x128xf32, #tpu.memory_space<vmem>>, %arg16: memref<16x128xf32, #tpu.memory_space<vmem>>, %arg17: memref<!tpu.dma_semaphore, #tpu.memory_space<semaphore_mem>>, %arg18: memref<!tpu.dma_semaphore, #tpu.memory_space<semaphore_mem>>, %arg19: memref<!tpu.dma_semaphore, #tpu.memory_space<semaphore_mem>>, %arg20: memref<!tpu.dma_semaphore, #tpu.memory_space<semaphore_mem>>) attributes {dimension_semantics = [#tpu.dimension_semantics<core_parallel>, #tpu.dimension_semantics<subcore_parallel>], iteration_bounds = array<i64: 2, 16>, scalar_prefetch = 0 : i64, scratch_operands = 11 : i64, tpu.core_type = #tpu.core_type<sc_vector_subcore>, window_params = [{transform_indices = #map}, {transform_indices = #map}, {transform_indices = #map1}, {transform_indices = #map1}, {transform_indices = #map1}, {transform_indices = #map}, {transform_indices = #map}, {transform_indices = #map}]} {
    %mul3A = arith.constant 2 : i32
    %mul3A_0 = arith.muli %arg1, %mul3A : i32
    %add3A = arith.addi %mul3A_0, %arg0 : i32
    %mul3A_1 = arith.constant 8000 : i32
    %mul3A_2 = arith.muli %add3A, %mul3A_1 : i32
    "tpu.region"() ({
      %run_scoped3A = tpu.sem_alloc : memref<!tpu.dma_semaphore, #tpu.memory_space<semaphore_mem>>
      %dma_start3A_280 = tpu.memref_slice %arg6[%mul3A_2] : memref<256000xi32, #tpu.memory_space<hbm>> -> memref<8000xi32, #tpu.memory_space<hbm>>
      %dma_start3A_281 = tpu.memref_slice %arg6[%mul3A_2] : memref<256000xi32, #tpu.memory_space<hbm>> -> memref<8000xi32, #tpu.memory_space<hbm>>
      tpu.enqueue_dma source(%dma_start3A_281 : memref<8000xi32, #tpu.memory_space<hbm>>) target(%arg10 : memref<8000xi32, #tpu.memory_space<vmem>>) target_semaphore(%run_scoped3A : memref<!tpu.dma_semaphore, #tpu.memory_space<semaphore_mem>>)
      %dma_wait3A_282 = tpu.memref_slice %arg6[%mul3A_2] : memref<256000xi32, #tpu.memory_space<hbm>> -> memref<8000xi32, #tpu.memory_space<hbm>>
      %dma_wait3A_283 = tpu.memref_slice %arg6[%mul3A_2] : memref<256000xi32, #tpu.memory_space<hbm>> -> memref<8000xi32, #tpu.memory_space<hbm>>
      tpu.wait_dma2 semaphore(%run_scoped3A : memref<!tpu.dma_semaphore, #tpu.memory_space<semaphore_mem>>) src(%dma_wait3A_283 : memref<8000xi32, #tpu.memory_space<hbm>>) dst(%arg10 : memref<8000xi32, #tpu.memory_space<vmem>>)
      tpu.yield
    }) : () -> ()
    %dma_start3A = arith.constant 0 : i32
    %dma_start3A_3 = arith.constant 0 : i32
    %dma_start3A_4 = tpu.memref_slice %arg11[%dma_start3A, %dma_start3A_3] : memref<160x128xf32, #tpu.memory_space<vmem>> -> memref<128x128xf32, #tpu.memory_space<vmem>>
    %dma_start3A_5 = arith.constant 0 : i32
    %dma_start3A_6 = tpu.memref_slice %arg10[%dma_start3A_5] : memref<8000xi32, #tpu.memory_space<vmem>> -> memref<128xi32, #tpu.memory_space<vmem>>
    %dma_start3A_7 = arith.constant 0 : i32
    %dma_start3A_8 = arith.constant 0 : i32
    %dma_start3A_9 = tpu.memref_slice %arg3[%dma_start3A_7, %dma_start3A_8] : memref<100000x128xf32, #tpu.memory_space<hbm>> -> memref<100000x128xf32, #tpu.memory_space<hbm>>
    tpu.enqueue_indirect_dma source(%dma_start3A_9 : memref<100000x128xf32, #tpu.memory_space<hbm>>) target(%dma_start3A_4 : memref<128x128xf32, #tpu.memory_space<vmem>>) offsets(%dma_start3A_6 : memref<128xi32, #tpu.memory_space<vmem>>) semaphore(%arg17 : memref<!tpu.dma_semaphore, #tpu.memory_space<semaphore_mem>>)
    %dma_start3A_10 = arith.constant 128 : i32
    %dma_start3A_11 = arith.constant 0 : i32
    %dma_start3A_12 = tpu.memref_slice %arg11[%dma_start3A_10, %dma_start3A_11] : memref<160x128xf32, #tpu.memory_space<vmem>> -> memref<32x128xf32, #tpu.memory_space<vmem>>
    %dma_start3A_13 = arith.constant 128 : i32
    %dma_start3A_14 = tpu.memref_slice %arg10[%dma_start3A_13] : memref<8000xi32, #tpu.memory_space<vmem>> -> memref<32xi32, #tpu.memory_space<vmem>>
    %dma_start3A_15 = arith.constant 0 : i32
    %dma_start3A_16 = arith.constant 0 : i32
    %dma_start3A_17 = tpu.memref_slice %arg3[%dma_start3A_15, %dma_start3A_16] : memref<100000x128xf32, #tpu.memory_space<hbm>> -> memref<100000x128xf32, #tpu.memory_space<hbm>>
    tpu.enqueue_indirect_dma source(%dma_start3A_17 : memref<100000x128xf32, #tpu.memory_space<hbm>>) target(%dma_start3A_12 : memref<32x128xf32, #tpu.memory_space<vmem>>) offsets(%dma_start3A_14 : memref<32xi32, #tpu.memory_space<vmem>>) semaphore(%arg17 : memref<!tpu.dma_semaphore, #tpu.memory_space<semaphore_mem>>)
    %scan3A = arith.constant 0 : i32
    %scan3A_18 = arith.constant 0 : i32
    %scan3A_19 = arith.constant 25 : i32
    %scan3A_20 = arith.addi %scan3A_18, %scan3A_19 : i32
    %scan3A_21 = arith.constant 1 : i32
    scf.for %scan3A_280 = %scan3A_18 to %scan3A_20 step %scan3A_21  : i32 {
      %mul3A_281 = arith.constant 2 : i32
      %mul3A_282 = arith.muli %mul3A_281, %scan3A_280 : i32
      %add3A_283 = arith.constant 1 : i32
      %add3A_284 = arith.addi %mul3A_282, %add3A_283 : i32
      %mul3A_285 = arith.constant 160 : i32
      %mul3A_286 = arith.muli %add3A_284, %mul3A_285 : i32
      %dma_start3A_287 = arith.constant 0 : i32
      %dma_start3A_288 = arith.constant 0 : i32
      %dma_start3A_289 = tpu.memref_slice %arg12[%dma_start3A_287, %dma_start3A_288] : memref<160x128xf32, #tpu.memory_space<vmem>> -> memref<128x128xf32, #tpu.memory_space<vmem>>
      %dma_start3A_290 = tpu.memref_slice %arg10[%mul3A_286] : memref<8000xi32, #tpu.memory_space<vmem>> -> memref<128xi32, #tpu.memory_space<vmem>>
      %dma_start3A_291 = arith.constant 0 : i32
      %dma_start3A_292 = arith.constant 0 : i32
      %dma_start3A_293 = tpu.memref_slice %arg3[%dma_start3A_291, %dma_start3A_292] : memref<100000x128xf32, #tpu.memory_space<hbm>> -> memref<100000x128xf32, #tpu.memory_space<hbm>>
      tpu.enqueue_indirect_dma source(%dma_start3A_293 : memref<100000x128xf32, #tpu.memory_space<hbm>>) target(%dma_start3A_289 : memref<128x128xf32, #tpu.memory_space<vmem>>) offsets(%dma_start3A_290 : memref<128xi32, #tpu.memory_space<vmem>>) semaphore(%arg18 : memref<!tpu.dma_semaphore, #tpu.memory_space<semaphore_mem>>)
      %add3A_294 = arith.constant 128 : i32
      %add3A_295 = arith.addi %mul3A_286, %add3A_294 : i32
      %dma_start3A_296 = arith.constant 128 : i32
      %dma_start3A_297 = arith.constant 0 : i32
      %dma_start3A_298 = tpu.memref_slice %arg12[%dma_start3A_296, %dma_start3A_297] : memref<160x128xf32, #tpu.memory_space<vmem>> -> memref<32x128xf32, #tpu.memory_space<vmem>>
      %dma_start3A_299 = tpu.memref_slice %arg10[%add3A_295] : memref<8000xi32, #tpu.memory_space<vmem>> -> memref<32xi32, #tpu.memory_space<vmem>>
      %dma_start3A_300 = arith.constant 0 : i32
      %dma_start3A_301 = arith.constant 0 : i32
      %dma_start3A_302 = tpu.memref_slice %arg3[%dma_start3A_300, %dma_start3A_301] : memref<100000x128xf32, #tpu.memory_space<hbm>> -> memref<100000x128xf32, #tpu.memory_space<hbm>>
      tpu.enqueue_indirect_dma source(%dma_start3A_302 : memref<100000x128xf32, #tpu.memory_space<hbm>>) target(%dma_start3A_298 : memref<32x128xf32, #tpu.memory_space<vmem>>) offsets(%dma_start3A_299 : memref<32xi32, #tpu.memory_space<vmem>>) semaphore(%arg18 : memref<!tpu.dma_semaphore, #tpu.memory_space<semaphore_mem>>)
      %mul3A_303 = arith.constant 160 : i32
      %mul3A_304 = arith.muli %mul3A_282, %mul3A_303 : i32
      %dma_wait3A_305 = arith.constant 0 : i32
      %dma_wait3A_306 = arith.constant 0 : i32
      %dma_wait3A_307 = tpu.memref_slice %arg11[%dma_wait3A_305, %dma_wait3A_306] : memref<160x128xf32, #tpu.memory_space<vmem>> -> memref<128x128xf32, #tpu.memory_space<vmem>>
      %dma_wait3A_308 = tpu.memref_slice %arg10[%mul3A_304] : memref<8000xi32, #tpu.memory_space<vmem>> -> memref<128xi32, #tpu.memory_space<vmem>>
      %dma_wait3A_309 = arith.constant 0 : i32
      %dma_wait3A_310 = arith.constant 0 : i32
      %dma_wait3A_311 = tpu.memref_slice %arg3[%dma_wait3A_309, %dma_wait3A_310] : memref<100000x128xf32, #tpu.memory_space<hbm>> -> memref<100000x128xf32, #tpu.memory_space<hbm>>
      tpu.wait_indirect_dma semaphore(%arg17 : memref<!tpu.dma_semaphore, #tpu.memory_space<semaphore_mem>>) src(%dma_wait3A_311 : memref<100000x128xf32, #tpu.memory_space<hbm>>) dst(%dma_wait3A_307 : memref<128x128xf32, #tpu.memory_space<vmem>>)
      %add3A_312 = arith.constant 128 : i32
      %add3A_313 = arith.addi %mul3A_304, %add3A_312 : i32
      %dma_wait3A_314 = arith.constant 128 : i32
      %dma_wait3A_315 = arith.constant 0 : i32
      %dma_wait3A_316 = tpu.memref_slice %arg11[%dma_wait3A_314, %dma_wait3A_315] : memref<160x128xf32, #tpu.memory_space<vmem>> -> memref<32x128xf32, #tpu.memory_space<vmem>>
      %dma_wait3A_317 = tpu.memref_slice %arg10[%add3A_313] : memref<8000xi32, #tpu.memory_space<vmem>> -> memref<32xi32, #tpu.memory_space<vmem>>
      %dma_wait3A_318 = arith.constant 0 : i32
      %dma_wait3A_319 = arith.constant 0 : i32
      %dma_wait3A_320 = tpu.memref_slice %arg3[%dma_wait3A_318, %dma_wait3A_319] : memref<100000x128xf32, #tpu.memory_space<hbm>> -> memref<100000x128xf32, #tpu.memory_space<hbm>>
      tpu.wait_indirect_dma semaphore(%arg17 : memref<!tpu.dma_semaphore, #tpu.memory_space<semaphore_mem>>) src(%dma_wait3A_320 : memref<100000x128xf32, #tpu.memory_space<hbm>>) dst(%dma_wait3A_316 : memref<32x128xf32, #tpu.memory_space<vmem>>)
      %gt3A = arith.constant 0 : i32
      %gt3A_321 = arith.cmpi sgt, %scan3A_280, %gt3A : i32
      %convert_element_type3A = arith.extui %gt3A_321 : i1 to i32
      %cond3A = arith.constant 0 : i32
      %cond3A_322 = arith.cmpi ne, %convert_element_type3A, %cond3A : i32
      scf.if %cond3A_322 {
        %sub3A = arith.constant 2 : i32
        %sub3A_384 = arith.subi %mul3A_282, %sub3A : i32
        %mul3A_385 = arith.constant 800 : i32
        %mul3A_386 = arith.muli %add3A, %mul3A_385 : i32
        %mul3A_387 = arith.constant 16 : i32
        %mul3A_388 = arith.muli %sub3A_384, %mul3A_387 : i32
        %add3A_389 = arith.addi %mul3A_386, %mul3A_388 : i32
        %dma_wait3A_390 = arith.constant 0 : i32
        %dma_wait3A_391 = tpu.memref_slice %arg9[%add3A_389, %dma_wait3A_390] : memref<25600x128xf32, #tpu.memory_space<hbm>> -> memref<16x128xf32, #tpu.memory_space<hbm>>
        %dma_wait3A_392 = arith.constant 0 : i32
        %dma_wait3A_393 = tpu.memref_slice %arg9[%add3A_389, %dma_wait3A_392] : memref<25600x128xf32, #tpu.memory_space<hbm>> -> memref<16x128xf32, #tpu.memory_space<hbm>>
        tpu.wait_dma2 semaphore(%arg19 : memref<!tpu.dma_semaphore, #tpu.memory_space<semaphore_mem>>) src(%arg15 : memref<16x128xf32, #tpu.memory_space<vmem>>) dst(%dma_wait3A_393 : memref<16x128xf32, #tpu.memory_space<hbm>>)
      } else {
      }
      %scan3A_323 = arith.constant 0 : i32
      %scan3A_324 = arith.constant 0 : i32
      %scan3A_325 = arith.constant 16 : i32
      %scan3A_326 = arith.addi %scan3A_324, %scan3A_325 : i32
      %scan3A_327 = arith.constant 1 : i32
      scf.for %scan3A_384 = %scan3A_324 to %scan3A_326 step %scan3A_327  : i32 {
        %mul3A_385 = arith.constant 10 : i32
        %mul3A_386 = arith.muli %scan3A_384, %mul3A_385 : i32
        %get3A = arith.index_cast %mul3A_386 : i32 to index
        %get3A_387 = arith.constant 0 : index
        %get3A_388 = tpu.vector_load %arg11[%get3A, %get3A_387] {strides = array<i32>} : memref<160x128xf32, #tpu.memory_space<vmem>>, vector<1x16xf32>,
        %get3A_389 = vector.shape_cast %get3A_388 : vector<1x16xf32> to vector<16xf32>
        %add3A_390 = arith.constant 1 : i32
        %add3A_391 = arith.addi %mul3A_386, %add3A_390 : i32
        %get3A_392 = arith.index_cast %add3A_391 : i32 to index
        %get3A_393 = arith.constant 0 : index
        %get3A_394 = tpu.vector_load %arg11[%get3A_392, %get3A_393] {strides = array<i32>} : memref<160x128xf32, #tpu.memory_space<vmem>>, vector<1x16xf32>,
        %get3A_395 = vector.shape_cast %get3A_394 : vector<1x16xf32> to vector<16xf32>
        %add3A_396 = arith.addf %get3A_389, %get3A_395 : vector<16xf32>
        %add3A_397 = arith.constant 2 : i32
        %add3A_398 = arith.addi %mul3A_386, %add3A_397 : i32
        %get3A_399 = arith.index_cast %add3A_398 : i32 to index
        %get3A_400 = arith.constant 0 : index
        %get3A_401 = tpu.vector_load %arg11[%get3A_399, %get3A_400] {strides = array<i32>} : memref<160x128xf32, #tpu.memory_space<vmem>>, vector<1x16xf32>,
        %get3A_402 = vector.shape_cast %get3A_401 : vector<1x16xf32> to vector<16xf32>
        %add3A_403 = arith.addf %add3A_396, %get3A_402 : vector<16xf32>
        %add3A_404 = arith.constant 3 : i32
        %add3A_405 = arith.addi %mul3A_386, %add3A_404 : i32
        %get3A_406 = arith.index_cast %add3A_405 : i32 to index
        %get3A_407 = arith.constant 0 : index
        %get3A_408 = tpu.vector_load %arg11[%get3A_406, %get3A_407] {strides = array<i32>} : memref<160x128xf32, #tpu.memory_space<vmem>>, vector<1x16xf32>,
        %get3A_409 = vector.shape_cast %get3A_408 : vector<1x16xf32> to vector<16xf32>
        %add3A_410 = arith.addf %add3A_403, %get3A_409 : vector<16xf32>
        %add3A_411 = arith.constant 4 : i32
        %add3A_412 = arith.addi %mul3A_386, %add3A_411 : i32
        %get3A_413 = arith.index_cast %add3A_412 : i32 to index
        %get3A_414 = arith.constant 0 : index
        %get3A_415 = tpu.vector_load %arg11[%get3A_413, %get3A_414] {strides = array<i32>} : memref<160x128xf32, #tpu.memory_space<vmem>>, vector<1x16xf32>,
        %get3A_416 = vector.shape_cast %get3A_415 : vector<1x16xf32> to vector<16xf32>
        %add3A_417 = arith.addf %add3A_410, %get3A_416 : vector<16xf32>
        %add3A_418 = arith.constant 5 : i32
        %add3A_419 = arith.addi %mul3A_386, %add3A_418 : i32
        %get3A_420 = arith.index_cast %add3A_419 : i32 to index
        %get3A_421 = arith.constant 0 : index
        %get3A_422 = tpu.vector_load %arg11[%get3A_420, %get3A_421] {strides = array<i32>} : memref<160x128xf32, #tpu.memory_space<vmem>>, vector<1x16xf32>,
        %get3A_423 = vector.shape_cast %get3A_422 : vector<1x16xf32> to vector<16xf32>
        %add3A_424 = arith.addf %add3A_417, %get3A_423 : vector<16xf32>
        %add3A_425 = arith.constant 6 : i32
        %add3A_426 = arith.addi %mul3A_386, %add3A_425 : i32
        %get3A_427 = arith.index_cast %add3A_426 : i32 to index
        %get3A_428 = arith.constant 0 : index
        %get3A_429 = tpu.vector_load %arg11[%get3A_427, %get3A_428] {strides = array<i32>} : memref<160x128xf32, #tpu.memory_space<vmem>>, vector<1x16xf32>,
        %get3A_430 = vector.shape_cast %get3A_429 : vector<1x16xf32> to vector<16xf32>
        %add3A_431 = arith.addf %add3A_424, %get3A_430 : vector<16xf32>
        %add3A_432 = arith.constant 7 : i32
        %add3A_433 = arith.addi %mul3A_386, %add3A_432 : i32
        %get3A_434 = arith.index_cast %add3A_433 : i32 to index
        %get3A_435 = arith.constant 0 : index
        %get3A_436 = tpu.vector_load %arg11[%get3A_434, %get3A_435] {strides = array<i32>} : memref<160x128xf32, #tpu.memory_space<vmem>>, vector<1x16xf32>,
        %get3A_437 = vector.shape_cast %get3A_436 : vector<1x16xf32> to vector<16xf32>
        %add3A_438 = arith.addf %add3A_431, %get3A_437 : vector<16xf32>
        %add3A_439 = arith.constant 8 : i32
        %add3A_440 = arith.addi %mul3A_386, %add3A_439 : i32
        %get3A_441 = arith.index_cast %add3A_440 : i32 to index
        %get3A_442 = arith.constant 0 : index
        %get3A_443 = tpu.vector_load %arg11[%get3A_441, %get3A_442] {strides = array<i32>} : memref<160x128xf32, #tpu.memory_space<vmem>>, vector<1x16xf32>,
        %get3A_444 = vector.shape_cast %get3A_443 : vector<1x16xf32> to vector<16xf32>
        %add3A_445 = arith.addf %add3A_438, %get3A_444 : vector<16xf32>
        %add3A_446 = arith.constant 9 : i32
        %add3A_447 = arith.addi %mul3A_386, %add3A_446 : i32
        %get3A_448 = arith.index_cast %add3A_447 : i32 to index
        %get3A_449 = arith.constant 0 : index
        %get3A_450 = tpu.vector_load %arg11[%get3A_448, %get3A_449] {strides = array<i32>} : memref<160x128xf32, #tpu.memory_space<vmem>>, vector<1x16xf32>,
        %get3A_451 = vector.shape_cast %get3A_450 : vector<1x16xf32> to vector<16xf32>
        %add3A_452 = arith.addf %add3A_445, %get3A_451 : vector<16xf32>
        %swap3A = arith.index_cast %scan3A_384 : i32 to index
        %swap3A_453 = arith.constant 0 : index
        %swap3A_454 = tpu.vector_load %arg15[%swap3A, %swap3A_453] {strides = array<i32>} : memref<16x128xf32, #tpu.memory_space<vmem>>, vector<1x16xf32>,
        %swap3A_455 = vector.shape_cast %swap3A_454 : vector<1x16xf32> to vector<16xf32>
        %swap3A_456 = vector.shape_cast %add3A_452 : vector<16xf32> to vector<1x16xf32>
        tpu.vector_store %arg15[%swap3A, %swap3A_453], %swap3A_456 {strides = array<i32>} : memref<16x128xf32, #tpu.memory_space<vmem>>, vector<1x16xf32>,
        %get3A_457 = arith.index_cast %mul3A_386 : i32 to index
        %get3A_458 = arith.constant 16 : index
        %get3A_459 = tpu.vector_load %arg11[%get3A_457, %get3A_458] {strides = array<i32>} : memref<160x128xf32, #tpu.memory_space<vmem>>, vector<1x16xf32>,
        %get3A_460 = vector.shape_cast %get3A_459 : vector<1x16xf32> to vector<16xf32>
        %add3A_461 = arith.constant 1 : i32
        %add3A_462 = arith.addi %mul3A_386, %add3A_461 : i32
        %get3A_463 = arith.index_cast %add3A_462 : i32 to index
        %get3A_464 = arith.constant 16 : index
        %get3A_465 = tpu.vector_load %arg11[%get3A_463, %get3A_464] {strides = array<i32>} : memref<160x128xf32, #tpu.memory_space<vmem>>, vector<1x16xf32>,
        %get3A_466 = vector.shape_cast %get3A_465 : vector<1x16xf32> to vector<16xf32>
        %add3A_467 = arith.addf %get3A_460, %get3A_466 : vector<16xf32>
        %add3A_468 = arith.constant 2 : i32
        %add3A_469 = arith.addi %mul3A_386, %add3A_468 : i32
        %get3A_470 = arith.index_cast %add3A_469 : i32 to index
        %get3A_471 = arith.constant 16 : index
        %get3A_472 = tpu.vector_load %arg11[%get3A_470, %get3A_471] {strides = array<i32>} : memref<160x128xf32, #tpu.memory_space<vmem>>, vector<1x16xf32>,
        %get3A_473 = vector.shape_cast %get3A_472 : vector<1x16xf32> to vector<16xf32>
        %add3A_474 = arith.addf %add3A_467, %get3A_473 : vector<16xf32>
        %add3A_475 = arith.constant 3 : i32
        %add3A_476 = arith.addi %mul3A_386, %add3A_475 : i32
        %get3A_477 = arith.index_cast %add3A_476 : i32 to index
        %get3A_478 = arith.constant 16 : index
        %get3A_479 = tpu.vector_load %arg11[%get3A_477, %get3A_478] {strides = array<i32>} : memref<160x128xf32, #tpu.memory_space<vmem>>, vector<1x16xf32>,
        %get3A_480 = vector.shape_cast %get3A_479 : vector<1x16xf32> to vector<16xf32>
        %add3A_481 = arith.addf %add3A_474, %get3A_480 : vector<16xf32>
        %add3A_482 = arith.constant 4 : i32
        %add3A_483 = arith.addi %mul3A_386, %add3A_482 : i32
        %get3A_484 = arith.index_cast %add3A_483 : i32 to index
        %get3A_485 = arith.constant 16 : index
        %get3A_486 = tpu.vector_load %arg11[%get3A_484, %get3A_485] {strides = array<i32>} : memref<160x128xf32, #tpu.memory_space<vmem>>, vector<1x16xf32>,
        %get3A_487 = vector.shape_cast %get3A_486 : vector<1x16xf32> to vector<16xf32>
        %add3A_488 = arith.addf %add3A_481, %get3A_487 : vector<16xf32>
        %add3A_489 = arith.constant 5 : i32
        %add3A_490 = arith.addi %mul3A_386, %add3A_489 : i32
        %get3A_491 = arith.index_cast %add3A_490 : i32 to index
        %get3A_492 = arith.constant 16 : index
        %get3A_493 = tpu.vector_load %arg11[%get3A_491, %get3A_492] {strides = array<i32>} : memref<160x128xf32, #tpu.memory_space<vmem>>, vector<1x16xf32>,
        %get3A_494 = vector.shape_cast %get3A_493 : vector<1x16xf32> to vector<16xf32>
        %add3A_495 = arith.addf %add3A_488, %get3A_494 : vector<16xf32>
        %add3A_496 = arith.constant 6 : i32
        %add3A_497 = arith.addi %mul3A_386, %add3A_496 : i32
        %get3A_498 = arith.index_cast %add3A_497 : i32 to index
        %get3A_499 = arith.constant 16 : index
        %get3A_500 = tpu.vector_load %arg11[%get3A_498, %get3A_499] {strides = array<i32>} : memref<160x128xf32, #tpu.memory_space<vmem>>, vector<1x16xf32>,
        %get3A_501 = vector.shape_cast %get3A_500 : vector<1x16xf32> to vector<16xf32>
        %add3A_502 = arith.addf %add3A_495, %get3A_501 : vector<16xf32>
        %add3A_503 = arith.constant 7 : i32
        %add3A_504 = arith.addi %mul3A_386, %add3A_503 : i32
        %get3A_505 = arith.index_cast %add3A_504 : i32 to index
        %get3A_506 = arith.constant 16 : index
        %get3A_507 = tpu.vector_load %arg11[%get3A_505, %get3A_506] {strides = array<i32>} : memref<160x128xf32, #tpu.memory_space<vmem>>, vector<1x16xf32>,
        %get3A_508 = vector.shape_cast %get3A_507 : vector<1x16xf32> to vector<16xf32>
        %add3A_509 = arith.addf %add3A_502, %get3A_508 : vector<16xf32>
        %add3A_510 = arith.constant 8 : i32
        %add3A_511 = arith.addi %mul3A_386, %add3A_510 : i32
        %get3A_512 = arith.index_cast %add3A_511 : i32 to index
        %get3A_513 = arith.constant 16 : index
        %get3A_514 = tpu.vector_load %arg11[%get3A_512, %get3A_513] {strides = array<i32>} : memref<160x128xf32, #tpu.memory_space<vmem>>, vector<1x16xf32>,
        %get3A_515 = vector.shape_cast %get3A_514 : vector<1x16xf32> to vector<16xf32>
        %add3A_516 = arith.addf %add3A_509, %get3A_515 : vector<16xf32>
        %add3A_517 = arith.constant 9 : i32
        %add3A_518 = arith.addi %mul3A_386, %add3A_517 : i32
        %get3A_519 = arith.index_cast %add3A_518 : i32 to index
        %get3A_520 = arith.constant 16 : index
        %get3A_521 = tpu.vector_load %arg11[%get3A_519, %get3A_520] {strides = array<i32>} : memref<160x128xf32, #tpu.memory_space<vmem>>, vector<1x16xf32>,
        %get3A_522 = vector.shape_cast %get3A_521 : vector<1x16xf32> to vector<16xf32>
        %add3A_523 = arith.addf %add3A_516, %get3A_522 : vector<16xf32>
        %swap3A_524 = arith.index_cast %scan3A_384 : i32 to index
        %swap3A_525 = arith.constant 16 : index
        %swap3A_526 = tpu.vector_load %arg15[%swap3A_524, %swap3A_525] {strides = array<i32>} : memref<16x128xf32, #tpu.memory_space<vmem>>, vector<1x16xf32>,
        %swap3A_527 = vector.shape_cast %swap3A_526 : vector<1x16xf32> to vector<16xf32>
        %swap3A_528 = vector.shape_cast %add3A_523 : vector<16xf32> to vector<1x16xf32>
        tpu.vector_store %arg15[%swap3A_524, %swap3A_525], %swap3A_528 {strides = array<i32>} : memref<16x128xf32, #tpu.memory_space<vmem>>, vector<1x16xf32>,
        %get3A_529 = arith.index_cast %mul3A_386 : i32 to index
        %get3A_530 = arith.constant 32 : index
        %get3A_531 = tpu.vector_load %arg11[%get3A_529, %get3A_530] {strides = array<i32>} : memref<160x128xf32, #tpu.memory_space<vmem>>, vector<1x16xf32>,
        %get3A_532 = vector.shape_cast %get3A_531 : vector<1x16xf32> to vector<16xf32>
        %add3A_533 = arith.constant 1 : i32
        %add3A_534 = arith.addi %mul3A_386, %add3A_533 : i32
        %get3A_535 = arith.index_cast %add3A_534 : i32 to index
        %get3A_536 = arith.constant 32 : index
        %get3A_537 = tpu.vector_load %arg11[%get3A_535, %get3A_536] {strides = array<i32>} : memref<160x128xf32, #tpu.memory_space<vmem>>, vector<1x16xf32>,
        %get3A_538 = vector.shape_cast %get3A_537 : vector<1x16xf32> to vector<16xf32>
        %add3A_539 = arith.addf %get3A_532, %get3A_538 : vector<16xf32>
        %add3A_540 = arith.constant 2 : i32
        %add3A_541 = arith.addi %mul3A_386, %add3A_540 : i32
        %get3A_542 = arith.index_cast %add3A_541 : i32 to index
        %get3A_543 = arith.constant 32 : index
        %get3A_544 = tpu.vector_load %arg11[%get3A_542, %get3A_543] {strides = array<i32>} : memref<160x128xf32, #tpu.memory_space<vmem>>, vector<1x16xf32>,
        %get3A_545 = vector.shape_cast %get3A_544 : vector<1x16xf32> to vector<16xf32>
        %add3A_546 = arith.addf %add3A_539, %get3A_545 : vector<16xf32>
        %add3A_547 = arith.constant 3 : i32
        %add3A_548 = arith.addi %mul3A_386, %add3A_547 : i32
        %get3A_549 = arith.index_cast %add3A_548 : i32 to index
        %get3A_550 = arith.constant 32 : index
        %get3A_551 = tpu.vector_load %arg11[%get3A_549, %get3A_550] {strides = array<i32>} : memref<160x128xf32, #tpu.memory_space<vmem>>, vector<1x16xf32>,
        %get3A_552 = vector.shape_cast %get3A_551 : vector<1x16xf32> to vector<16xf32>
        %add3A_553 = arith.addf %add3A_546, %get3A_552 : vector<16xf32>
        %add3A_554 = arith.constant 4 : i32
        %add3A_555 = arith.addi %mul3A_386, %add3A_554 : i32
        %get3A_556 = arith.index_cast %add3A_555 : i32 to index
        %get3A_557 = arith.constant 32 : index
        %get3A_558 = tpu.vector_load %arg11[%get3A_556, %get3A_557] {strides = array<i32>} : memref<160x128xf32, #tpu.memory_space<vmem>>, vector<1x16xf32>,
        %get3A_559 = vector.shape_cast %get3A_558 : vector<1x16xf32> to vector<16xf32>
        %add3A_560 = arith.addf %add3A_553, %get3A_559 : vector<16xf32>
        %add3A_561 = arith.constant 5 : i32
        %add3A_562 = arith.addi %mul3A_386, %add3A_561 : i32
        %get3A_563 = arith.index_cast %add3A_562 : i32 to index
        %get3A_564 = arith.constant 32 : index
        %get3A_565 = tpu.vector_load %arg11[%get3A_563, %get3A_564] {strides = array<i32>} : memref<160x128xf32, #tpu.memory_space<vmem>>, vector<1x16xf32>,
        %get3A_566 = vector.shape_cast %get3A_565 : vector<1x16xf32> to vector<16xf32>
        %add3A_567 = arith.addf %add3A_560, %get3A_566 : vector<16xf32>
        %add3A_568 = arith.constant 6 : i32
        %add3A_569 = arith.addi %mul3A_386, %add3A_568 : i32
        %get3A_570 = arith.index_cast %add3A_569 : i32 to index
        %get3A_571 = arith.constant 32 : index
        %get3A_572 = tpu.vector_load %arg11[%get3A_570, %get3A_571] {strides = array<i32>} : memref<160x128xf32, #tpu.memory_space<vmem>>, vector<1x16xf32>,
        %get3A_573 = vector.shape_cast %get3A_572 : vector<1x16xf32> to vector<16xf32>
        %add3A_574 = arith.addf %add3A_567, %get3A_573 : vector<16xf32>
        %add3A_575 = arith.constant 7 : i32
        %add3A_576 = arith.addi %mul3A_386, %add3A_575 : i32
        %get3A_577 = arith.index_cast %add3A_576 : i32 to index
        %get3A_578 = arith.constant 32 : index
        %get3A_579 = tpu.vector_load %arg11[%get3A_577, %get3A_578] {strides = array<i32>} : memref<160x128xf32, #tpu.memory_space<vmem>>, vector<1x16xf32>,
        %get3A_580 = vector.shape_cast %get3A_579 : vector<1x16xf32> to vector<16xf32>
        %add3A_581 = arith.addf %add3A_574, %get3A_580 : vector<16xf32>
        %add3A_582 = arith.constant 8 : i32
        %add3A_583 = arith.addi %mul3A_386, %add3A_582 : i32
        %get3A_584 = arith.index_cast %add3A_583 : i32 to index
        %get3A_585 = arith.constant 32 : index
        %get3A_586 = tpu.vector_load %arg11[%get3A_584, %get3A_585] {strides = array<i32>} : memref<160x128xf32, #tpu.memory_space<vmem>>, vector<1x16xf32>,
        %get3A_587 = vector.shape_cast %get3A_586 : vector<1x16xf32> to vector<16xf32>
        %add3A_588 = arith.addf %add3A_581, %get3A_587 : vector<16xf32>
        %add3A_589 = arith.constant 9 : i32
        %add3A_590 = arith.addi %mul3A_386, %add3A_589 : i32
        %get3A_591 = arith.index_cast %add3A_590 : i32 to index
        %get3A_592 = arith.constant 32 : index
        %get3A_593 = tpu.vector_load %arg11[%get3A_591, %get3A_592] {strides = array<i32>} : memref<160x128xf32, #tpu.memory_space<vmem>>, vector<1x16xf32>,
        %get3A_594 = vector.shape_cast %get3A_593 : vector<1x16xf32> to vector<16xf32>
        %add3A_595 = arith.addf %add3A_588, %get3A_594 : vector<16xf32>
        %swap3A_596 = arith.index_cast %scan3A_384 : i32 to index
        %swap3A_597 = arith.constant 32 : index
        %swap3A_598 = tpu.vector_load %arg15[%swap3A_596, %swap3A_597] {strides = array<i32>} : memref<16x128xf32, #tpu.memory_space<vmem>>, vector<1x16xf32>,
        %swap3A_599 = vector.shape_cast %swap3A_598 : vector<1x16xf32> to vector<16xf32>
        %swap3A_600 = vector.shape_cast %add3A_595 : vector<16xf32> to vector<1x16xf32>
        tpu.vector_store %arg15[%swap3A_596, %swap3A_597], %swap3A_600 {strides = array<i32>} : memref<16x128xf32, #tpu.memory_space<vmem>>, vector<1x16xf32>,
        %get3A_601 = arith.index_cast %mul3A_386 : i32 to index
        %get3A_602 = arith.constant 48 : index
        %get3A_603 = tpu.vector_load %arg11[%get3A_601, %get3A_602] {strides = array<i32>} : memref<160x128xf32, #tpu.memory_space<vmem>>, vector<1x16xf32>,
        %get3A_604 = vector.shape_cast %get3A_603 : vector<1x16xf32> to vector<16xf32>
        %add3A_605 = arith.constant 1 : i32
        %add3A_606 = arith.addi %mul3A_386, %add3A_605 : i32
        %get3A_607 = arith.index_cast %add3A_606 : i32 to index
        %get3A_608 = arith.constant 48 : index
        %get3A_609 = tpu.vector_load %arg11[%get3A_607, %get3A_608] {strides = array<i32>} : memref<160x128xf32, #tpu.memory_space<vmem>>, vector<1x16xf32>,
        %get3A_610 = vector.shape_cast %get3A_609 : vector<1x16xf32> to vector<16xf32>
        %add3A_611 = arith.addf %get3A_604, %get3A_610 : vector<16xf32>
        %add3A_612 = arith.constant 2 : i32
        %add3A_613 = arith.addi %mul3A_386, %add3A_612 : i32
        %get3A_614 = arith.index_cast %add3A_613 : i32 to index
        %get3A_615 = arith.constant 48 : index
        %get3A_616 = tpu.vector_load %arg11[%get3A_614, %get3A_615] {strides = array<i32>} : memref<160x128xf32, #tpu.memory_space<vmem>>, vector<1x16xf32>,
        %get3A_617 = vector.shape_cast %get3A_616 : vector<1x16xf32> to vector<16xf32>
        %add3A_618 = arith.addf %add3A_611, %get3A_617 : vector<16xf32>
        %add3A_619 = arith.constant 3 : i32
        %add3A_620 = arith.addi %mul3A_386, %add3A_619 : i32
        %get3A_621 = arith.index_cast %add3A_620 : i32 to index
        %get3A_622 = arith.constant 48 : index
        %get3A_623 = tpu.vector_load %arg11[%get3A_621, %get3A_622] {strides = array<i32>} : memref<160x128xf32, #tpu.memory_space<vmem>>, vector<1x16xf32>,
        %get3A_624 = vector.shape_cast %get3A_623 : vector<1x16xf32> to vector<16xf32>
        %add3A_625 = arith.addf %add3A_618, %get3A_624 : vector<16xf32>
        %add3A_626 = arith.constant 4 : i32
        %add3A_627 = arith.addi %mul3A_386, %add3A_626 : i32
        %get3A_628 = arith.index_cast %add3A_627 : i32 to index
        %get3A_629 = arith.constant 48 : index
        %get3A_630 = tpu.vector_load %arg11[%get3A_628, %get3A_629] {strides = array<i32>} : memref<160x128xf32, #tpu.memory_space<vmem>>, vector<1x16xf32>,
        %get3A_631 = vector.shape_cast %get3A_630 : vector<1x16xf32> to vector<16xf32>
        %add3A_632 = arith.addf %add3A_625, %get3A_631 : vector<16xf32>
        %add3A_633 = arith.constant 5 : i32
        %add3A_634 = arith.addi %mul3A_386, %add3A_633 : i32
        %get3A_635 = arith.index_cast %add3A_634 : i32 to index
        %get3A_636 = arith.constant 48 : index
        %get3A_637 = tpu.vector_load %arg11[%get3A_635, %get3A_636] {strides = array<i32>} : memref<160x128xf32, #tpu.memory_space<vmem>>, vector<1x16xf32>,
        %get3A_638 = vector.shape_cast %get3A_637 : vector<1x16xf32> to vector<16xf32>
        %add3A_639 = arith.addf %add3A_632, %get3A_638 : vector<16xf32>
        %add3A_640 = arith.constant 6 : i32
        %add3A_641 = arith.addi %mul3A_386, %add3A_640 : i32
        %get3A_642 = arith.index_cast %add3A_641 : i32 to index
        %get3A_643 = arith.constant 48 : index
        %get3A_644 = tpu.vector_load %arg11[%get3A_642, %get3A_643] {strides = array<i32>} : memref<160x128xf32, #tpu.memory_space<vmem>>, vector<1x16xf32>,
        %get3A_645 = vector.shape_cast %get3A_644 : vector<1x16xf32> to vector<16xf32>
        %add3A_646 = arith.addf %add3A_639, %get3A_645 : vector<16xf32>
        %add3A_647 = arith.constant 7 : i32
        %add3A_648 = arith.addi %mul3A_386, %add3A_647 : i32
        %get3A_649 = arith.index_cast %add3A_648 : i32 to index
        %get3A_650 = arith.constant 48 : index
        %get3A_651 = tpu.vector_load %arg11[%get3A_649, %get3A_650] {strides = array<i32>} : memref<160x128xf32, #tpu.memory_space<vmem>>, vector<1x16xf32>,
        %get3A_652 = vector.shape_cast %get3A_651 : vector<1x16xf32> to vector<16xf32>
        %add3A_653 = arith.addf %add3A_646, %get3A_652 : vector<16xf32>
        %add3A_654 = arith.constant 8 : i32
        %add3A_655 = arith.addi %mul3A_386, %add3A_654 : i32
        %get3A_656 = arith.index_cast %add3A_655 : i32 to index
        %get3A_657 = arith.constant 48 : index
        %get3A_658 = tpu.vector_load %arg11[%get3A_656, %get3A_657] {strides = array<i32>} : memref<160x128xf32, #tpu.memory_space<vmem>>, vector<1x16xf32>,
        %get3A_659 = vector.shape_cast %get3A_658 : vector<1x16xf32> to vector<16xf32>
        %add3A_660 = arith.addf %add3A_653, %get3A_659 : vector<16xf32>
        %add3A_661 = arith.constant 9 : i32
        %add3A_662 = arith.addi %mul3A_386, %add3A_661 : i32
        %get3A_663 = arith.index_cast %add3A_662 : i32 to index
        %get3A_664 = arith.constant 48 : index
        %get3A_665 = tpu.vector_load %arg11[%get3A_663, %get3A_664] {strides = array<i32>} : memref<160x128xf32, #tpu.memory_space<vmem>>, vector<1x16xf32>,
        %get3A_666 = vector.shape_cast %get3A_665 : vector<1x16xf32> to vector<16xf32>
        %add3A_667 = arith.addf %add3A_660, %get3A_666 : vector<16xf32>
        %swap3A_668 = arith.index_cast %scan3A_384 : i32 to index
        %swap3A_669 = arith.constant 48 : index
        %swap3A_670 = tpu.vector_load %arg15[%swap3A_668, %swap3A_669] {strides = array<i32>} : memref<16x128xf32, #tpu.memory_space<vmem>>, vector<1x16xf32>,
        %swap3A_671 = vector.shape_cast %swap3A_670 : vector<1x16xf32> to vector<16xf32>
        %swap3A_672 = vector.shape_cast %add3A_667 : vector<16xf32> to vector<1x16xf32>
        tpu.vector_store %arg15[%swap3A_668, %swap3A_669], %swap3A_672 {strides = array<i32>} : memref<16x128xf32, #tpu.memory_space<vmem>>, vector<1x16xf32>,
        %get3A_673 = arith.index_cast %mul3A_386 : i32 to index
        %get3A_674 = arith.constant 64 : index
        %get3A_675 = tpu.vector_load %arg11[%get3A_673, %get3A_674] {strides = array<i32>} : memref<160x128xf32, #tpu.memory_space<vmem>>, vector<1x16xf32>,
        %get3A_676 = vector.shape_cast %get3A_675 : vector<1x16xf32> to vector<16xf32>
        %add3A_677 = arith.constant 1 : i32
        %add3A_678 = arith.addi %mul3A_386, %add3A_677 : i32
        %get3A_679 = arith.index_cast %add3A_678 : i32 to index
        %get3A_680 = arith.constant 64 : index
        %get3A_681 = tpu.vector_load %arg11[%get3A_679, %get3A_680] {strides = array<i32>} : memref<160x128xf32, #tpu.memory_space<vmem>>, vector<1x16xf32>,
        %get3A_682 = vector.shape_cast %get3A_681 : vector<1x16xf32> to vector<16xf32>
        %add3A_683 = arith.addf %get3A_676, %get3A_682 : vector<16xf32>
        %add3A_684 = arith.constant 2 : i32
        %add3A_685 = arith.addi %mul3A_386, %add3A_684 : i32
        %get3A_686 = arith.index_cast %add3A_685 : i32 to index
        %get3A_687 = arith.constant 64 : index
        %get3A_688 = tpu.vector_load %arg11[%get3A_686, %get3A_687] {strides = array<i32>} : memref<160x128xf32, #tpu.memory_space<vmem>>, vector<1x16xf32>,
        %get3A_689 = vector.shape_cast %get3A_688 : vector<1x16xf32> to vector<16xf32>
        %add3A_690 = arith.addf %add3A_683, %get3A_689 : vector<16xf32>
        %add3A_691 = arith.constant 3 : i32
        %add3A_692 = arith.addi %mul3A_386, %add3A_691 : i32
        %get3A_693 = arith.index_cast %add3A_692 : i32 to index
        %get3A_694 = arith.constant 64 : index
        %get3A_695 = tpu.vector_load %arg11[%get3A_693, %get3A_694] {strides = array<i32>} : memref<160x128xf32, #tpu.memory_space<vmem>>, vector<1x16xf32>,
        %get3A_696 = vector.shape_cast %get3A_695 : vector<1x16xf32> to vector<16xf32>
        %add3A_697 = arith.addf %add3A_690, %get3A_696 : vector<16xf32>
        %add3A_698 = arith.constant 4 : i32
        %add3A_699 = arith.addi %mul3A_386, %add3A_698 : i32
        %get3A_700 = arith.index_cast %add3A_699 : i32 to index
        %get3A_701 = arith.constant 64 : index
        %get3A_702 = tpu.vector_load %arg11[%get3A_700, %get3A_701] {strides = array<i32>} : memref<160x128xf32, #tpu.memory_space<vmem>>, vector<1x16xf32>,
        %get3A_703 = vector.shape_cast %get3A_702 : vector<1x16xf32> to vector<16xf32>
        %add3A_704 = arith.addf %add3A_697, %get3A_703 : vector<16xf32>
        %add3A_705 = arith.constant 5 : i32
        %add3A_706 = arith.addi %mul3A_386, %add3A_705 : i32
        %get3A_707 = arith.index_cast %add3A_706 : i32 to index
        %get3A_708 = arith.constant 64 : index
        %get3A_709 = tpu.vector_load %arg11[%get3A_707, %get3A_708] {strides = array<i32>} : memref<160x128xf32, #tpu.memory_space<vmem>>, vector<1x16xf32>,
        %get3A_710 = vector.shape_cast %get3A_709 : vector<1x16xf32> to vector<16xf32>
        %add3A_711 = arith.addf %add3A_704, %get3A_710 : vector<16xf32>
        %add3A_712 = arith.constant 6 : i32
        %add3A_713 = arith.addi %mul3A_386, %add3A_712 : i32
        %get3A_714 = arith.index_cast %add3A_713 : i32 to index
        %get3A_715 = arith.constant 64 : index
        %get3A_716 = tpu.vector_load %arg11[%get3A_714, %get3A_715] {strides = array<i32>} : memref<160x128xf32, #tpu.memory_space<vmem>>, vector<1x16xf32>,
        %get3A_717 = vector.shape_cast %get3A_716 : vector<1x16xf32> to vector<16xf32>
        %add3A_718 = arith.addf %add3A_711, %get3A_717 : vector<16xf32>
        %add3A_719 = arith.constant 7 : i32
        %add3A_720 = arith.addi %mul3A_386, %add3A_719 : i32
        %get3A_721 = arith.index_cast %add3A_720 : i32 to index
        %get3A_722 = arith.constant 64 : index
        %get3A_723 = tpu.vector_load %arg11[%get3A_721, %get3A_722] {strides = array<i32>} : memref<160x128xf32, #tpu.memory_space<vmem>>, vector<1x16xf32>,
        %get3A_724 = vector.shape_cast %get3A_723 : vector<1x16xf32> to vector<16xf32>
        %add3A_725 = arith.addf %add3A_718, %get3A_724 : vector<16xf32>
        %add3A_726 = arith.constant 8 : i32
        %add3A_727 = arith.addi %mul3A_386, %add3A_726 : i32
        %get3A_728 = arith.index_cast %add3A_727 : i32 to index
        %get3A_729 = arith.constant 64 : index
        %get3A_730 = tpu.vector_load %arg11[%get3A_728, %get3A_729] {strides = array<i32>} : memref<160x128xf32, #tpu.memory_space<vmem>>, vector<1x16xf32>,
        %get3A_731 = vector.shape_cast %get3A_730 : vector<1x16xf32> to vector<16xf32>
        %add3A_732 = arith.addf %add3A_725, %get3A_731 : vector<16xf32>
        %add3A_733 = arith.constant 9 : i32
        %add3A_734 = arith.addi %mul3A_386, %add3A_733 : i32
        %get3A_735 = arith.index_cast %add3A_734 : i32 to index
        %get3A_736 = arith.constant 64 : index
        %get3A_737 = tpu.vector_load %arg11[%get3A_735, %get3A_736] {strides = array<i32>} : memref<160x128xf32, #tpu.memory_space<vmem>>, vector<1x16xf32>,
        %get3A_738 = vector.shape_cast %get3A_737 : vector<1x16xf32> to vector<16xf32>
        %add3A_739 = arith.addf %add3A_732, %get3A_738 : vector<16xf32>
        %swap3A_740 = arith.index_cast %scan3A_384 : i32 to index
        %swap3A_741 = arith.constant 64 : index
        %swap3A_742 = tpu.vector_load %arg15[%swap3A_740, %swap3A_741] {strides = array<i32>} : memref<16x128xf32, #tpu.memory_space<vmem>>, vector<1x16xf32>,
        %swap3A_743 = vector.shape_cast %swap3A_742 : vector<1x16xf32> to vector<16xf32>
        %swap3A_744 = vector.shape_cast %add3A_739 : vector<16xf32> to vector<1x16xf32>
        tpu.vector_store %arg15[%swap3A_740, %swap3A_741], %swap3A_744 {strides = array<i32>} : memref<16x128xf32, #tpu.memory_space<vmem>>, vector<1x16xf32>,
        %get3A_745 = arith.index_cast %mul3A_386 : i32 to index
        %get3A_746 = arith.constant 80 : index
        %get3A_747 = tpu.vector_load %arg11[%get3A_745, %get3A_746] {strides = array<i32>} : memref<160x128xf32, #tpu.memory_space<vmem>>, vector<1x16xf32>,
        %get3A_748 = vector.shape_cast %get3A_747 : vector<1x16xf32> to vector<16xf32>
        %add3A_749 = arith.constant 1 : i32
        %add3A_750 = arith.addi %mul3A_386, %add3A_749 : i32
        %get3A_751 = arith.index_cast %add3A_750 : i32 to index
        %get3A_752 = arith.constant 80 : index
        %get3A_753 = tpu.vector_load %arg11[%get3A_751, %get3A_752] {strides = array<i32>} : memref<160x128xf32, #tpu.memory_space<vmem>>, vector<1x16xf32>,
        %get3A_754 = vector.shape_cast %get3A_753 : vector<1x16xf32> to vector<16xf32>
        %add3A_755 = arith.addf %get3A_748, %get3A_754 : vector<16xf32>
        %add3A_756 = arith.constant 2 : i32
        %add3A_757 = arith.addi %mul3A_386, %add3A_756 : i32
        %get3A_758 = arith.index_cast %add3A_757 : i32 to index
        %get3A_759 = arith.constant 80 : index
        %get3A_760 = tpu.vector_load %arg11[%get3A_758, %get3A_759] {strides = array<i32>} : memref<160x128xf32, #tpu.memory_space<vmem>>, vector<1x16xf32>,
        %get3A_761 = vector.shape_cast %get3A_760 : vector<1x16xf32> to vector<16xf32>
        %add3A_762 = arith.addf %add3A_755, %get3A_761 : vector<16xf32>
        %add3A_763 = arith.constant 3 : i32
        %add3A_764 = arith.addi %mul3A_386, %add3A_763 : i32
        %get3A_765 = arith.index_cast %add3A_764 : i32 to index
        %get3A_766 = arith.constant 80 : index
        %get3A_767 = tpu.vector_load %arg11[%get3A_765, %get3A_766] {strides = array<i32>} : memref<160x128xf32, #tpu.memory_space<vmem>>, vector<1x16xf32>,
        %get3A_768 = vector.shape_cast %get3A_767 : vector<1x16xf32> to vector<16xf32>
        %add3A_769 = arith.addf %add3A_762, %get3A_768 : vector<16xf32>
        %add3A_770 = arith.constant 4 : i32
        %add3A_771 = arith.addi %mul3A_386, %add3A_770 : i32
        %get3A_772 = arith.index_cast %add3A_771 : i32 to index
        %get3A_773 = arith.constant 80 : index
        %get3A_774 = tpu.vector_load %arg11[%get3A_772, %get3A_773] {strides = array<i32>} : memref<160x128xf32, #tpu.memory_space<vmem>>, vector<1x16xf32>,
        %get3A_775 = vector.shape_cast %get3A_774 : vector<1x16xf32> to vector<16xf32>
        %add3A_776 = arith.addf %add3A_769, %get3A_775 : vector<16xf32>
        %add3A_777 = arith.constant 5 : i32
        %add3A_778 = arith.addi %mul3A_386, %add3A_777 : i32
        %get3A_779 = arith.index_cast %add3A_778 : i32 to index
        %get3A_780 = arith.constant 80 : index
        %get3A_781 = tpu.vector_load %arg11[%get3A_779, %get3A_780] {strides = array<i32>} : memref<160x128xf32, #tpu.memory_space<vmem>>, vector<1x16xf32>,
        %get3A_782 = vector.shape_cast %get3A_781 : vector<1x16xf32> to vector<16xf32>
        %add3A_783 = arith.addf %add3A_776, %get3A_782 : vector<16xf32>
        %add3A_784 = arith.constant 6 : i32
        %add3A_785 = arith.addi %mul3A_386, %add3A_784 : i32
        %get3A_786 = arith.index_cast %add3A_785 : i32 to index
        %get3A_787 = arith.constant 80 : index
        %get3A_788 = tpu.vector_load %arg11[%get3A_786, %get3A_787] {strides = array<i32>} : memref<160x128xf32, #tpu.memory_space<vmem>>, vector<1x16xf32>,
        %get3A_789 = vector.shape_cast %get3A_788 : vector<1x16xf32> to vector<16xf32>
        %add3A_790 = arith.addf %add3A_783, %get3A_789 : vector<16xf32>
        %add3A_791 = arith.constant 7 : i32
        %add3A_792 = arith.addi %mul3A_386, %add3A_791 : i32
        %get3A_793 = arith.index_cast %add3A_792 : i32 to index
        %get3A_794 = arith.constant 80 : index
        %get3A_795 = tpu.vector_load %arg11[%get3A_793, %get3A_794] {strides = array<i32>} : memref<160x128xf32, #tpu.memory_space<vmem>>, vector<1x16xf32>,
        %get3A_796 = vector.shape_cast %get3A_795 : vector<1x16xf32> to vector<16xf32>
        %add3A_797 = arith.addf %add3A_790, %get3A_796 : vector<16xf32>
        %add3A_798 = arith.constant 8 : i32
        %add3A_799 = arith.addi %mul3A_386, %add3A_798 : i32
        %get3A_800 = arith.index_cast %add3A_799 : i32 to index
        %get3A_801 = arith.constant 80 : index
        %get3A_802 = tpu.vector_load %arg11[%get3A_800, %get3A_801] {strides = array<i32>} : memref<160x128xf32, #tpu.memory_space<vmem>>, vector<1x16xf32>,
        %get3A_803 = vector.shape_cast %get3A_802 : vector<1x16xf32> to vector<16xf32>
        %add3A_804 = arith.addf %add3A_797, %get3A_803 : vector<16xf32>
        %add3A_805 = arith.constant 9 : i32
        %add3A_806 = arith.addi %mul3A_386, %add3A_805 : i32
        %get3A_807 = arith.index_cast %add3A_806 : i32 to index
        %get3A_808 = arith.constant 80 : index
        %get3A_809 = tpu.vector_load %arg11[%get3A_807, %get3A_808] {strides = array<i32>} : memref<160x128xf32, #tpu.memory_space<vmem>>, vector<1x16xf32>,
        %get3A_810 = vector.shape_cast %get3A_809 : vector<1x16xf32> to vector<16xf32>
        %add3A_811 = arith.addf %add3A_804, %get3A_810 : vector<16xf32>
        %swap3A_812 = arith.index_cast %scan3A_384 : i32 to index
        %swap3A_813 = arith.constant 80 : index
        %swap3A_814 = tpu.vector_load %arg15[%swap3A_812, %swap3A_813] {strides = array<i32>} : memref<16x128xf32, #tpu.memory_space<vmem>>, vector<1x16xf32>,
        %swap3A_815 = vector.shape_cast %swap3A_814 : vector<1x16xf32> to vector<16xf32>
        %swap3A_816 = vector.shape_cast %add3A_811 : vector<16xf32> to vector<1x16xf32>
        tpu.vector_store %arg15[%swap3A_812, %swap3A_813], %swap3A_816 {strides = array<i32>} : memref<16x128xf32, #tpu.memory_space<vmem>>, vector<1x16xf32>,
        %get3A_817 = arith.index_cast %mul3A_386 : i32 to index
        %get3A_818 = arith.constant 96 : index
        %get3A_819 = tpu.vector_load %arg11[%get3A_817, %get3A_818] {strides = array<i32>} : memref<160x128xf32, #tpu.memory_space<vmem>>, vector<1x16xf32>,
        %get3A_820 = vector.shape_cast %get3A_819 : vector<1x16xf32> to vector<16xf32>
        %add3A_821 = arith.constant 1 : i32
        %add3A_822 = arith.addi %mul3A_386, %add3A_821 : i32
        %get3A_823 = arith.index_cast %add3A_822 : i32 to index
        %get3A_824 = arith.constant 96 : index
        %get3A_825 = tpu.vector_load %arg11[%get3A_823, %get3A_824] {strides = array<i32>} : memref<160x128xf32, #tpu.memory_space<vmem>>, vector<1x16xf32>,
        %get3A_826 = vector.shape_cast %get3A_825 : vector<1x16xf32> to vector<16xf32>
        %add3A_827 = arith.addf %get3A_820, %get3A_826 : vector<16xf32>
        %add3A_828 = arith.constant 2 : i32
        %add3A_829 = arith.addi %mul3A_386, %add3A_828 : i32
        %get3A_830 = arith.index_cast %add3A_829 : i32 to index
        %get3A_831 = arith.constant 96 : index
        %get3A_832 = tpu.vector_load %arg11[%get3A_830, %get3A_831] {strides = array<i32>} : memref<160x128xf32, #tpu.memory_space<vmem>>, vector<1x16xf32>,
        %get3A_833 = vector.shape_cast %get3A_832 : vector<1x16xf32> to vector<16xf32>
        %add3A_834 = arith.addf %add3A_827, %get3A_833 : vector<16xf32>
        %add3A_835 = arith.constant 3 : i32
        %add3A_836 = arith.addi %mul3A_386, %add3A_835 : i32
        %get3A_837 = arith.index_cast %add3A_836 : i32 to index
        %get3A_838 = arith.constant 96 : index
        %get3A_839 = tpu.vector_load %arg11[%get3A_837, %get3A_838] {strides = array<i32>} : memref<160x128xf32, #tpu.memory_space<vmem>>, vector<1x16xf32>,
        %get3A_840 = vector.shape_cast %get3A_839 : vector<1x16xf32> to vector<16xf32>
        %add3A_841 = arith.addf %add3A_834, %get3A_840 : vector<16xf32>
        %add3A_842 = arith.constant 4 : i32
        %add3A_843 = arith.addi %mul3A_386, %add3A_842 : i32
        %get3A_844 = arith.index_cast %add3A_843 : i32 to index
        %get3A_845 = arith.constant 96 : index
        %get3A_846 = tpu.vector_load %arg11[%get3A_844, %get3A_845] {strides = array<i32>} : memref<160x128xf32, #tpu.memory_space<vmem>>, vector<1x16xf32>,
        %get3A_847 = vector.shape_cast %get3A_846 : vector<1x16xf32> to vector<16xf32>
        %add3A_848 = arith.addf %add3A_841, %get3A_847 : vector<16xf32>
        %add3A_849 = arith.constant 5 : i32
        %add3A_850 = arith.addi %mul3A_386, %add3A_849 : i32
        %get3A_851 = arith.index_cast %add3A_850 : i32 to index
        %get3A_852 = arith.constant 96 : index
        %get3A_853 = tpu.vector_load %arg11[%get3A_851, %get3A_852] {strides = array<i32>} : memref<160x128xf32, #tpu.memory_space<vmem>>, vector<1x16xf32>,
        %get3A_854 = vector.shape_cast %get3A_853 : vector<1x16xf32> to vector<16xf32>
        %add3A_855 = arith.addf %add3A_848, %get3A_854 : vector<16xf32>
        %add3A_856 = arith.constant 6 : i32
        %add3A_857 = arith.addi %mul3A_386, %add3A_856 : i32
        %get3A_858 = arith.index_cast %add3A_857 : i32 to index
        %get3A_859 = arith.constant 96 : index
        %get3A_860 = tpu.vector_load %arg11[%get3A_858, %get3A_859] {strides = array<i32>} : memref<160x128xf32, #tpu.memory_space<vmem>>, vector<1x16xf32>,
        %get3A_861 = vector.shape_cast %get3A_860 : vector<1x16xf32> to vector<16xf32>
        %add3A_862 = arith.addf %add3A_855, %get3A_861 : vector<16xf32>
        %add3A_863 = arith.constant 7 : i32
        %add3A_864 = arith.addi %mul3A_386, %add3A_863 : i32
        %get3A_865 = arith.index_cast %add3A_864 : i32 to index
        %get3A_866 = arith.constant 96 : index
        %get3A_867 = tpu.vector_load %arg11[%get3A_865, %get3A_866] {strides = array<i32>} : memref<160x128xf32, #tpu.memory_space<vmem>>, vector<1x16xf32>,
        %get3A_868 = vector.shape_cast %get3A_867 : vector<1x16xf32> to vector<16xf32>
        %add3A_869 = arith.addf %add3A_862, %get3A_868 : vector<16xf32>
        %add3A_870 = arith.constant 8 : i32
        %add3A_871 = arith.addi %mul3A_386, %add3A_870 : i32
        %get3A_872 = arith.index_cast %add3A_871 : i32 to index
        %get3A_873 = arith.constant 96 : index
        %get3A_874 = tpu.vector_load %arg11[%get3A_872, %get3A_873] {strides = array<i32>} : memref<160x128xf32, #tpu.memory_space<vmem>>, vector<1x16xf32>,
        %get3A_875 = vector.shape_cast %get3A_874 : vector<1x16xf32> to vector<16xf32>
        %add3A_876 = arith.addf %add3A_869, %get3A_875 : vector<16xf32>
        %add3A_877 = arith.constant 9 : i32
        %add3A_878 = arith.addi %mul3A_386, %add3A_877 : i32
        %get3A_879 = arith.index_cast %add3A_878 : i32 to index
        %get3A_880 = arith.constant 96 : index
        %get3A_881 = tpu.vector_load %arg11[%get3A_879, %get3A_880] {strides = array<i32>} : memref<160x128xf32, #tpu.memory_space<vmem>>, vector<1x16xf32>,
        %get3A_882 = vector.shape_cast %get3A_881 : vector<1x16xf32> to vector<16xf32>
        %add3A_883 = arith.addf %add3A_876, %get3A_882 : vector<16xf32>
        %swap3A_884 = arith.index_cast %scan3A_384 : i32 to index
        %swap3A_885 = arith.constant 96 : index
        %swap3A_886 = tpu.vector_load %arg15[%swap3A_884, %swap3A_885] {strides = array<i32>} : memref<16x128xf32, #tpu.memory_space<vmem>>, vector<1x16xf32>,
        %swap3A_887 = vector.shape_cast %swap3A_886 : vector<1x16xf32> to vector<16xf32>
        %swap3A_888 = vector.shape_cast %add3A_883 : vector<16xf32> to vector<1x16xf32>
        tpu.vector_store %arg15[%swap3A_884, %swap3A_885], %swap3A_888 {strides = array<i32>} : memref<16x128xf32, #tpu.memory_space<vmem>>, vector<1x16xf32>,
        %get3A_889 = arith.index_cast %mul3A_386 : i32 to index
        %get3A_890 = arith.constant 112 : index
        %get3A_891 = tpu.vector_load %arg11[%get3A_889, %get3A_890] {strides = array<i32>} : memref<160x128xf32, #tpu.memory_space<vmem>>, vector<1x16xf32>,
        %get3A_892 = vector.shape_cast %get3A_891 : vector<1x16xf32> to vector<16xf32>
        %add3A_893 = arith.constant 1 : i32
        %add3A_894 = arith.addi %mul3A_386, %add3A_893 : i32
        %get3A_895 = arith.index_cast %add3A_894 : i32 to index
        %get3A_896 = arith.constant 112 : index
        %get3A_897 = tpu.vector_load %arg11[%get3A_895, %get3A_896] {strides = array<i32>} : memref<160x128xf32, #tpu.memory_space<vmem>>, vector<1x16xf32>,
        %get3A_898 = vector.shape_cast %get3A_897 : vector<1x16xf32> to vector<16xf32>
        %add3A_899 = arith.addf %get3A_892, %get3A_898 : vector<16xf32>
        %add3A_900 = arith.constant 2 : i32
        %add3A_901 = arith.addi %mul3A_386, %add3A_900 : i32
        %get3A_902 = arith.index_cast %add3A_901 : i32 to index
        %get3A_903 = arith.constant 112 : index
        %get3A_904 = tpu.vector_load %arg11[%get3A_902, %get3A_903] {strides = array<i32>} : memref<160x128xf32, #tpu.memory_space<vmem>>, vector<1x16xf32>,
        %get3A_905 = vector.shape_cast %get3A_904 : vector<1x16xf32> to vector<16xf32>
        %add3A_906 = arith.addf %add3A_899, %get3A_905 : vector<16xf32>
        %add3A_907 = arith.constant 3 : i32
        %add3A_908 = arith.addi %mul3A_386, %add3A_907 : i32
        %get3A_909 = arith.index_cast %add3A_908 : i32 to index
        %get3A_910 = arith.constant 112 : index
        %get3A_911 = tpu.vector_load %arg11[%get3A_909, %get3A_910] {strides = array<i32>} : memref<160x128xf32, #tpu.memory_space<vmem>>, vector<1x16xf32>,
        %get3A_912 = vector.shape_cast %get3A_911 : vector<1x16xf32> to vector<16xf32>
        %add3A_913 = arith.addf %add3A_906, %get3A_912 : vector<16xf32>
        %add3A_914 = arith.constant 4 : i32
        %add3A_915 = arith.addi %mul3A_386, %add3A_914 : i32
        %get3A_916 = arith.index_cast %add3A_915 : i32 to index
        %get3A_917 = arith.constant 112 : index
        %get3A_918 = tpu.vector_load %arg11[%get3A_916, %get3A_917] {strides = array<i32>} : memref<160x128xf32, #tpu.memory_space<vmem>>, vector<1x16xf32>,
        %get3A_919 = vector.shape_cast %get3A_918 : vector<1x16xf32> to vector<16xf32>
        %add3A_920 = arith.addf %add3A_913, %get3A_919 : vector<16xf32>
        %add3A_921 = arith.constant 5 : i32
        %add3A_922 = arith.addi %mul3A_386, %add3A_921 : i32
        %get3A_923 = arith.index_cast %add3A_922 : i32 to index
        %get3A_924 = arith.constant 112 : index
        %get3A_925 = tpu.vector_load %arg11[%get3A_923, %get3A_924] {strides = array<i32>} : memref<160x128xf32, #tpu.memory_space<vmem>>, vector<1x16xf32>,
        %get3A_926 = vector.shape_cast %get3A_925 : vector<1x16xf32> to vector<16xf32>
        %add3A_927 = arith.addf %add3A_920, %get3A_926 : vector<16xf32>
        %add3A_928 = arith.constant 6 : i32
        %add3A_929 = arith.addi %mul3A_386, %add3A_928 : i32
        %get3A_930 = arith.index_cast %add3A_929 : i32 to index
        %get3A_931 = arith.constant 112 : index
        %get3A_932 = tpu.vector_load %arg11[%get3A_930, %get3A_931] {strides = array<i32>} : memref<160x128xf32, #tpu.memory_space<vmem>>, vector<1x16xf32>,
        %get3A_933 = vector.shape_cast %get3A_932 : vector<1x16xf32> to vector<16xf32>
        %add3A_934 = arith.addf %add3A_927, %get3A_933 : vector<16xf32>
        %add3A_935 = arith.constant 7 : i32
        %add3A_936 = arith.addi %mul3A_386, %add3A_935 : i32
        %get3A_937 = arith.index_cast %add3A_936 : i32 to index
        %get3A_938 = arith.constant 112 : index
        %get3A_939 = tpu.vector_load %arg11[%get3A_937, %get3A_938] {strides = array<i32>} : memref<160x128xf32, #tpu.memory_space<vmem>>, vector<1x16xf32>,
        %get3A_940 = vector.shape_cast %get3A_939 : vector<1x16xf32> to vector<16xf32>
        %add3A_941 = arith.addf %add3A_934, %get3A_940 : vector<16xf32>
        %add3A_942 = arith.constant 8 : i32
        %add3A_943 = arith.addi %mul3A_386, %add3A_942 : i32
        %get3A_944 = arith.index_cast %add3A_943 : i32 to index
        %get3A_945 = arith.constant 112 : index
        %get3A_946 = tpu.vector_load %arg11[%get3A_944, %get3A_945] {strides = array<i32>} : memref<160x128xf32, #tpu.memory_space<vmem>>, vector<1x16xf32>,
        %get3A_947 = vector.shape_cast %get3A_946 : vector<1x16xf32> to vector<16xf32>
        %add3A_948 = arith.addf %add3A_941, %get3A_947 : vector<16xf32>
        %add3A_949 = arith.constant 9 : i32
        %add3A_950 = arith.addi %mul3A_386, %add3A_949 : i32
        %get3A_951 = arith.index_cast %add3A_950 : i32 to index
        %get3A_952 = arith.constant 112 : index
        %get3A_953 = tpu.vector_load %arg11[%get3A_951, %get3A_952] {strides = array<i32>} : memref<160x128xf32, #tpu.memory_space<vmem>>, vector<1x16xf32>,
        %get3A_954 = vector.shape_cast %get3A_953 : vector<1x16xf32> to vector<16xf32>
        %add3A_955 = arith.addf %add3A_948, %get3A_954 : vector<16xf32>
        %swap3A_956 = arith.index_cast %scan3A_384 : i32 to index
        %swap3A_957 = arith.constant 112 : index
        %swap3A_958 = tpu.vector_load %arg15[%swap3A_956, %swap3A_957] {strides = array<i32>} : memref<16x128xf32, #tpu.memory_space<vmem>>, vector<1x16xf32>,
        %swap3A_959 = vector.shape_cast %swap3A_958 : vector<1x16xf32> to vector<16xf32>
        %swap3A_960 = vector.shape_cast %add3A_955 : vector<16xf32> to vector<1x16xf32>
        tpu.vector_store %arg15[%swap3A_956, %swap3A_957], %swap3A_960 {strides = array<i32>} : memref<16x128xf32, #tpu.memory_space<vmem>>, vector<1x16xf32>,
      }
      %scan3A_328 = arith.constant 16 : i32
      %mul3A_329 = arith.constant 800 : i32
      %mul3A_330 = arith.muli %add3A, %mul3A_329 : i32
      %mul3A_331 = arith.constant 16 : i32
      %mul3A_332 = arith.muli %mul3A_282, %mul3A_331 : i32
      %add3A_333 = arith.addi %mul3A_330, %mul3A_332 : i32
      %dma_start3A_334 = arith.constant 0 : i32
      %dma_start3A_335 = tpu.memref_slice %arg9[%add3A_333, %dma_start3A_334] : memref<25600x128xf32, #tpu.memory_space<hbm>> -> memref<16x128xf32, #tpu.memory_space<hbm>>
      %dma_start3A_336 = arith.constant 0 : i32
      %dma_start3A_337 = tpu.memref_slice %arg9[%add3A_333, %dma_start3A_336] : memref<25600x128xf32, #tpu.memory_space<hbm>> -> memref<16x128xf32, #tpu.memory_space<hbm>>
      tpu.enqueue_dma source(%arg15 : memref<16x128xf32, #tpu.memory_space<vmem>>) target(%dma_start3A_337 : memref<16x128xf32, #tpu.memory_space<hbm>>) target_semaphore(%arg19 : memref<!tpu.dma_semaphore, #tpu.memory_space<semaphore_mem>>)
      %lt3A = arith.constant 24 : i32
      %lt3A_338 = arith.cmpi slt, %scan3A_280, %lt3A : i32
      %convert_element_type3A_339 = arith.extui %lt3A_338 : i1 to i32
      %cond3A_340 = arith.constant 0 : i32
      %cond3A_341 = arith.cmpi ne, %convert_element_type3A_339, %cond3A_340 : i32
      scf.if %cond3A_341 {
        %add3A_384 = arith.constant 2 : i32
        %add3A_385 = arith.addi %mul3A_282, %add3A_384 : i32
        %mul3A_386 = arith.constant 160 : i32
        %mul3A_387 = arith.muli %add3A_385, %mul3A_386 : i32
        %dma_start3A_388 = arith.constant 0 : i32
        %dma_start3A_389 = arith.constant 0 : i32
        %dma_start3A_390 = tpu.memref_slice %arg11[%dma_start3A_388, %dma_start3A_389] : memref<160x128xf32, #tpu.memory_space<vmem>> -> memref<128x128xf32, #tpu.memory_space<vmem>>
        %dma_start3A_391 = tpu.memref_slice %arg10[%mul3A_387] : memref<8000xi32, #tpu.memory_space<vmem>> -> memref<128xi32, #tpu.memory_space<vmem>>
        %dma_start3A_392 = arith.constant 0 : i32
        %dma_start3A_393 = arith.constant 0 : i32
        %dma_start3A_394 = tpu.memref_slice %arg3[%dma_start3A_392, %dma_start3A_393] : memref<100000x128xf32, #tpu.memory_space<hbm>> -> memref<100000x128xf32, #tpu.memory_space<hbm>>
        tpu.enqueue_indirect_dma source(%dma_start3A_394 : memref<100000x128xf32, #tpu.memory_space<hbm>>) target(%dma_start3A_390 : memref<128x128xf32, #tpu.memory_space<vmem>>) offsets(%dma_start3A_391 : memref<128xi32, #tpu.memory_space<vmem>>) semaphore(%arg17 : memref<!tpu.dma_semaphore, #tpu.memory_space<semaphore_mem>>)
        %add3A_395 = arith.constant 128 : i32
        %add3A_396 = arith.addi %mul3A_387, %add3A_395 : i32
        %dma_start3A_397 = arith.constant 128 : i32
        %dma_start3A_398 = arith.constant 0 : i32
        %dma_start3A_399 = tpu.memref_slice %arg11[%dma_start3A_397, %dma_start3A_398] : memref<160x128xf32, #tpu.memory_space<vmem>> -> memref<32x128xf32, #tpu.memory_space<vmem>>
        %dma_start3A_400 = tpu.memref_slice %arg10[%add3A_396] : memref<8000xi32, #tpu.memory_space<vmem>> -> memref<32xi32, #tpu.memory_space<vmem>>
        %dma_start3A_401 = arith.constant 0 : i32
        %dma_start3A_402 = arith.constant 0 : i32
        %dma_start3A_403 = tpu.memref_slice %arg3[%dma_start3A_401, %dma_start3A_402] : memref<100000x128xf32, #tpu.memory_space<hbm>> -> memref<100000x128xf32, #tpu.memory_space<hbm>>
        tpu.enqueue_indirect_dma source(%dma_start3A_403 : memref<100000x128xf32, #tpu.memory_space<hbm>>) target(%dma_start3A_399 : memref<32x128xf32, #tpu.memory_space<vmem>>) offsets(%dma_start3A_400 : memref<32xi32, #tpu.memory_space<vmem>>) semaphore(%arg17 : memref<!tpu.dma_semaphore, #tpu.memory_space<semaphore_mem>>)
      } else {
      }
      %add3A_342 = arith.constant 1 : i32
      %add3A_343 = arith.addi %mul3A_282, %add3A_342 : i32
      %mul3A_344 = arith.constant 160 : i32
      %mul3A_345 = arith.muli %add3A_343, %mul3A_344 : i32
      %dma_wait3A_346 = arith.constant 0 : i32
      %dma_wait3A_347 = arith.constant 0 : i32
      %dma_wait3A_348 = tpu.memref_slice %arg12[%dma_wait3A_346, %dma_wait3A_347] : memref<160x128xf32, #tpu.memory_space<vmem>> -> memref<128x128xf32, #tpu.memory_space<vmem>>
      %dma_wait3A_349 = tpu.memref_slice %arg10[%mul3A_345] : memref<8000xi32, #tpu.memory_space<vmem>> -> memref<128xi32, #tpu.memory_space<vmem>>
      %dma_wait3A_350 = arith.constant 0 : i32
      %dma_wait3A_351 = arith.constant 0 : i32
      %dma_wait3A_352 = tpu.memref_slice %arg3[%dma_wait3A_350, %dma_wait3A_351] : memref<100000x128xf32, #tpu.memory_space<hbm>> -> memref<100000x128xf32, #tpu.memory_space<hbm>>
      tpu.wait_indirect_dma semaphore(%arg18 : memref<!tpu.dma_semaphore, #tpu.memory_space<semaphore_mem>>) src(%dma_wait3A_352 : memref<100000x128xf32, #tpu.memory_space<hbm>>) dst(%dma_wait3A_348 : memref<128x128xf32, #tpu.memory_space<vmem>>)
      %add3A_353 = arith.constant 128 : i32
      %add3A_354 = arith.addi %mul3A_345, %add3A_353 : i32
      %dma_wait3A_355 = arith.constant 128 : i32
      %dma_wait3A_356 = arith.constant 0 : i32
      %dma_wait3A_357 = tpu.memref_slice %arg12[%dma_wait3A_355, %dma_wait3A_356] : memref<160x128xf32, #tpu.memory_space<vmem>> -> memref<32x128xf32, #tpu.memory_space<vmem>>
      %dma_wait3A_358 = tpu.memref_slice %arg10[%add3A_354] : memref<8000xi32, #tpu.memory_space<vmem>> -> memref<32xi32, #tpu.memory_space<vmem>>
      %dma_wait3A_359 = arith.constant 0 : i32
      %dma_wait3A_360 = arith.constant 0 : i32
      %dma_wait3A_361 = tpu.memref_slice %arg3[%dma_wait3A_359, %dma_wait3A_360] : memref<100000x128xf32, #tpu.memory_space<hbm>> -> memref<100000x128xf32, #tpu.memory_space<hbm>>
      tpu.wait_indirect_dma semaphore(%arg18 : memref<!tpu.dma_semaphore, #tpu.memory_space<semaphore_mem>>) src(%dma_wait3A_361 : memref<100000x128xf32, #tpu.memory_space<hbm>>) dst(%dma_wait3A_357 : memref<32x128xf32, #tpu.memory_space<vmem>>)
      %gt3A_362 = arith.constant 0 : i32
      %gt3A_363 = arith.cmpi sgt, %scan3A_280, %gt3A_362 : i32
      %convert_element_type3A_364 = arith.extui %gt3A_363 : i1 to i32
      %cond3A_365 = arith.constant 0 : i32
      %cond3A_366 = arith.cmpi ne, %convert_element_type3A_364, %cond3A_365 : i32
      scf.if %cond3A_366 {
        %sub3A = arith.constant 1 : i32
        %sub3A_384 = arith.subi %mul3A_282, %sub3A : i32
        %mul3A_385 = arith.constant 800 : i32
        %mul3A_386 = arith.muli %add3A, %mul3A_385 : i32
        %mul3A_387 = arith.constant 16 : i32
        %mul3A_388 = arith.muli %sub3A_384, %mul3A_387 : i32
        %add3A_389 = arith.addi %mul3A_386, %mul3A_388 : i32
        %dma_wait3A_390 = arith.constant 0 : i32
        %dma_wait3A_391 = tpu.memref_slice %arg9[%add3A_389, %dma_wait3A_390] : memref<25600x128xf32, #tpu.memory_space<hbm>> -> memref<16x128xf32, #tpu.memory_space<hbm>>
        %dma_wait3A_392 = arith.constant 0 : i32
        %dma_wait3A_393 = tpu.memref_slice %arg9[%add3A_389, %dma_wait3A_392] : memref<25600x128xf32, #tpu.memory_space<hbm>> -> memref<16x128xf32, #tpu.memory_space<hbm>>
        tpu.wait_dma2 semaphore(%arg20 : memref<!tpu.dma_semaphore, #tpu.memory_space<semaphore_mem>>) src(%arg16 : memref<16x128xf32, #tpu.memory_space<vmem>>) dst(%dma_wait3A_393 : memref<16x128xf32, #tpu.memory_space<hbm>>)
      } else {
      }
      %scan3A_367 = arith.constant 0 : i32
      %scan3A_368 = arith.constant 0 : i32
      %scan3A_369 = arith.constant 16 : i32
      %scan3A_370 = arith.addi %scan3A_368, %scan3A_369 : i32
      %scan3A_371 = arith.constant 1 : i32
      scf.for %scan3A_384 = %scan3A_368 to %scan3A_370 step %scan3A_371  : i32 {
        %mul3A_385 = arith.constant 10 : i32
        %mul3A_386 = arith.muli %scan3A_384, %mul3A_385 : i32
        %get3A = arith.index_cast %mul3A_386 : i32 to index
        %get3A_387 = arith.constant 0 : index
        %get3A_388 = tpu.vector_load %arg12[%get3A, %get3A_387] {strides = array<i32>} : memref<160x128xf32, #tpu.memory_space<vmem>>, vector<1x16xf32>,
        %get3A_389 = vector.shape_cast %get3A_388 : vector<1x16xf32> to vector<16xf32>
        %add3A_390 = arith.constant 1 : i32
        %add3A_391 = arith.addi %mul3A_386, %add3A_390 : i32
        %get3A_392 = arith.index_cast %add3A_391 : i32 to index
        %get3A_393 = arith.constant 0 : index
        %get3A_394 = tpu.vector_load %arg12[%get3A_392, %get3A_393] {strides = array<i32>} : memref<160x128xf32, #tpu.memory_space<vmem>>, vector<1x16xf32>,
        %get3A_395 = vector.shape_cast %get3A_394 : vector<1x16xf32> to vector<16xf32>
        %add3A_396 = arith.addf %get3A_389, %get3A_395 : vector<16xf32>
        %add3A_397 = arith.constant 2 : i32
        %add3A_398 = arith.addi %mul3A_386, %add3A_397 : i32
        %get3A_399 = arith.index_cast %add3A_398 : i32 to index
        %get3A_400 = arith.constant 0 : index
        %get3A_401 = tpu.vector_load %arg12[%get3A_399, %get3A_400] {strides = array<i32>} : memref<160x128xf32, #tpu.memory_space<vmem>>, vector<1x16xf32>,
        %get3A_402 = vector.shape_cast %get3A_401 : vector<1x16xf32> to vector<16xf32>
        %add3A_403 = arith.addf %add3A_396, %get3A_402 : vector<16xf32>
        %add3A_404 = arith.constant 3 : i32
        %add3A_405 = arith.addi %mul3A_386, %add3A_404 : i32
        %get3A_406 = arith.index_cast %add3A_405 : i32 to index
        %get3A_407 = arith.constant 0 : index
        %get3A_408 = tpu.vector_load %arg12[%get3A_406, %get3A_407] {strides = array<i32>} : memref<160x128xf32, #tpu.memory_space<vmem>>, vector<1x16xf32>,
        %get3A_409 = vector.shape_cast %get3A_408 : vector<1x16xf32> to vector<16xf32>
        %add3A_410 = arith.addf %add3A_403, %get3A_409 : vector<16xf32>
        %add3A_411 = arith.constant 4 : i32
        %add3A_412 = arith.addi %mul3A_386, %add3A_411 : i32
        %get3A_413 = arith.index_cast %add3A_412 : i32 to index
        %get3A_414 = arith.constant 0 : index
        %get3A_415 = tpu.vector_load %arg12[%get3A_413, %get3A_414] {strides = array<i32>} : memref<160x128xf32, #tpu.memory_space<vmem>>, vector<1x16xf32>,
        %get3A_416 = vector.shape_cast %get3A_415 : vector<1x16xf32> to vector<16xf32>
        %add3A_417 = arith.addf %add3A_410, %get3A_416 : vector<16xf32>
        %add3A_418 = arith.constant 5 : i32
        %add3A_419 = arith.addi %mul3A_386, %add3A_418 : i32
        %get3A_420 = arith.index_cast %add3A_419 : i32 to index
        %get3A_421 = arith.constant 0 : index
        %get3A_422 = tpu.vector_load %arg12[%get3A_420, %get3A_421] {strides = array<i32>} : memref<160x128xf32, #tpu.memory_space<vmem>>, vector<1x16xf32>,
        %get3A_423 = vector.shape_cast %get3A_422 : vector<1x16xf32> to vector<16xf32>
        %add3A_424 = arith.addf %add3A_417, %get3A_423 : vector<16xf32>
        %add3A_425 = arith.constant 6 : i32
        %add3A_426 = arith.addi %mul3A_386, %add3A_425 : i32
        %get3A_427 = arith.index_cast %add3A_426 : i32 to index
        %get3A_428 = arith.constant 0 : index
        %get3A_429 = tpu.vector_load %arg12[%get3A_427, %get3A_428] {strides = array<i32>} : memref<160x128xf32, #tpu.memory_space<vmem>>, vector<1x16xf32>,
        %get3A_430 = vector.shape_cast %get3A_429 : vector<1x16xf32> to vector<16xf32>
        %add3A_431 = arith.addf %add3A_424, %get3A_430 : vector<16xf32>
        %add3A_432 = arith.constant 7 : i32
        %add3A_433 = arith.addi %mul3A_386, %add3A_432 : i32
        %get3A_434 = arith.index_cast %add3A_433 : i32 to index
        %get3A_435 = arith.constant 0 : index
        %get3A_436 = tpu.vector_load %arg12[%get3A_434, %get3A_435] {strides = array<i32>} : memref<160x128xf32, #tpu.memory_space<vmem>>, vector<1x16xf32>,
        %get3A_437 = vector.shape_cast %get3A_436 : vector<1x16xf32> to vector<16xf32>
        %add3A_438 = arith.addf %add3A_431, %get3A_437 : vector<16xf32>
        %add3A_439 = arith.constant 8 : i32
        %add3A_440 = arith.addi %mul3A_386, %add3A_439 : i32
        %get3A_441 = arith.index_cast %add3A_440 : i32 to index
        %get3A_442 = arith.constant 0 : index
        %get3A_443 = tpu.vector_load %arg12[%get3A_441, %get3A_442] {strides = array<i32>} : memref<160x128xf32, #tpu.memory_space<vmem>>, vector<1x16xf32>,
        %get3A_444 = vector.shape_cast %get3A_443 : vector<1x16xf32> to vector<16xf32>
        %add3A_445 = arith.addf %add3A_438, %get3A_444 : vector<16xf32>
        %add3A_446 = arith.constant 9 : i32
        %add3A_447 = arith.addi %mul3A_386, %add3A_446 : i32
        %get3A_448 = arith.index_cast %add3A_447 : i32 to index
        %get3A_449 = arith.constant 0 : index
        %get3A_450 = tpu.vector_load %arg12[%get3A_448, %get3A_449] {strides = array<i32>} : memref<160x128xf32, #tpu.memory_space<vmem>>, vector<1x16xf32>,
        %get3A_451 = vector.shape_cast %get3A_450 : vector<1x16xf32> to vector<16xf32>
        %add3A_452 = arith.addf %add3A_445, %get3A_451 : vector<16xf32>
        %swap3A = arith.index_cast %scan3A_384 : i32 to index
        %swap3A_453 = arith.constant 0 : index
        %swap3A_454 = tpu.vector_load %arg16[%swap3A, %swap3A_453] {strides = array<i32>} : memref<16x128xf32, #tpu.memory_space<vmem>>, vector<1x16xf32>,
        %swap3A_455 = vector.shape_cast %swap3A_454 : vector<1x16xf32> to vector<16xf32>
        %swap3A_456 = vector.shape_cast %add3A_452 : vector<16xf32> to vector<1x16xf32>
        tpu.vector_store %arg16[%swap3A, %swap3A_453], %swap3A_456 {strides = array<i32>} : memref<16x128xf32, #tpu.memory_space<vmem>>, vector<1x16xf32>,
        %get3A_457 = arith.index_cast %mul3A_386 : i32 to index
        %get3A_458 = arith.constant 16 : index
        %get3A_459 = tpu.vector_load %arg12[%get3A_457, %get3A_458] {strides = array<i32>} : memref<160x128xf32, #tpu.memory_space<vmem>>, vector<1x16xf32>,
        %get3A_460 = vector.shape_cast %get3A_459 : vector<1x16xf32> to vector<16xf32>
        %add3A_461 = arith.constant 1 : i32
        %add3A_462 = arith.addi %mul3A_386, %add3A_461 : i32
        %get3A_463 = arith.index_cast %add3A_462 : i32 to index
        %get3A_464 = arith.constant 16 : index
        %get3A_465 = tpu.vector_load %arg12[%get3A_463, %get3A_464] {strides = array<i32>} : memref<160x128xf32, #tpu.memory_space<vmem>>, vector<1x16xf32>,
        %get3A_466 = vector.shape_cast %get3A_465 : vector<1x16xf32> to vector<16xf32>
        %add3A_467 = arith.addf %get3A_460, %get3A_466 : vector<16xf32>
        %add3A_468 = arith.constant 2 : i32
        %add3A_469 = arith.addi %mul3A_386, %add3A_468 : i32
        %get3A_470 = arith.index_cast %add3A_469 : i32 to index
        %get3A_471 = arith.constant 16 : index
        %get3A_472 = tpu.vector_load %arg12[%get3A_470, %get3A_471] {strides = array<i32>} : memref<160x128xf32, #tpu.memory_space<vmem>>, vector<1x16xf32>,
        %get3A_473 = vector.shape_cast %get3A_472 : vector<1x16xf32> to vector<16xf32>
        %add3A_474 = arith.addf %add3A_467, %get3A_473 : vector<16xf32>
        %add3A_475 = arith.constant 3 : i32
        %add3A_476 = arith.addi %mul3A_386, %add3A_475 : i32
        %get3A_477 = arith.index_cast %add3A_476 : i32 to index
        %get3A_478 = arith.constant 16 : index
        %get3A_479 = tpu.vector_load %arg12[%get3A_477, %get3A_478] {strides = array<i32>} : memref<160x128xf32, #tpu.memory_space<vmem>>, vector<1x16xf32>,
        %get3A_480 = vector.shape_cast %get3A_479 : vector<1x16xf32> to vector<16xf32>
        %add3A_481 = arith.addf %add3A_474, %get3A_480 : vector<16xf32>
        %add3A_482 = arith.constant 4 : i32
        %add3A_483 = arith.addi %mul3A_386, %add3A_482 : i32
        %get3A_484 = arith.index_cast %add3A_483 : i32 to index
        %get3A_485 = arith.constant 16 : index
        %get3A_486 = tpu.vector_load %arg12[%get3A_484, %get3A_485] {strides = array<i32>} : memref<160x128xf32, #tpu.memory_space<vmem>>, vector<1x16xf32>,
        %get3A_487 = vector.shape_cast %get3A_486 : vector<1x16xf32> to vector<16xf32>
        %add3A_488 = arith.addf %add3A_481, %get3A_487 : vector<16xf32>
        %add3A_489 = arith.constant 5 : i32
        %add3A_490 = arith.addi %mul3A_386, %add3A_489 : i32
        %get3A_491 = arith.index_cast %add3A_490 : i32 to index
        %get3A_492 = arith.constant 16 : index
        %get3A_493 = tpu.vector_load %arg12[%get3A_491, %get3A_492] {strides = array<i32>} : memref<160x128xf32, #tpu.memory_space<vmem>>, vector<1x16xf32>,
        %get3A_494 = vector.shape_cast %get3A_493 : vector<1x16xf32> to vector<16xf32>
        %add3A_495 = arith.addf %add3A_488, %get3A_494 : vector<16xf32>
        %add3A_496 = arith.constant 6 : i32
        %add3A_497 = arith.addi %mul3A_386, %add3A_496 : i32
        %get3A_498 = arith.index_cast %add3A_497 : i32 to index
        %get3A_499 = arith.constant 16 : index
        %get3A_500 = tpu.vector_load %arg12[%get3A_498, %get3A_499] {strides = array<i32>} : memref<160x128xf32, #tpu.memory_space<vmem>>, vector<1x16xf32>,
        %get3A_501 = vector.shape_cast %get3A_500 : vector<1x16xf32> to vector<16xf32>
        %add3A_502 = arith.addf %add3A_495, %get3A_501 : vector<16xf32>
        %add3A_503 = arith.constant 7 : i32
        %add3A_504 = arith.addi %mul3A_386, %add3A_503 : i32
        %get3A_505 = arith.index_cast %add3A_504 : i32 to index
        %get3A_506 = arith.constant 16 : index
        %get3A_507 = tpu.vector_load %arg12[%get3A_505, %get3A_506] {strides = array<i32>} : memref<160x128xf32, #tpu.memory_space<vmem>>, vector<1x16xf32>,
        %get3A_508 = vector.shape_cast %get3A_507 : vector<1x16xf32> to vector<16xf32>
        %add3A_509 = arith.addf %add3A_502, %get3A_508 : vector<16xf32>
        %add3A_510 = arith.constant 8 : i32
        %add3A_511 = arith.addi %mul3A_386, %add3A_510 : i32
        %get3A_512 = arith.index_cast %add3A_511 : i32 to index
        %get3A_513 = arith.constant 16 : index
        %get3A_514 = tpu.vector_load %arg12[%get3A_512, %get3A_513] {strides = array<i32>} : memref<160x128xf32, #tpu.memory_space<vmem>>, vector<1x16xf32>,
        %get3A_515 = vector.shape_cast %get3A_514 : vector<1x16xf32> to vector<16xf32>
        %add3A_516 = arith.addf %add3A_509, %get3A_515 : vector<16xf32>
        %add3A_517 = arith.constant 9 : i32
        %add3A_518 = arith.addi %mul3A_386, %add3A_517 : i32
        %get3A_519 = arith.index_cast %add3A_518 : i32 to index
        %get3A_520 = arith.constant 16 : index
        %get3A_521 = tpu.vector_load %arg12[%get3A_519, %get3A_520] {strides = array<i32>} : memref<160x128xf32, #tpu.memory_space<vmem>>, vector<1x16xf32>,
        %get3A_522 = vector.shape_cast %get3A_521 : vector<1x16xf32> to vector<16xf32>
        %add3A_523 = arith.addf %add3A_516, %get3A_522 : vector<16xf32>
        %swap3A_524 = arith.index_cast %scan3A_384 : i32 to index
        %swap3A_525 = arith.constant 16 : index
        %swap3A_526 = tpu.vector_load %arg16[%swap3A_524, %swap3A_525] {strides = array<i32>} : memref<16x128xf32, #tpu.memory_space<vmem>>, vector<1x16xf32>,
        %swap3A_527 = vector.shape_cast %swap3A_526 : vector<1x16xf32> to vector<16xf32>
        %swap3A_528 = vector.shape_cast %add3A_523 : vector<16xf32> to vector<1x16xf32>
        tpu.vector_store %arg16[%swap3A_524, %swap3A_525], %swap3A_528 {strides = array<i32>} : memref<16x128xf32, #tpu.memory_space<vmem>>, vector<1x16xf32>,
        %get3A_529 = arith.index_cast %mul3A_386 : i32 to index
        %get3A_530 = arith.constant 32 : index
        %get3A_531 = tpu.vector_load %arg12[%get3A_529, %get3A_530] {strides = array<i32>} : memref<160x128xf32, #tpu.memory_space<vmem>>, vector<1x16xf32>,
        %get3A_532 = vector.shape_cast %get3A_531 : vector<1x16xf32> to vector<16xf32>
        %add3A_533 = arith.constant 1 : i32
        %add3A_534 = arith.addi %mul3A_386, %add3A_533 : i32
        %get3A_535 = arith.index_cast %add3A_534 : i32 to index
        %get3A_536 = arith.constant 32 : index
        %get3A_537 = tpu.vector_load %arg12[%get3A_535, %get3A_536] {strides = array<i32>} : memref<160x128xf32, #tpu.memory_space<vmem>>, vector<1x16xf32>,
        %get3A_538 = vector.shape_cast %get3A_537 : vector<1x16xf32> to vector<16xf32>
        %add3A_539 = arith.addf %get3A_532, %get3A_538 : vector<16xf32>
        %add3A_540 = arith.constant 2 : i32
        %add3A_541 = arith.addi %mul3A_386, %add3A_540 : i32
        %get3A_542 = arith.index_cast %add3A_541 : i32 to index
        %get3A_543 = arith.constant 32 : index
        %get3A_544 = tpu.vector_load %arg12[%get3A_542, %get3A_543] {strides = array<i32>} : memref<160x128xf32, #tpu.memory_space<vmem>>, vector<1x16xf32>,
        %get3A_545 = vector.shape_cast %get3A_544 : vector<1x16xf32> to vector<16xf32>
        %add3A_546 = arith.addf %add3A_539, %get3A_545 : vector<16xf32>
        %add3A_547 = arith.constant 3 : i32
        %add3A_548 = arith.addi %mul3A_386, %add3A_547 : i32
        %get3A_549 = arith.index_cast %add3A_548 : i32 to index
        %get3A_550 = arith.constant 32 : index
        %get3A_551 = tpu.vector_load %arg12[%get3A_549, %get3A_550] {strides = array<i32>} : memref<160x128xf32, #tpu.memory_space<vmem>>, vector<1x16xf32>,
        %get3A_552 = vector.shape_cast %get3A_551 : vector<1x16xf32> to vector<16xf32>
        %add3A_553 = arith.addf %add3A_546, %get3A_552 : vector<16xf32>
        %add3A_554 = arith.constant 4 : i32
        %add3A_555 = arith.addi %mul3A_386, %add3A_554 : i32
        %get3A_556 = arith.index_cast %add3A_555 : i32 to index
        %get3A_557 = arith.constant 32 : index
        %get3A_558 = tpu.vector_load %arg12[%get3A_556, %get3A_557] {strides = array<i32>} : memref<160x128xf32, #tpu.memory_space<vmem>>, vector<1x16xf32>,
        %get3A_559 = vector.shape_cast %get3A_558 : vector<1x16xf32> to vector<16xf32>
        %add3A_560 = arith.addf %add3A_553, %get3A_559 : vector<16xf32>
        %add3A_561 = arith.constant 5 : i32
        %add3A_562 = arith.addi %mul3A_386, %add3A_561 : i32
        %get3A_563 = arith.index_cast %add3A_562 : i32 to index
        %get3A_564 = arith.constant 32 : index
        %get3A_565 = tpu.vector_load %arg12[%get3A_563, %get3A_564] {strides = array<i32>} : memref<160x128xf32, #tpu.memory_space<vmem>>, vector<1x16xf32>,
        %get3A_566 = vector.shape_cast %get3A_565 : vector<1x16xf32> to vector<16xf32>
        %add3A_567 = arith.addf %add3A_560, %get3A_566 : vector<16xf32>
        %add3A_568 = arith.constant 6 : i32
        %add3A_569 = arith.addi %mul3A_386, %add3A_568 : i32
        %get3A_570 = arith.index_cast %add3A_569 : i32 to index
        %get3A_571 = arith.constant 32 : index
        %get3A_572 = tpu.vector_load %arg12[%get3A_570, %get3A_571] {strides = array<i32>} : memref<160x128xf32, #tpu.memory_space<vmem>>, vector<1x16xf32>,
        %get3A_573 = vector.shape_cast %get3A_572 : vector<1x16xf32> to vector<16xf32>
        %add3A_574 = arith.addf %add3A_567, %get3A_573 : vector<16xf32>
        %add3A_575 = arith.constant 7 : i32
        %add3A_576 = arith.addi %mul3A_386, %add3A_575 : i32
        %get3A_577 = arith.index_cast %add3A_576 : i32 to index
        %get3A_578 = arith.constant 32 : index
        %get3A_579 = tpu.vector_load %arg12[%get3A_577, %get3A_578] {strides = array<i32>} : memref<160x128xf32, #tpu.memory_space<vmem>>, vector<1x16xf32>,
        %get3A_580 = vector.shape_cast %get3A_579 : vector<1x16xf32> to vector<16xf32>
        %add3A_581 = arith.addf %add3A_574, %get3A_580 : vector<16xf32>
        %add3A_582 = arith.constant 8 : i32
        %add3A_583 = arith.addi %mul3A_386, %add3A_582 : i32
        %get3A_584 = arith.index_cast %add3A_583 : i32 to index
        %get3A_585 = arith.constant 32 : index
        %get3A_586 = tpu.vector_load %arg12[%get3A_584, %get3A_585] {strides = array<i32>} : memref<160x128xf32, #tpu.memory_space<vmem>>, vector<1x16xf32>,
        %get3A_587 = vector.shape_cast %get3A_586 : vector<1x16xf32> to vector<16xf32>
        %add3A_588 = arith.addf %add3A_581, %get3A_587 : vector<16xf32>
        %add3A_589 = arith.constant 9 : i32
        %add3A_590 = arith.addi %mul3A_386, %add3A_589 : i32
        %get3A_591 = arith.index_cast %add3A_590 : i32 to index
        %get3A_592 = arith.constant 32 : index
        %get3A_593 = tpu.vector_load %arg12[%get3A_591, %get3A_592] {strides = array<i32>} : memref<160x128xf32, #tpu.memory_space<vmem>>, vector<1x16xf32>,
        %get3A_594 = vector.shape_cast %get3A_593 : vector<1x16xf32> to vector<16xf32>
        %add3A_595 = arith.addf %add3A_588, %get3A_594 : vector<16xf32>
        %swap3A_596 = arith.index_cast %scan3A_384 : i32 to index
        %swap3A_597 = arith.constant 32 : index
        %swap3A_598 = tpu.vector_load %arg16[%swap3A_596, %swap3A_597] {strides = array<i32>} : memref<16x128xf32, #tpu.memory_space<vmem>>, vector<1x16xf32>,
        %swap3A_599 = vector.shape_cast %swap3A_598 : vector<1x16xf32> to vector<16xf32>
        %swap3A_600 = vector.shape_cast %add3A_595 : vector<16xf32> to vector<1x16xf32>
        tpu.vector_store %arg16[%swap3A_596, %swap3A_597], %swap3A_600 {strides = array<i32>} : memref<16x128xf32, #tpu.memory_space<vmem>>, vector<1x16xf32>,
        %get3A_601 = arith.index_cast %mul3A_386 : i32 to index
        %get3A_602 = arith.constant 48 : index
        %get3A_603 = tpu.vector_load %arg12[%get3A_601, %get3A_602] {strides = array<i32>} : memref<160x128xf32, #tpu.memory_space<vmem>>, vector<1x16xf32>,
        %get3A_604 = vector.shape_cast %get3A_603 : vector<1x16xf32> to vector<16xf32>
        %add3A_605 = arith.constant 1 : i32
        %add3A_606 = arith.addi %mul3A_386, %add3A_605 : i32
        %get3A_607 = arith.index_cast %add3A_606 : i32 to index
        %get3A_608 = arith.constant 48 : index
        %get3A_609 = tpu.vector_load %arg12[%get3A_607, %get3A_608] {strides = array<i32>} : memref<160x128xf32, #tpu.memory_space<vmem>>, vector<1x16xf32>,
        %get3A_610 = vector.shape_cast %get3A_609 : vector<1x16xf32> to vector<16xf32>
        %add3A_611 = arith.addf %get3A_604, %get3A_610 : vector<16xf32>
        %add3A_612 = arith.constant 2 : i32
        %add3A_613 = arith.addi %mul3A_386, %add3A_612 : i32
        %get3A_614 = arith.index_cast %add3A_613 : i32 to index
        %get3A_615 = arith.constant 48 : index
        %get3A_616 = tpu.vector_load %arg12[%get3A_614, %get3A_615] {strides = array<i32>} : memref<160x128xf32, #tpu.memory_space<vmem>>, vector<1x16xf32>,
        %get3A_617 = vector.shape_cast %get3A_616 : vector<1x16xf32> to vector<16xf32>
        %add3A_618 = arith.addf %add3A_611, %get3A_617 : vector<16xf32>
        %add3A_619 = arith.constant 3 : i32
        %add3A_620 = arith.addi %mul3A_386, %add3A_619 : i32
        %get3A_621 = arith.index_cast %add3A_620 : i32 to index
        %get3A_622 = arith.constant 48 : index
        %get3A_623 = tpu.vector_load %arg12[%get3A_621, %get3A_622] {strides = array<i32>} : memref<160x128xf32, #tpu.memory_space<vmem>>, vector<1x16xf32>,
        %get3A_624 = vector.shape_cast %get3A_623 : vector<1x16xf32> to vector<16xf32>
        %add3A_625 = arith.addf %add3A_618, %get3A_624 : vector<16xf32>
        %add3A_626 = arith.constant 4 : i32
        %add3A_627 = arith.addi %mul3A_386, %add3A_626 : i32
        %get3A_628 = arith.index_cast %add3A_627 : i32 to index
        %get3A_629 = arith.constant 48 : index
        %get3A_630 = tpu.vector_load %arg12[%get3A_628, %get3A_629] {strides = array<i32>} : memref<160x128xf32, #tpu.memory_space<vmem>>, vector<1x16xf32>,
        %get3A_631 = vector.shape_cast %get3A_630 : vector<1x16xf32> to vector<16xf32>
        %add3A_632 = arith.addf %add3A_625, %get3A_631 : vector<16xf32>
        %add3A_633 = arith.constant 5 : i32
        %add3A_634 = arith.addi %mul3A_386, %add3A_633 : i32
        %get3A_635 = arith.index_cast %add3A_634 : i32 to index
        %get3A_636 = arith.constant 48 : index
        %get3A_637 = tpu.vector_load %arg12[%get3A_635, %get3A_636] {strides = array<i32>} : memref<160x128xf32, #tpu.memory_space<vmem>>, vector<1x16xf32>,
        %get3A_638 = vector.shape_cast %get3A_637 : vector<1x16xf32> to vector<16xf32>
        %add3A_639 = arith.addf %add3A_632, %get3A_638 : vector<16xf32>
        %add3A_640 = arith.constant 6 : i32
        %add3A_641 = arith.addi %mul3A_386, %add3A_640 : i32
        %get3A_642 = arith.index_cast %add3A_641 : i32 to index
        %get3A_643 = arith.constant 48 : index
        %get3A_644 = tpu.vector_load %arg12[%get3A_642, %get3A_643] {strides = array<i32>} : memref<160x128xf32, #tpu.memory_space<vmem>>, vector<1x16xf32>,
        %get3A_645 = vector.shape_cast %get3A_644 : vector<1x16xf32> to vector<16xf32>
        %add3A_646 = arith.addf %add3A_639, %get3A_645 : vector<16xf32>
        %add3A_647 = arith.constant 7 : i32
        %add3A_648 = arith.addi %mul3A_386, %add3A_647 : i32
        %get3A_649 = arith.index_cast %add3A_648 : i32 to index
        %get3A_650 = arith.constant 48 : index
        %get3A_651 = tpu.vector_load %arg12[%get3A_649, %get3A_650] {strides = array<i32>} : memref<160x128xf32, #tpu.memory_space<vmem>>, vector<1x16xf32>,
        %get3A_652 = vector.shape_cast %get3A_651 : vector<1x16xf32> to vector<16xf32>
        %add3A_653 = arith.addf %add3A_646, %get3A_652 : vector<16xf32>
        %add3A_654 = arith.constant 8 : i32
        %add3A_655 = arith.addi %mul3A_386, %add3A_654 : i32
        %get3A_656 = arith.index_cast %add3A_655 : i32 to index
        %get3A_657 = arith.constant 48 : index
        %get3A_658 = tpu.vector_load %arg12[%get3A_656, %get3A_657] {strides = array<i32>} : memref<160x128xf32, #tpu.memory_space<vmem>>, vector<1x16xf32>,
        %get3A_659 = vector.shape_cast %get3A_658 : vector<1x16xf32> to vector<16xf32>
        %add3A_660 = arith.addf %add3A_653, %get3A_659 : vector<16xf32>
        %add3A_661 = arith.constant 9 : i32
        %add3A_662 = arith.addi %mul3A_386, %add3A_661 : i32
        %get3A_663 = arith.index_cast %add3A_662 : i32 to index
        %get3A_664 = arith.constant 48 : index
        %get3A_665 = tpu.vector_load %arg12[%get3A_663, %get3A_664] {strides = array<i32>} : memref<160x128xf32, #tpu.memory_space<vmem>>, vector<1x16xf32>,
        %get3A_666 = vector.shape_cast %get3A_665 : vector<1x16xf32> to vector<16xf32>
        %add3A_667 = arith.addf %add3A_660, %get3A_666 : vector<16xf32>
        %swap3A_668 = arith.index_cast %scan3A_384 : i32 to index
        %swap3A_669 = arith.constant 48 : index
        %swap3A_670 = tpu.vector_load %arg16[%swap3A_668, %swap3A_669] {strides = array<i32>} : memref<16x128xf32, #tpu.memory_space<vmem>>, vector<1x16xf32>,
        %swap3A_671 = vector.shape_cast %swap3A_670 : vector<1x16xf32> to vector<16xf32>
        %swap3A_672 = vector.shape_cast %add3A_667 : vector<16xf32> to vector<1x16xf32>
        tpu.vector_store %arg16[%swap3A_668, %swap3A_669], %swap3A_672 {strides = array<i32>} : memref<16x128xf32, #tpu.memory_space<vmem>>, vector<1x16xf32>,
        %get3A_673 = arith.index_cast %mul3A_386 : i32 to index
        %get3A_674 = arith.constant 64 : index
        %get3A_675 = tpu.vector_load %arg12[%get3A_673, %get3A_674] {strides = array<i32>} : memref<160x128xf32, #tpu.memory_space<vmem>>, vector<1x16xf32>,
        %get3A_676 = vector.shape_cast %get3A_675 : vector<1x16xf32> to vector<16xf32>
        %add3A_677 = arith.constant 1 : i32
        %add3A_678 = arith.addi %mul3A_386, %add3A_677 : i32
        %get3A_679 = arith.index_cast %add3A_678 : i32 to index
        %get3A_680 = arith.constant 64 : index
        %get3A_681 = tpu.vector_load %arg12[%get3A_679, %get3A_680] {strides = array<i32>} : memref<160x128xf32, #tpu.memory_space<vmem>>, vector<1x16xf32>,
        %get3A_682 = vector.shape_cast %get3A_681 : vector<1x16xf32> to vector<16xf32>
        %add3A_683 = arith.addf %get3A_676, %get3A_682 : vector<16xf32>
        %add3A_684 = arith.constant 2 : i32
        %add3A_685 = arith.addi %mul3A_386, %add3A_684 : i32
        %get3A_686 = arith.index_cast %add3A_685 : i32 to index
        %get3A_687 = arith.constant 64 : index
        %get3A_688 = tpu.vector_load %arg12[%get3A_686, %get3A_687] {strides = array<i32>} : memref<160x128xf32, #tpu.memory_space<vmem>>, vector<1x16xf32>,
        %get3A_689 = vector.shape_cast %get3A_688 : vector<1x16xf32> to vector<16xf32>
        %add3A_690 = arith.addf %add3A_683, %get3A_689 : vector<16xf32>
        %add3A_691 = arith.constant 3 : i32
        %add3A_692 = arith.addi %mul3A_386, %add3A_691 : i32
        %get3A_693 = arith.index_cast %add3A_692 : i32 to index
        %get3A_694 = arith.constant 64 : index
        %get3A_695 = tpu.vector_load %arg12[%get3A_693, %get3A_694] {strides = array<i32>} : memref<160x128xf32, #tpu.memory_space<vmem>>, vector<1x16xf32>,
        %get3A_696 = vector.shape_cast %get3A_695 : vector<1x16xf32> to vector<16xf32>
        %add3A_697 = arith.addf %add3A_690, %get3A_696 : vector<16xf32>
        %add3A_698 = arith.constant 4 : i32
        %add3A_699 = arith.addi %mul3A_386, %add3A_698 : i32
        %get3A_700 = arith.index_cast %add3A_699 : i32 to index
        %get3A_701 = arith.constant 64 : index
        %get3A_702 = tpu.vector_load %arg12[%get3A_700, %get3A_701] {strides = array<i32>} : memref<160x128xf32, #tpu.memory_space<vmem>>, vector<1x16xf32>,
        %get3A_703 = vector.shape_cast %get3A_702 : vector<1x16xf32> to vector<16xf32>
        %add3A_704 = arith.addf %add3A_697, %get3A_703 : vector<16xf32>
        %add3A_705 = arith.constant 5 : i32
        %add3A_706 = arith.addi %mul3A_386, %add3A_705 : i32
        %get3A_707 = arith.index_cast %add3A_706 : i32 to index
        %get3A_708 = arith.constant 64 : index
        %get3A_709 = tpu.vector_load %arg12[%get3A_707, %get3A_708] {strides = array<i32>} : memref<160x128xf32, #tpu.memory_space<vmem>>, vector<1x16xf32>,
        %get3A_710 = vector.shape_cast %get3A_709 : vector<1x16xf32> to vector<16xf32>
        %add3A_711 = arith.addf %add3A_704, %get3A_710 : vector<16xf32>
        %add3A_712 = arith.constant 6 : i32
        %add3A_713 = arith.addi %mul3A_386, %add3A_712 : i32
        %get3A_714 = arith.index_cast %add3A_713 : i32 to index
        %get3A_715 = arith.constant 64 : index
        %get3A_716 = tpu.vector_load %arg12[%get3A_714, %get3A_715] {strides = array<i32>} : memref<160x128xf32, #tpu.memory_space<vmem>>, vector<1x16xf32>,
        %get3A_717 = vector.shape_cast %get3A_716 : vector<1x16xf32> to vector<16xf32>
        %add3A_718 = arith.addf %add3A_711, %get3A_717 : vector<16xf32>
        %add3A_719 = arith.constant 7 : i32
        %add3A_720 = arith.addi %mul3A_386, %add3A_719 : i32
        %get3A_721 = arith.index_cast %add3A_720 : i32 to index
        %get3A_722 = arith.constant 64 : index
        %get3A_723 = tpu.vector_load %arg12[%get3A_721, %get3A_722] {strides = array<i32>} : memref<160x128xf32, #tpu.memory_space<vmem>>, vector<1x16xf32>,
        %get3A_724 = vector.shape_cast %get3A_723 : vector<1x16xf32> to vector<16xf32>
        %add3A_725 = arith.addf %add3A_718, %get3A_724 : vector<16xf32>
        %add3A_726 = arith.constant 8 : i32
        %add3A_727 = arith.addi %mul3A_386, %add3A_726 : i32
        %get3A_728 = arith.index_cast %add3A_727 : i32 to index
        %get3A_729 = arith.constant 64 : index
        %get3A_730 = tpu.vector_load %arg12[%get3A_728, %get3A_729] {strides = array<i32>} : memref<160x128xf32, #tpu.memory_space<vmem>>, vector<1x16xf32>,
        %get3A_731 = vector.shape_cast %get3A_730 : vector<1x16xf32> to vector<16xf32>
        %add3A_732 = arith.addf %add3A_725, %get3A_731 : vector<16xf32>
        %add3A_733 = arith.constant 9 : i32
        %add3A_734 = arith.addi %mul3A_386, %add3A_733 : i32
        %get3A_735 = arith.index_cast %add3A_734 : i32 to index
        %get3A_736 = arith.constant 64 : index
        %get3A_737 = tpu.vector_load %arg12[%get3A_735, %get3A_736] {strides = array<i32>} : memref<160x128xf32, #tpu.memory_space<vmem>>, vector<1x16xf32>,
        %get3A_738 = vector.shape_cast %get3A_737 : vector<1x16xf32> to vector<16xf32>
        %add3A_739 = arith.addf %add3A_732, %get3A_738 : vector<16xf32>
        %swap3A_740 = arith.index_cast %scan3A_384 : i32 to index
        %swap3A_741 = arith.constant 64 : index
        %swap3A_742 = tpu.vector_load %arg16[%swap3A_740, %swap3A_741] {strides = array<i32>} : memref<16x128xf32, #tpu.memory_space<vmem>>, vector<1x16xf32>,
        %swap3A_743 = vector.shape_cast %swap3A_742 : vector<1x16xf32> to vector<16xf32>
        %swap3A_744 = vector.shape_cast %add3A_739 : vector<16xf32> to vector<1x16xf32>
        tpu.vector_store %arg16[%swap3A_740, %swap3A_741], %swap3A_744 {strides = array<i32>} : memref<16x128xf32, #tpu.memory_space<vmem>>, vector<1x16xf32>,
        %get3A_745 = arith.index_cast %mul3A_386 : i32 to index
        %get3A_746 = arith.constant 80 : index
        %get3A_747 = tpu.vector_load %arg12[%get3A_745, %get3A_746] {strides = array<i32>} : memref<160x128xf32, #tpu.memory_space<vmem>>, vector<1x16xf32>,
        %get3A_748 = vector.shape_cast %get3A_747 : vector<1x16xf32> to vector<16xf32>
        %add3A_749 = arith.constant 1 : i32
        %add3A_750 = arith.addi %mul3A_386, %add3A_749 : i32
        %get3A_751 = arith.index_cast %add3A_750 : i32 to index
        %get3A_752 = arith.constant 80 : index
        %get3A_753 = tpu.vector_load %arg12[%get3A_751, %get3A_752] {strides = array<i32>} : memref<160x128xf32, #tpu.memory_space<vmem>>, vector<1x16xf32>,
        %get3A_754 = vector.shape_cast %get3A_753 : vector<1x16xf32> to vector<16xf32>
        %add3A_755 = arith.addf %get3A_748, %get3A_754 : vector<16xf32>
        %add3A_756 = arith.constant 2 : i32
        %add3A_757 = arith.addi %mul3A_386, %add3A_756 : i32
        %get3A_758 = arith.index_cast %add3A_757 : i32 to index
        %get3A_759 = arith.constant 80 : index
        %get3A_760 = tpu.vector_load %arg12[%get3A_758, %get3A_759] {strides = array<i32>} : memref<160x128xf32, #tpu.memory_space<vmem>>, vector<1x16xf32>,
        %get3A_761 = vector.shape_cast %get3A_760 : vector<1x16xf32> to vector<16xf32>
        %add3A_762 = arith.addf %add3A_755, %get3A_761 : vector<16xf32>
        %add3A_763 = arith.constant 3 : i32
        %add3A_764 = arith.addi %mul3A_386, %add3A_763 : i32
        %get3A_765 = arith.index_cast %add3A_764 : i32 to index
        %get3A_766 = arith.constant 80 : index
        %get3A_767 = tpu.vector_load %arg12[%get3A_765, %get3A_766] {strides = array<i32>} : memref<160x128xf32, #tpu.memory_space<vmem>>, vector<1x16xf32>,
        %get3A_768 = vector.shape_cast %get3A_767 : vector<1x16xf32> to vector<16xf32>
        %add3A_769 = arith.addf %add3A_762, %get3A_768 : vector<16xf32>
        %add3A_770 = arith.constant 4 : i32
        %add3A_771 = arith.addi %mul3A_386, %add3A_770 : i32
        %get3A_772 = arith.index_cast %add3A_771 : i32 to index
        %get3A_773 = arith.constant 80 : index
        %get3A_774 = tpu.vector_load %arg12[%get3A_772, %get3A_773] {strides = array<i32>} : memref<160x128xf32, #tpu.memory_space<vmem>>, vector<1x16xf32>,
        %get3A_775 = vector.shape_cast %get3A_774 : vector<1x16xf32> to vector<16xf32>
        %add3A_776 = arith.addf %add3A_769, %get3A_775 : vector<16xf32>
        %add3A_777 = arith.constant 5 : i32
        %add3A_778 = arith.addi %mul3A_386, %add3A_777 : i32
        %get3A_779 = arith.index_cast %add3A_778 : i32 to index
        %get3A_780 = arith.constant 80 : index
        %get3A_781 = tpu.vector_load %arg12[%get3A_779, %get3A_780] {strides = array<i32>} : memref<160x128xf32, #tpu.memory_space<vmem>>, vector<1x16xf32>,
        %get3A_782 = vector.shape_cast %get3A_781 : vector<1x16xf32> to vector<16xf32>
        %add3A_783 = arith.addf %add3A_776, %get3A_782 : vector<16xf32>
        %add3A_784 = arith.constant 6 : i32
        %add3A_785 = arith.addi %mul3A_386, %add3A_784 : i32
        %get3A_786 = arith.index_cast %add3A_785 : i32 to index
        %get3A_787 = arith.constant 80 : index
        %get3A_788 = tpu.vector_load %arg12[%get3A_786, %get3A_787] {strides = array<i32>} : memref<160x128xf32, #tpu.memory_space<vmem>>, vector<1x16xf32>,
        %get3A_789 = vector.shape_cast %get3A_788 : vector<1x16xf32> to vector<16xf32>
        %add3A_790 = arith.addf %add3A_783, %get3A_789 : vector<16xf32>
        %add3A_791 = arith.constant 7 : i32
        %add3A_792 = arith.addi %mul3A_386, %add3A_791 : i32
        %get3A_793 = arith.index_cast %add3A_792 : i32 to index
        %get3A_794 = arith.constant 80 : index
        %get3A_795 = tpu.vector_load %arg12[%get3A_793, %get3A_794] {strides = array<i32>} : memref<160x128xf32, #tpu.memory_space<vmem>>, vector<1x16xf32>,
        %get3A_796 = vector.shape_cast %get3A_795 : vector<1x16xf32> to vector<16xf32>
        %add3A_797 = arith.addf %add3A_790, %get3A_796 : vector<16xf32>
        %add3A_798 = arith.constant 8 : i32
        %add3A_799 = arith.addi %mul3A_386, %add3A_798 : i32
        %get3A_800 = arith.index_cast %add3A_799 : i32 to index
        %get3A_801 = arith.constant 80 : index
        %get3A_802 = tpu.vector_load %arg12[%get3A_800, %get3A_801] {strides = array<i32>} : memref<160x128xf32, #tpu.memory_space<vmem>>, vector<1x16xf32>,
        %get3A_803 = vector.shape_cast %get3A_802 : vector<1x16xf32> to vector<16xf32>
        %add3A_804 = arith.addf %add3A_797, %get3A_803 : vector<16xf32>
        %add3A_805 = arith.constant 9 : i32
        %add3A_806 = arith.addi %mul3A_386, %add3A_805 : i32
        %get3A_807 = arith.index_cast %add3A_806 : i32 to index
        %get3A_808 = arith.constant 80 : index
        %get3A_809 = tpu.vector_load %arg12[%get3A_807, %get3A_808] {strides = array<i32>} : memref<160x128xf32, #tpu.memory_space<vmem>>, vector<1x16xf32>,
        %get3A_810 = vector.shape_cast %get3A_809 : vector<1x16xf32> to vector<16xf32>
        %add3A_811 = arith.addf %add3A_804, %get3A_810 : vector<16xf32>
        %swap3A_812 = arith.index_cast %scan3A_384 : i32 to index
        %swap3A_813 = arith.constant 80 : index
        %swap3A_814 = tpu.vector_load %arg16[%swap3A_812, %swap3A_813] {strides = array<i32>} : memref<16x128xf32, #tpu.memory_space<vmem>>, vector<1x16xf32>,
        %swap3A_815 = vector.shape_cast %swap3A_814 : vector<1x16xf32> to vector<16xf32>
        %swap3A_816 = vector.shape_cast %add3A_811 : vector<16xf32> to vector<1x16xf32>
        tpu.vector_store %arg16[%swap3A_812, %swap3A_813], %swap3A_816 {strides = array<i32>} : memref<16x128xf32, #tpu.memory_space<vmem>>, vector<1x16xf32>,
        %get3A_817 = arith.index_cast %mul3A_386 : i32 to index
        %get3A_818 = arith.constant 96 : index
        %get3A_819 = tpu.vector_load %arg12[%get3A_817, %get3A_818] {strides = array<i32>} : memref<160x128xf32, #tpu.memory_space<vmem>>, vector<1x16xf32>,
        %get3A_820 = vector.shape_cast %get3A_819 : vector<1x16xf32> to vector<16xf32>
        %add3A_821 = arith.constant 1 : i32
        %add3A_822 = arith.addi %mul3A_386, %add3A_821 : i32
        %get3A_823 = arith.index_cast %add3A_822 : i32 to index
        %get3A_824 = arith.constant 96 : index
        %get3A_825 = tpu.vector_load %arg12[%get3A_823, %get3A_824] {strides = array<i32>} : memref<160x128xf32, #tpu.memory_space<vmem>>, vector<1x16xf32>,
        %get3A_826 = vector.shape_cast %get3A_825 : vector<1x16xf32> to vector<16xf32>
        %add3A_827 = arith.addf %get3A_820, %get3A_826 : vector<16xf32>
        %add3A_828 = arith.constant 2 : i32
        %add3A_829 = arith.addi %mul3A_386, %add3A_828 : i32
        %get3A_830 = arith.index_cast %add3A_829 : i32 to index
        %get3A_831 = arith.constant 96 : index
        %get3A_832 = tpu.vector_load %arg12[%get3A_830, %get3A_831] {strides = array<i32>} : memref<160x128xf32, #tpu.memory_space<vmem>>, vector<1x16xf32>,
        %get3A_833 = vector.shape_cast %get3A_832 : vector<1x16xf32> to vector<16xf32>
        %add3A_834 = arith.addf %add3A_827, %get3A_833 : vector<16xf32>
        %add3A_835 = arith.constant 3 : i32
        %add3A_836 = arith.addi %mul3A_386, %add3A_835 : i32
        %get3A_837 = arith.index_cast %add3A_836 : i32 to index
        %get3A_838 = arith.constant 96 : index
        %get3A_839 = tpu.vector_load %arg12[%get3A_837, %get3A_838] {strides = array<i32>} : memref<160x128xf32, #tpu.memory_space<vmem>>, vector<1x16xf32>,
        %get3A_840 = vector.shape_cast %get3A_839 : vector<1x16xf32> to vector<16xf32>
        %add3A_841 = arith.addf %add3A_834, %get3A_840 : vector<16xf32>
        %add3A_842 = arith.constant 4 : i32
        %add3A_843 = arith.addi %mul3A_386, %add3A_842 : i32
        %get3A_844 = arith.index_cast %add3A_843 : i32 to index
        %get3A_845 = arith.constant 96 : index
        %get3A_846 = tpu.vector_load %arg12[%get3A_844, %get3A_845] {strides = array<i32>} : memref<160x128xf32, #tpu.memory_space<vmem>>, vector<1x16xf32>,
        %get3A_847 = vector.shape_cast %get3A_846 : vector<1x16xf32> to vector<16xf32>
        %add3A_848 = arith.addf %add3A_841, %get3A_847 : vector<16xf32>
        %add3A_849 = arith.constant 5 : i32
        %add3A_850 = arith.addi %mul3A_386, %add3A_849 : i32
        %get3A_851 = arith.index_cast %add3A_850 : i32 to index
        %get3A_852 = arith.constant 96 : index
        %get3A_853 = tpu.vector_load %arg12[%get3A_851, %get3A_852] {strides = array<i32>} : memref<160x128xf32, #tpu.memory_space<vmem>>, vector<1x16xf32>,
        %get3A_854 = vector.shape_cast %get3A_853 : vector<1x16xf32> to vector<16xf32>
        %add3A_855 = arith.addf %add3A_848, %get3A_854 : vector<16xf32>
        %add3A_856 = arith.constant 6 : i32
        %add3A_857 = arith.addi %mul3A_386, %add3A_856 : i32
        %get3A_858 = arith.index_cast %add3A_857 : i32 to index
        %get3A_859 = arith.constant 96 : index
        %get3A_860 = tpu.vector_load %arg12[%get3A_858, %get3A_859] {strides = array<i32>} : memref<160x128xf32, #tpu.memory_space<vmem>>, vector<1x16xf32>,
        %get3A_861 = vector.shape_cast %get3A_860 : vector<1x16xf32> to vector<16xf32>
        %add3A_862 = arith.addf %add3A_855, %get3A_861 : vector<16xf32>
        %add3A_863 = arith.constant 7 : i32
        %add3A_864 = arith.addi %mul3A_386, %add3A_863 : i32
        %get3A_865 = arith.index_cast %add3A_864 : i32 to index
        %get3A_866 = arith.constant 96 : index
        %get3A_867 = tpu.vector_load %arg12[%get3A_865, %get3A_866] {strides = array<i32>} : memref<160x128xf32, #tpu.memory_space<vmem>>, vector<1x16xf32>,
        %get3A_868 = vector.shape_cast %get3A_867 : vector<1x16xf32> to vector<16xf32>
        %add3A_869 = arith.addf %add3A_862, %get3A_868 : vector<16xf32>
        %add3A_870 = arith.constant 8 : i32
        %add3A_871 = arith.addi %mul3A_386, %add3A_870 : i32
        %get3A_872 = arith.index_cast %add3A_871 : i32 to index
        %get3A_873 = arith.constant 96 : index
        %get3A_874 = tpu.vector_load %arg12[%get3A_872, %get3A_873] {strides = array<i32>} : memref<160x128xf32, #tpu.memory_space<vmem>>, vector<1x16xf32>,
        %get3A_875 = vector.shape_cast %get3A_874 : vector<1x16xf32> to vector<16xf32>
        %add3A_876 = arith.addf %add3A_869, %get3A_875 : vector<16xf32>
        %add3A_877 = arith.constant 9 : i32
        %add3A_878 = arith.addi %mul3A_386, %add3A_877 : i32
        %get3A_879 = arith.index_cast %add3A_878 : i32 to index
        %get3A_880 = arith.constant 96 : index
        %get3A_881 = tpu.vector_load %arg12[%get3A_879, %get3A_880] {strides = array<i32>} : memref<160x128xf32, #tpu.memory_space<vmem>>, vector<1x16xf32>,
        %get3A_882 = vector.shape_cast %get3A_881 : vector<1x16xf32> to vector<16xf32>
        %add3A_883 = arith.addf %add3A_876, %get3A_882 : vector<16xf32>
        %swap3A_884 = arith.index_cast %scan3A_384 : i32 to index
        %swap3A_885 = arith.constant 96 : index
        %swap3A_886 = tpu.vector_load %arg16[%swap3A_884, %swap3A_885] {strides = array<i32>} : memref<16x128xf32, #tpu.memory_space<vmem>>, vector<1x16xf32>,
        %swap3A_887 = vector.shape_cast %swap3A_886 : vector<1x16xf32> to vector<16xf32>
        %swap3A_888 = vector.shape_cast %add3A_883 : vector<16xf32> to vector<1x16xf32>
        tpu.vector_store %arg16[%swap3A_884, %swap3A_885], %swap3A_888 {strides = array<i32>} : memref<16x128xf32, #tpu.memory_space<vmem>>, vector<1x16xf32>,
        %get3A_889 = arith.index_cast %mul3A_386 : i32 to index
        %get3A_890 = arith.constant 112 : index
        %get3A_891 = tpu.vector_load %arg12[%get3A_889, %get3A_890] {strides = array<i32>} : memref<160x128xf32, #tpu.memory_space<vmem>>, vector<1x16xf32>,
        %get3A_892 = vector.shape_cast %get3A_891 : vector<1x16xf32> to vector<16xf32>
        %add3A_893 = arith.constant 1 : i32
        %add3A_894 = arith.addi %mul3A_386, %add3A_893 : i32
        %get3A_895 = arith.index_cast %add3A_894 : i32 to index
        %get3A_896 = arith.constant 112 : index
        %get3A_897 = tpu.vector_load %arg12[%get3A_895, %get3A_896] {strides = array<i32>} : memref<160x128xf32, #tpu.memory_space<vmem>>, vector<1x16xf32>,
        %get3A_898 = vector.shape_cast %get3A_897 : vector<1x16xf32> to vector<16xf32>
        %add3A_899 = arith.addf %get3A_892, %get3A_898 : vector<16xf32>
        %add3A_900 = arith.constant 2 : i32
        %add3A_901 = arith.addi %mul3A_386, %add3A_900 : i32
        %get3A_902 = arith.index_cast %add3A_901 : i32 to index
        %get3A_903 = arith.constant 112 : index
        %get3A_904 = tpu.vector_load %arg12[%get3A_902, %get3A_903] {strides = array<i32>} : memref<160x128xf32, #tpu.memory_space<vmem>>, vector<1x16xf32>,
        %get3A_905 = vector.shape_cast %get3A_904 : vector<1x16xf32> to vector<16xf32>
        %add3A_906 = arith.addf %add3A_899, %get3A_905 : vector<16xf32>
        %add3A_907 = arith.constant 3 : i32
        %add3A_908 = arith.addi %mul3A_386, %add3A_907 : i32
        %get3A_909 = arith.index_cast %add3A_908 : i32 to index
        %get3A_910 = arith.constant 112 : index
        %get3A_911 = tpu.vector_load %arg12[%get3A_909, %get3A_910] {strides = array<i32>} : memref<160x128xf32, #tpu.memory_space<vmem>>, vector<1x16xf32>,
        %get3A_912 = vector.shape_cast %get3A_911 : vector<1x16xf32> to vector<16xf32>
        %add3A_913 = arith.addf %add3A_906, %get3A_912 : vector<16xf32>
        %add3A_914 = arith.constant 4 : i32
        %add3A_915 = arith.addi %mul3A_386, %add3A_914 : i32
        %get3A_916 = arith.index_cast %add3A_915 : i32 to index
        %get3A_917 = arith.constant 112 : index
        %get3A_918 = tpu.vector_load %arg12[%get3A_916, %get3A_917] {strides = array<i32>} : memref<160x128xf32, #tpu.memory_space<vmem>>, vector<1x16xf32>,
        %get3A_919 = vector.shape_cast %get3A_918 : vector<1x16xf32> to vector<16xf32>
        %add3A_920 = arith.addf %add3A_913, %get3A_919 : vector<16xf32>
        %add3A_921 = arith.constant 5 : i32
        %add3A_922 = arith.addi %mul3A_386, %add3A_921 : i32
        %get3A_923 = arith.index_cast %add3A_922 : i32 to index
        %get3A_924 = arith.constant 112 : index
        %get3A_925 = tpu.vector_load %arg12[%get3A_923, %get3A_924] {strides = array<i32>} : memref<160x128xf32, #tpu.memory_space<vmem>>, vector<1x16xf32>,
        %get3A_926 = vector.shape_cast %get3A_925 : vector<1x16xf32> to vector<16xf32>
        %add3A_927 = arith.addf %add3A_920, %get3A_926 : vector<16xf32>
        %add3A_928 = arith.constant 6 : i32
        %add3A_929 = arith.addi %mul3A_386, %add3A_928 : i32
        %get3A_930 = arith.index_cast %add3A_929 : i32 to index
        %get3A_931 = arith.constant 112 : index
        %get3A_932 = tpu.vector_load %arg12[%get3A_930, %get3A_931] {strides = array<i32>} : memref<160x128xf32, #tpu.memory_space<vmem>>, vector<1x16xf32>,
        %get3A_933 = vector.shape_cast %get3A_932 : vector<1x16xf32> to vector<16xf32>
        %add3A_934 = arith.addf %add3A_927, %get3A_933 : vector<16xf32>
        %add3A_935 = arith.constant 7 : i32
        %add3A_936 = arith.addi %mul3A_386, %add3A_935 : i32
        %get3A_937 = arith.index_cast %add3A_936 : i32 to index
        %get3A_938 = arith.constant 112 : index
        %get3A_939 = tpu.vector_load %arg12[%get3A_937, %get3A_938] {strides = array<i32>} : memref<160x128xf32, #tpu.memory_space<vmem>>, vector<1x16xf32>,
        %get3A_940 = vector.shape_cast %get3A_939 : vector<1x16xf32> to vector<16xf32>
        %add3A_941 = arith.addf %add3A_934, %get3A_940 : vector<16xf32>
        %add3A_942 = arith.constant 8 : i32
        %add3A_943 = arith.addi %mul3A_386, %add3A_942 : i32
        %get3A_944 = arith.index_cast %add3A_943 : i32 to index
        %get3A_945 = arith.constant 112 : index
        %get3A_946 = tpu.vector_load %arg12[%get3A_944, %get3A_945] {strides = array<i32>} : memref<160x128xf32, #tpu.memory_space<vmem>>, vector<1x16xf32>,
        %get3A_947 = vector.shape_cast %get3A_946 : vector<1x16xf32> to vector<16xf32>
        %add3A_948 = arith.addf %add3A_941, %get3A_947 : vector<16xf32>
        %add3A_949 = arith.constant 9 : i32
        %add3A_950 = arith.addi %mul3A_386, %add3A_949 : i32
        %get3A_951 = arith.index_cast %add3A_950 : i32 to index
        %get3A_952 = arith.constant 112 : index
        %get3A_953 = tpu.vector_load %arg12[%get3A_951, %get3A_952] {strides = array<i32>} : memref<160x128xf32, #tpu.memory_space<vmem>>, vector<1x16xf32>,
        %get3A_954 = vector.shape_cast %get3A_953 : vector<1x16xf32> to vector<16xf32>
        %add3A_955 = arith.addf %add3A_948, %get3A_954 : vector<16xf32>
        %swap3A_956 = arith.index_cast %scan3A_384 : i32 to index
        %swap3A_957 = arith.constant 112 : index
        %swap3A_958 = tpu.vector_load %arg16[%swap3A_956, %swap3A_957] {strides = array<i32>} : memref<16x128xf32, #tpu.memory_space<vmem>>, vector<1x16xf32>,
        %swap3A_959 = vector.shape_cast %swap3A_958 : vector<1x16xf32> to vector<16xf32>
        %swap3A_960 = vector.shape_cast %add3A_955 : vector<16xf32> to vector<1x16xf32>
        tpu.vector_store %arg16[%swap3A_956, %swap3A_957], %swap3A_960 {strides = array<i32>} : memref<16x128xf32, #tpu.memory_space<vmem>>, vector<1x16xf32>,
      }
      %scan3A_372 = arith.constant 16 : i32
      %add3A_373 = arith.constant 1 : i32
      %add3A_374 = arith.addi %mul3A_282, %add3A_373 : i32
      %mul3A_375 = arith.constant 800 : i32
      %mul3A_376 = arith.muli %add3A, %mul3A_375 : i32
      %mul3A_377 = arith.constant 16 : i32
      %mul3A_378 = arith.muli %add3A_374, %mul3A_377 : i32
      %add3A_379 = arith.addi %mul3A_376, %mul3A_378 : i32
      %dma_start3A_380 = arith.constant 0 : i32
      %dma_start3A_381 = tpu.memref_slice %arg9[%add3A_379, %dma_start3A_380] : memref<25600x128xf32, #tpu.memory_space<hbm>> -> memref<16x128xf32, #tpu.memory_space<hbm>>
      %dma_start3A_382 = arith.constant 0 : i32
      %dma_start3A_383 = tpu.memref_slice %arg9[%add3A_379, %dma_start3A_382] : memref<25600x128xf32, #tpu.memory_space<hbm>> -> memref<16x128xf32, #tpu.memory_space<hbm>>
      tpu.enqueue_dma source(%arg16 : memref<16x128xf32, #tpu.memory_space<vmem>>) target(%dma_start3A_383 : memref<16x128xf32, #tpu.memory_space<hbm>>) target_semaphore(%arg20 : memref<!tpu.dma_semaphore, #tpu.memory_space<semaphore_mem>>)
    }
    %scan3A_22 = arith.constant 25 : i32
    %mul3A_23 = arith.constant 800 : i32
    %mul3A_24 = arith.muli %add3A, %mul3A_23 : i32
    %add3A_25 = arith.constant 768 : i32
    %add3A_26 = arith.addi %mul3A_24, %add3A_25 : i32
    %dma_wait3A = arith.constant 0 : i32
    %dma_wait3A_27 = tpu.memref_slice %arg9[%add3A_26, %dma_wait3A] : memref<25600x128xf32, #tpu.memory_space<hbm>> -> memref<16x128xf32, #tpu.memory_space<hbm>>
    %dma_wait3A_28 = arith.constant 0 : i32
    %dma_wait3A_29 = tpu.memref_slice %arg9[%add3A_26, %dma_wait3A_28] : memref<25600x128xf32, #tpu.memory_space<hbm>> -> memref<16x128xf32, #tpu.memory_space<hbm>>
    tpu.wait_dma2 semaphore(%arg19 : memref<!tpu.dma_semaphore, #tpu.memory_space<semaphore_mem>>) src(%arg15 : memref<16x128xf32, #tpu.memory_space<vmem>>) dst(%dma_wait3A_29 : memref<16x128xf32, #tpu.memory_space<hbm>>)
    %mul3A_30 = arith.constant 800 : i32
    %mul3A_31 = arith.muli %add3A, %mul3A_30 : i32
    %add3A_32 = arith.constant 784 : i32
    %add3A_33 = arith.addi %mul3A_31, %add3A_32 : i32
    %dma_wait3A_34 = arith.constant 0 : i32
    %dma_wait3A_35 = tpu.memref_slice %arg9[%add3A_33, %dma_wait3A_34] : memref<25600x128xf32, #tpu.memory_space<hbm>> -> memref<16x128xf32, #tpu.memory_space<hbm>>
    %dma_wait3A_36 = arith.constant 0 : i32
    %dma_wait3A_37 = tpu.memref_slice %arg9[%add3A_33, %dma_wait3A_36] : memref<25600x128xf32, #tpu.memory_space<hbm>> -> memref<16x128xf32, #tpu.memory_space<hbm>>
    tpu.wait_dma2 semaphore(%arg20 : memref<!tpu.dma_semaphore, #tpu.memory_space<semaphore_mem>>) src(%arg16 : memref<16x128xf32, #tpu.memory_space<vmem>>) dst(%dma_wait3A_37 : memref<16x128xf32, #tpu.memory_space<hbm>>)
    %mul3A_38 = arith.constant 800 : i32
    %mul3A_39 = arith.muli %add3A, %mul3A_38 : i32
    "tpu.region"() ({
      %run_scoped3A = tpu.sem_alloc : memref<!tpu.dma_semaphore, #tpu.memory_space<semaphore_mem>>
      %dma_start3A_280 = arith.constant 0 : i32
      %dma_start3A_281 = tpu.memref_slice %arg10[%dma_start3A_280] : memref<8000xi32, #tpu.memory_space<vmem>> -> memref<800xi32, #tpu.memory_space<vmem>>
      %dma_start3A_282 = tpu.memref_slice %arg5[%mul3A_39] : memref<25600xi32, #tpu.memory_space<hbm>> -> memref<800xi32, #tpu.memory_space<hbm>>
      %dma_start3A_283 = arith.constant 0 : i32
      %dma_start3A_284 = tpu.memref_slice %arg10[%dma_start3A_283] : memref<8000xi32, #tpu.memory_space<vmem>> -> memref<800xi32, #tpu.memory_space<vmem>>
      %dma_start3A_285 = tpu.memref_slice %arg5[%mul3A_39] : memref<25600xi32, #tpu.memory_space<hbm>> -> memref<800xi32, #tpu.memory_space<hbm>>
      tpu.enqueue_dma source(%dma_start3A_285 : memref<800xi32, #tpu.memory_space<hbm>>) target(%dma_start3A_284 : memref<800xi32, #tpu.memory_space<vmem>>) target_semaphore(%run_scoped3A : memref<!tpu.dma_semaphore, #tpu.memory_space<semaphore_mem>>)
      %dma_wait3A_286 = arith.constant 0 : i32
      %dma_wait3A_287 = tpu.memref_slice %arg10[%dma_wait3A_286] : memref<8000xi32, #tpu.memory_space<vmem>> -> memref<800xi32, #tpu.memory_space<vmem>>
      %dma_wait3A_288 = tpu.memref_slice %arg5[%mul3A_39] : memref<25600xi32, #tpu.memory_space<hbm>> -> memref<800xi32, #tpu.memory_space<hbm>>
      %dma_wait3A_289 = arith.constant 0 : i32
      %dma_wait3A_290 = tpu.memref_slice %arg10[%dma_wait3A_289] : memref<8000xi32, #tpu.memory_space<vmem>> -> memref<800xi32, #tpu.memory_space<vmem>>
      %dma_wait3A_291 = tpu.memref_slice %arg5[%mul3A_39] : memref<25600xi32, #tpu.memory_space<hbm>> -> memref<800xi32, #tpu.memory_space<hbm>>
      tpu.wait_dma2 semaphore(%run_scoped3A : memref<!tpu.dma_semaphore, #tpu.memory_space<semaphore_mem>>) src(%dma_wait3A_291 : memref<800xi32, #tpu.memory_space<hbm>>) dst(%dma_wait3A_290 : memref<800xi32, #tpu.memory_space<vmem>>)
      tpu.yield
    }) : () -> ()
    %dma_start3A_40 = arith.constant 0 : i32
    %dma_start3A_41 = tpu.memref_slice %arg10[%dma_start3A_40] : memref<8000xi32, #tpu.memory_space<vmem>> -> memref<80xi32, #tpu.memory_space<vmem>>
    %dma_start3A_42 = arith.constant 0 : i32
    %dma_start3A_43 = arith.constant 0 : i32
    %dma_start3A_44 = tpu.memref_slice %arg2[%dma_start3A_42, %dma_start3A_43] : memref<100000x256xf32, #tpu.memory_space<hbm>> -> memref<100000x256xf32, #tpu.memory_space<hbm>>
    tpu.enqueue_indirect_dma source(%dma_start3A_44 : memref<100000x256xf32, #tpu.memory_space<hbm>>) target(%arg13 : memref<80x256xf32, #tpu.memory_space<vmem>>) offsets(%dma_start3A_41 : memref<80xi32, #tpu.memory_space<vmem>>) semaphore(%arg17 : memref<!tpu.dma_semaphore, #tpu.memory_space<semaphore_mem>>)
    %dma_wait3A_45 = arith.constant 0 : i32
    %dma_wait3A_46 = tpu.memref_slice %arg10[%dma_wait3A_45] : memref<8000xi32, #tpu.memory_space<vmem>> -> memref<80xi32, #tpu.memory_space<vmem>>
    %dma_wait3A_47 = arith.constant 0 : i32
    %dma_wait3A_48 = arith.constant 0 : i32
    %dma_wait3A_49 = tpu.memref_slice %arg2[%dma_wait3A_47, %dma_wait3A_48] : memref<100000x256xf32, #tpu.memory_space<hbm>> -> memref<100000x256xf32, #tpu.memory_space<hbm>>
    tpu.wait_indirect_dma semaphore(%arg17 : memref<!tpu.dma_semaphore, #tpu.memory_space<semaphore_mem>>) src(%dma_wait3A_49 : memref<100000x256xf32, #tpu.memory_space<hbm>>) dst(%arg13 : memref<80x256xf32, #tpu.memory_space<vmem>>)
    %mul3A_50 = arith.constant 800 : i32
    %mul3A_51 = arith.muli %add3A, %mul3A_50 : i32
    %add3A_52 = arith.constant 0 : i32
    %add3A_53 = arith.addi %mul3A_51, %add3A_52 : i32
    %dma_start3A_54 = arith.constant 0 : i32
    %dma_start3A_55 = tpu.memref_slice %arg8[%add3A_53, %dma_start3A_54] : memref<25600x256xf32, #tpu.memory_space<hbm>> -> memref<80x256xf32, #tpu.memory_space<hbm>>
    %dma_start3A_56 = arith.constant 0 : i32
    %dma_start3A_57 = tpu.memref_slice %arg8[%add3A_53, %dma_start3A_56] : memref<25600x256xf32, #tpu.memory_space<hbm>> -> memref<80x256xf32, #tpu.memory_space<hbm>>
    tpu.enqueue_dma source(%arg13 : memref<80x256xf32, #tpu.memory_space<vmem>>) target(%dma_start3A_57 : memref<80x256xf32, #tpu.memory_space<hbm>>) target_semaphore(%arg19 : memref<!tpu.dma_semaphore, #tpu.memory_space<semaphore_mem>>)
    %dma_start3A_58 = arith.constant 80 : i32
    %dma_start3A_59 = tpu.memref_slice %arg10[%dma_start3A_58] : memref<8000xi32, #tpu.memory_space<vmem>> -> memref<80xi32, #tpu.memory_space<vmem>>
    %dma_start3A_60 = arith.constant 0 : i32
    %dma_start3A_61 = arith.constant 0 : i32
    %dma_start3A_62 = tpu.memref_slice %arg2[%dma_start3A_60, %dma_start3A_61] : memref<100000x256xf32, #tpu.memory_space<hbm>> -> memref<100000x256xf32, #tpu.memory_space<hbm>>
    tpu.enqueue_indirect_dma source(%dma_start3A_62 : memref<100000x256xf32, #tpu.memory_space<hbm>>) target(%arg14 : memref<80x256xf32, #tpu.memory_space<vmem>>) offsets(%dma_start3A_59 : memref<80xi32, #tpu.memory_space<vmem>>) semaphore(%arg18 : memref<!tpu.dma_semaphore, #tpu.memory_space<semaphore_mem>>)
    %dma_wait3A_63 = arith.constant 80 : i32
    %dma_wait3A_64 = tpu.memref_slice %arg10[%dma_wait3A_63] : memref<8000xi32, #tpu.memory_space<vmem>> -> memref<80xi32, #tpu.memory_space<vmem>>
    %dma_wait3A_65 = arith.constant 0 : i32
    %dma_wait3A_66 = arith.constant 0 : i32
    %dma_wait3A_67 = tpu.memref_slice %arg2[%dma_wait3A_65, %dma_wait3A_66] : memref<100000x256xf32, #tpu.memory_space<hbm>> -> memref<100000x256xf32, #tpu.memory_space<hbm>>
    tpu.wait_indirect_dma semaphore(%arg18 : memref<!tpu.dma_semaphore, #tpu.memory_space<semaphore_mem>>) src(%dma_wait3A_67 : memref<100000x256xf32, #tpu.memory_space<hbm>>) dst(%arg14 : memref<80x256xf32, #tpu.memory_space<vmem>>)
    %mul3A_68 = arith.constant 800 : i32
    %mul3A_69 = arith.muli %add3A, %mul3A_68 : i32
    %add3A_70 = arith.constant 80 : i32
    %add3A_71 = arith.addi %mul3A_69, %add3A_70 : i32
    %dma_start3A_72 = arith.constant 0 : i32
    %dma_start3A_73 = tpu.memref_slice %arg8[%add3A_71, %dma_start3A_72] : memref<25600x256xf32, #tpu.memory_space<hbm>> -> memref<80x256xf32, #tpu.memory_space<hbm>>
    %dma_start3A_74 = arith.constant 0 : i32
    %dma_start3A_75 = tpu.memref_slice %arg8[%add3A_71, %dma_start3A_74] : memref<25600x256xf32, #tpu.memory_space<hbm>> -> memref<80x256xf32, #tpu.memory_space<hbm>>
    tpu.enqueue_dma source(%arg14 : memref<80x256xf32, #tpu.memory_space<vmem>>) target(%dma_start3A_75 : memref<80x256xf32, #tpu.memory_space<hbm>>) target_semaphore(%arg20 : memref<!tpu.dma_semaphore, #tpu.memory_space<semaphore_mem>>)
    %dma_wait3A_76 = arith.constant 0 : i32
    %dma_wait3A_77 = tpu.memref_slice %arg8[%add3A_53, %dma_wait3A_76] : memref<25600x256xf32, #tpu.memory_space<hbm>> -> memref<80x256xf32, #tpu.memory_space<hbm>>
    %dma_wait3A_78 = arith.constant 0 : i32
    %dma_wait3A_79 = tpu.memref_slice %arg8[%add3A_53, %dma_wait3A_78] : memref<25600x256xf32, #tpu.memory_space<hbm>> -> memref<80x256xf32, #tpu.memory_space<hbm>>
    tpu.wait_dma2 semaphore(%arg19 : memref<!tpu.dma_semaphore, #tpu.memory_space<semaphore_mem>>) src(%arg13 : memref<80x256xf32, #tpu.memory_space<vmem>>) dst(%dma_wait3A_79 : memref<80x256xf32, #tpu.memory_space<hbm>>)
    %dma_start3A_80 = arith.constant 160 : i32
    %dma_start3A_81 = tpu.memref_slice %arg10[%dma_start3A_80] : memref<8000xi32, #tpu.memory_space<vmem>> -> memref<80xi32, #tpu.memory_space<vmem>>
    %dma_start3A_82 = arith.constant 0 : i32
    %dma_start3A_83 = arith.constant 0 : i32
    %dma_start3A_84 = tpu.memref_slice %arg2[%dma_start3A_82, %dma_start3A_83] : memref<100000x256xf32, #tpu.memory_space<hbm>> -> memref<100000x256xf32, #tpu.memory_space<hbm>>
    tpu.enqueue_indirect_dma source(%dma_start3A_84 : memref<100000x256xf32, #tpu.memory_space<hbm>>) target(%arg13 : memref<80x256xf32, #tpu.memory_space<vmem>>) offsets(%dma_start3A_81 : memref<80xi32, #tpu.memory_space<vmem>>) semaphore(%arg17 : memref<!tpu.dma_semaphore, #tpu.memory_space<semaphore_mem>>)
    %dma_wait3A_85 = arith.constant 160 : i32
    %dma_wait3A_86 = tpu.memref_slice %arg10[%dma_wait3A_85] : memref<8000xi32, #tpu.memory_space<vmem>> -> memref<80xi32, #tpu.memory_space<vmem>>
    %dma_wait3A_87 = arith.constant 0 : i32
    %dma_wait3A_88 = arith.constant 0 : i32
    %dma_wait3A_89 = tpu.memref_slice %arg2[%dma_wait3A_87, %dma_wait3A_88] : memref<100000x256xf32, #tpu.memory_space<hbm>> -> memref<100000x256xf32, #tpu.memory_space<hbm>>
    tpu.wait_indirect_dma semaphore(%arg17 : memref<!tpu.dma_semaphore, #tpu.memory_space<semaphore_mem>>) src(%dma_wait3A_89 : memref<100000x256xf32, #tpu.memory_space<hbm>>) dst(%arg13 : memref<80x256xf32, #tpu.memory_space<vmem>>)
    %mul3A_90 = arith.constant 800 : i32
    %mul3A_91 = arith.muli %add3A, %mul3A_90 : i32
    %add3A_92 = arith.constant 160 : i32
    %add3A_93 = arith.addi %mul3A_91, %add3A_92 : i32
    %dma_start3A_94 = arith.constant 0 : i32
    %dma_start3A_95 = tpu.memref_slice %arg8[%add3A_93, %dma_start3A_94] : memref<25600x256xf32, #tpu.memory_space<hbm>> -> memref<80x256xf32, #tpu.memory_space<hbm>>
    %dma_start3A_96 = arith.constant 0 : i32
    %dma_start3A_97 = tpu.memref_slice %arg8[%add3A_93, %dma_start3A_96] : memref<25600x256xf32, #tpu.memory_space<hbm>> -> memref<80x256xf32, #tpu.memory_space<hbm>>
    tpu.enqueue_dma source(%arg13 : memref<80x256xf32, #tpu.memory_space<vmem>>) target(%dma_start3A_97 : memref<80x256xf32, #tpu.memory_space<hbm>>) target_semaphore(%arg19 : memref<!tpu.dma_semaphore, #tpu.memory_space<semaphore_mem>>)
    %dma_wait3A_98 = arith.constant 0 : i32
    %dma_wait3A_99 = tpu.memref_slice %arg8[%add3A_71, %dma_wait3A_98] : memref<25600x256xf32, #tpu.memory_space<hbm>> -> memref<80x256xf32, #tpu.memory_space<hbm>>
    %dma_wait3A_100 = arith.constant 0 : i32
    %dma_wait3A_101 = tpu.memref_slice %arg8[%add3A_71, %dma_wait3A_100] : memref<25600x256xf32, #tpu.memory_space<hbm>> -> memref<80x256xf32, #tpu.memory_space<hbm>>
    tpu.wait_dma2 semaphore(%arg20 : memref<!tpu.dma_semaphore, #tpu.memory_space<semaphore_mem>>) src(%arg14 : memref<80x256xf32, #tpu.memory_space<vmem>>) dst(%dma_wait3A_101 : memref<80x256xf32, #tpu.memory_space<hbm>>)
    %dma_start3A_102 = arith.constant 240 : i32
    %dma_start3A_103 = tpu.memref_slice %arg10[%dma_start3A_102] : memref<8000xi32, #tpu.memory_space<vmem>> -> memref<80xi32, #tpu.memory_space<vmem>>
    %dma_start3A_104 = arith.constant 0 : i32
    %dma_start3A_105 = arith.constant 0 : i32
    %dma_start3A_106 = tpu.memref_slice %arg2[%dma_start3A_104, %dma_start3A_105] : memref<100000x256xf32, #tpu.memory_space<hbm>> -> memref<100000x256xf32, #tpu.memory_space<hbm>>
    tpu.enqueue_indirect_dma source(%dma_start3A_106 : memref<100000x256xf32, #tpu.memory_space<hbm>>) target(%arg14 : memref<80x256xf32, #tpu.memory_space<vmem>>) offsets(%dma_start3A_103 : memref<80xi32, #tpu.memory_space<vmem>>) semaphore(%arg18 : memref<!tpu.dma_semaphore, #tpu.memory_space<semaphore_mem>>)
    %dma_wait3A_107 = arith.constant 240 : i32
    %dma_wait3A_108 = tpu.memref_slice %arg10[%dma_wait3A_107] : memref<8000xi32, #tpu.memory_space<vmem>> -> memref<80xi32, #tpu.memory_space<vmem>>
    %dma_wait3A_109 = arith.constant 0 : i32
    %dma_wait3A_110 = arith.constant 0 : i32
    %dma_wait3A_111 = tpu.memref_slice %arg2[%dma_wait3A_109, %dma_wait3A_110] : memref<100000x256xf32, #tpu.memory_space<hbm>> -> memref<100000x256xf32, #tpu.memory_space<hbm>>
    tpu.wait_indirect_dma semaphore(%arg18 : memref<!tpu.dma_semaphore, #tpu.memory_space<semaphore_mem>>) src(%dma_wait3A_111 : memref<100000x256xf32, #tpu.memory_space<hbm>>) dst(%arg14 : memref<80x256xf32, #tpu.memory_space<vmem>>)
    %mul3A_112 = arith.constant 800 : i32
    %mul3A_113 = arith.muli %add3A, %mul3A_112 : i32
    %add3A_114 = arith.constant 240 : i32
    %add3A_115 = arith.addi %mul3A_113, %add3A_114 : i32
    %dma_start3A_116 = arith.constant 0 : i32
    %dma_start3A_117 = tpu.memref_slice %arg8[%add3A_115, %dma_start3A_116] : memref<25600x256xf32, #tpu.memory_space<hbm>> -> memref<80x256xf32, #tpu.memory_space<hbm>>
    %dma_start3A_118 = arith.constant 0 : i32
    %dma_start3A_119 = tpu.memref_slice %arg8[%add3A_115, %dma_start3A_118] : memref<25600x256xf32, #tpu.memory_space<hbm>> -> memref<80x256xf32, #tpu.memory_space<hbm>>
    tpu.enqueue_dma source(%arg14 : memref<80x256xf32, #tpu.memory_space<vmem>>) target(%dma_start3A_119 : memref<80x256xf32, #tpu.memory_space<hbm>>) target_semaphore(%arg20 : memref<!tpu.dma_semaphore, #tpu.memory_space<semaphore_mem>>)
    %dma_wait3A_120 = arith.constant 0 : i32
    %dma_wait3A_121 = tpu.memref_slice %arg8[%add3A_93, %dma_wait3A_120] : memref<25600x256xf32, #tpu.memory_space<hbm>> -> memref<80x256xf32, #tpu.memory_space<hbm>>
    %dma_wait3A_122 = arith.constant 0 : i32
    %dma_wait3A_123 = tpu.memref_slice %arg8[%add3A_93, %dma_wait3A_122] : memref<25600x256xf32, #tpu.memory_space<hbm>> -> memref<80x256xf32, #tpu.memory_space<hbm>>
    tpu.wait_dma2 semaphore(%arg19 : memref<!tpu.dma_semaphore, #tpu.memory_space<semaphore_mem>>) src(%arg13 : memref<80x256xf32, #tpu.memory_space<vmem>>) dst(%dma_wait3A_123 : memref<80x256xf32, #tpu.memory_space<hbm>>)
    %dma_start3A_124 = arith.constant 320 : i32
    %dma_start3A_125 = tpu.memref_slice %arg10[%dma_start3A_124] : memref<8000xi32, #tpu.memory_space<vmem>> -> memref<80xi32, #tpu.memory_space<vmem>>
    %dma_start3A_126 = arith.constant 0 : i32
    %dma_start3A_127 = arith.constant 0 : i32
    %dma_start3A_128 = tpu.memref_slice %arg2[%dma_start3A_126, %dma_start3A_127] : memref<100000x256xf32, #tpu.memory_space<hbm>> -> memref<100000x256xf32, #tpu.memory_space<hbm>>
    tpu.enqueue_indirect_dma source(%dma_start3A_128 : memref<100000x256xf32, #tpu.memory_space<hbm>>) target(%arg13 : memref<80x256xf32, #tpu.memory_space<vmem>>) offsets(%dma_start3A_125 : memref<80xi32, #tpu.memory_space<vmem>>) semaphore(%arg17 : memref<!tpu.dma_semaphore, #tpu.memory_space<semaphore_mem>>)
    %dma_wait3A_129 = arith.constant 320 : i32
    %dma_wait3A_130 = tpu.memref_slice %arg10[%dma_wait3A_129] : memref<8000xi32, #tpu.memory_space<vmem>> -> memref<80xi32, #tpu.memory_space<vmem>>
    %dma_wait3A_131 = arith.constant 0 : i32
    %dma_wait3A_132 = arith.constant 0 : i32
    %dma_wait3A_133 = tpu.memref_slice %arg2[%dma_wait3A_131, %dma_wait3A_132] : memref<100000x256xf32, #tpu.memory_space<hbm>> -> memref<100000x256xf32, #tpu.memory_space<hbm>>
    tpu.wait_indirect_dma semaphore(%arg17 : memref<!tpu.dma_semaphore, #tpu.memory_space<semaphore_mem>>) src(%dma_wait3A_133 : memref<100000x256xf32, #tpu.memory_space<hbm>>) dst(%arg13 : memref<80x256xf32, #tpu.memory_space<vmem>>)
    %mul3A_134 = arith.constant 800 : i32
    %mul3A_135 = arith.muli %add3A, %mul3A_134 : i32
    %add3A_136 = arith.constant 320 : i32
    %add3A_137 = arith.addi %mul3A_135, %add3A_136 : i32
    %dma_start3A_138 = arith.constant 0 : i32
    %dma_start3A_139 = tpu.memref_slice %arg8[%add3A_137, %dma_start3A_138] : memref<25600x256xf32, #tpu.memory_space<hbm>> -> memref<80x256xf32, #tpu.memory_space<hbm>>
    %dma_start3A_140 = arith.constant 0 : i32
    %dma_start3A_141 = tpu.memref_slice %arg8[%add3A_137, %dma_start3A_140] : memref<25600x256xf32, #tpu.memory_space<hbm>> -> memref<80x256xf32, #tpu.memory_space<hbm>>
    tpu.enqueue_dma source(%arg13 : memref<80x256xf32, #tpu.memory_space<vmem>>) target(%dma_start3A_141 : memref<80x256xf32, #tpu.memory_space<hbm>>) target_semaphore(%arg19 : memref<!tpu.dma_semaphore, #tpu.memory_space<semaphore_mem>>)
    %dma_wait3A_142 = arith.constant 0 : i32
    %dma_wait3A_143 = tpu.memref_slice %arg8[%add3A_115, %dma_wait3A_142] : memref<25600x256xf32, #tpu.memory_space<hbm>> -> memref<80x256xf32, #tpu.memory_space<hbm>>
    %dma_wait3A_144 = arith.constant 0 : i32
    %dma_wait3A_145 = tpu.memref_slice %arg8[%add3A_115, %dma_wait3A_144] : memref<25600x256xf32, #tpu.memory_space<hbm>> -> memref<80x256xf32, #tpu.memory_space<hbm>>
    tpu.wait_dma2 semaphore(%arg20 : memref<!tpu.dma_semaphore, #tpu.memory_space<semaphore_mem>>) src(%arg14 : memref<80x256xf32, #tpu.memory_space<vmem>>) dst(%dma_wait3A_145 : memref<80x256xf32, #tpu.memory_space<hbm>>)
    %dma_start3A_146 = arith.constant 400 : i32
    %dma_start3A_147 = tpu.memref_slice %arg10[%dma_start3A_146] : memref<8000xi32, #tpu.memory_space<vmem>> -> memref<80xi32, #tpu.memory_space<vmem>>
    %dma_start3A_148 = arith.constant 0 : i32
    %dma_start3A_149 = arith.constant 0 : i32
    %dma_start3A_150 = tpu.memref_slice %arg2[%dma_start3A_148, %dma_start3A_149] : memref<100000x256xf32, #tpu.memory_space<hbm>> -> memref<100000x256xf32, #tpu.memory_space<hbm>>
    tpu.enqueue_indirect_dma source(%dma_start3A_150 : memref<100000x256xf32, #tpu.memory_space<hbm>>) target(%arg14 : memref<80x256xf32, #tpu.memory_space<vmem>>) offsets(%dma_start3A_147 : memref<80xi32, #tpu.memory_space<vmem>>) semaphore(%arg18 : memref<!tpu.dma_semaphore, #tpu.memory_space<semaphore_mem>>)
    %dma_wait3A_151 = arith.constant 400 : i32
    %dma_wait3A_152 = tpu.memref_slice %arg10[%dma_wait3A_151] : memref<8000xi32, #tpu.memory_space<vmem>> -> memref<80xi32, #tpu.memory_space<vmem>>
    %dma_wait3A_153 = arith.constant 0 : i32
    %dma_wait3A_154 = arith.constant 0 : i32
    %dma_wait3A_155 = tpu.memref_slice %arg2[%dma_wait3A_153, %dma_wait3A_154] : memref<100000x256xf32, #tpu.memory_space<hbm>> -> memref<100000x256xf32, #tpu.memory_space<hbm>>
    tpu.wait_indirect_dma semaphore(%arg18 : memref<!tpu.dma_semaphore, #tpu.memory_space<semaphore_mem>>) src(%dma_wait3A_155 : memref<100000x256xf32, #tpu.memory_space<hbm>>) dst(%arg14 : memref<80x256xf32, #tpu.memory_space<vmem>>)
    %mul3A_156 = arith.constant 800 : i32
    %mul3A_157 = arith.muli %add3A, %mul3A_156 : i32
    %add3A_158 = arith.constant 400 : i32
    %add3A_159 = arith.addi %mul3A_157, %add3A_158 : i32
    %dma_start3A_160 = arith.constant 0 : i32
    %dma_start3A_161 = tpu.memref_slice %arg8[%add3A_159, %dma_start3A_160] : memref<25600x256xf32, #tpu.memory_space<hbm>> -> memref<80x256xf32, #tpu.memory_space<hbm>>
    %dma_start3A_162 = arith.constant 0 : i32
    %dma_start3A_163 = tpu.memref_slice %arg8[%add3A_159, %dma_start3A_162] : memref<25600x256xf32, #tpu.memory_space<hbm>> -> memref<80x256xf32, #tpu.memory_space<hbm>>
    tpu.enqueue_dma source(%arg14 : memref<80x256xf32, #tpu.memory_space<vmem>>) target(%dma_start3A_163 : memref<80x256xf32, #tpu.memory_space<hbm>>) target_semaphore(%arg20 : memref<!tpu.dma_semaphore, #tpu.memory_space<semaphore_mem>>)
    %dma_wait3A_164 = arith.constant 0 : i32
    %dma_wait3A_165 = tpu.memref_slice %arg8[%add3A_137, %dma_wait3A_164] : memref<25600x256xf32, #tpu.memory_space<hbm>> -> memref<80x256xf32, #tpu.memory_space<hbm>>
    %dma_wait3A_166 = arith.constant 0 : i32
    %dma_wait3A_167 = tpu.memref_slice %arg8[%add3A_137, %dma_wait3A_166] : memref<25600x256xf32, #tpu.memory_space<hbm>> -> memref<80x256xf32, #tpu.memory_space<hbm>>
    tpu.wait_dma2 semaphore(%arg19 : memref<!tpu.dma_semaphore, #tpu.memory_space<semaphore_mem>>) src(%arg13 : memref<80x256xf32, #tpu.memory_space<vmem>>) dst(%dma_wait3A_167 : memref<80x256xf32, #tpu.memory_space<hbm>>)
    %dma_start3A_168 = arith.constant 480 : i32
    %dma_start3A_169 = tpu.memref_slice %arg10[%dma_start3A_168] : memref<8000xi32, #tpu.memory_space<vmem>> -> memref<80xi32, #tpu.memory_space<vmem>>
    %dma_start3A_170 = arith.constant 0 : i32
    %dma_start3A_171 = arith.constant 0 : i32
    %dma_start3A_172 = tpu.memref_slice %arg2[%dma_start3A_170, %dma_start3A_171] : memref<100000x256xf32, #tpu.memory_space<hbm>> -> memref<100000x256xf32, #tpu.memory_space<hbm>>
    tpu.enqueue_indirect_dma source(%dma_start3A_172 : memref<100000x256xf32, #tpu.memory_space<hbm>>) target(%arg13 : memref<80x256xf32, #tpu.memory_space<vmem>>) offsets(%dma_start3A_169 : memref<80xi32, #tpu.memory_space<vmem>>) semaphore(%arg17 : memref<!tpu.dma_semaphore, #tpu.memory_space<semaphore_mem>>)
    %dma_wait3A_173 = arith.constant 480 : i32
    %dma_wait3A_174 = tpu.memref_slice %arg10[%dma_wait3A_173] : memref<8000xi32, #tpu.memory_space<vmem>> -> memref<80xi32, #tpu.memory_space<vmem>>
    %dma_wait3A_175 = arith.constant 0 : i32
    %dma_wait3A_176 = arith.constant 0 : i32
    %dma_wait3A_177 = tpu.memref_slice %arg2[%dma_wait3A_175, %dma_wait3A_176] : memref<100000x256xf32, #tpu.memory_space<hbm>> -> memref<100000x256xf32, #tpu.memory_space<hbm>>
    tpu.wait_indirect_dma semaphore(%arg17 : memref<!tpu.dma_semaphore, #tpu.memory_space<semaphore_mem>>) src(%dma_wait3A_177 : memref<100000x256xf32, #tpu.memory_space<hbm>>) dst(%arg13 : memref<80x256xf32, #tpu.memory_space<vmem>>)
    %mul3A_178 = arith.constant 800 : i32
    %mul3A_179 = arith.muli %add3A, %mul3A_178 : i32
    %add3A_180 = arith.constant 480 : i32
    %add3A_181 = arith.addi %mul3A_179, %add3A_180 : i32
    %dma_start3A_182 = arith.constant 0 : i32
    %dma_start3A_183 = tpu.memref_slice %arg8[%add3A_181, %dma_start3A_182] : memref<25600x256xf32, #tpu.memory_space<hbm>> -> memref<80x256xf32, #tpu.memory_space<hbm>>
    %dma_start3A_184 = arith.constant 0 : i32
    %dma_start3A_185 = tpu.memref_slice %arg8[%add3A_181, %dma_start3A_184] : memref<25600x256xf32, #tpu.memory_space<hbm>> -> memref<80x256xf32, #tpu.memory_space<hbm>>
    tpu.enqueue_dma source(%arg13 : memref<80x256xf32, #tpu.memory_space<vmem>>) target(%dma_start3A_185 : memref<80x256xf32, #tpu.memory_space<hbm>>) target_semaphore(%arg19 : memref<!tpu.dma_semaphore, #tpu.memory_space<semaphore_mem>>)
    %dma_wait3A_186 = arith.constant 0 : i32
    %dma_wait3A_187 = tpu.memref_slice %arg8[%add3A_159, %dma_wait3A_186] : memref<25600x256xf32, #tpu.memory_space<hbm>> -> memref<80x256xf32, #tpu.memory_space<hbm>>
    %dma_wait3A_188 = arith.constant 0 : i32
    %dma_wait3A_189 = tpu.memref_slice %arg8[%add3A_159, %dma_wait3A_188] : memref<25600x256xf32, #tpu.memory_space<hbm>> -> memref<80x256xf32, #tpu.memory_space<hbm>>
    tpu.wait_dma2 semaphore(%arg20 : memref<!tpu.dma_semaphore, #tpu.memory_space<semaphore_mem>>) src(%arg14 : memref<80x256xf32, #tpu.memory_space<vmem>>) dst(%dma_wait3A_189 : memref<80x256xf32, #tpu.memory_space<hbm>>)
    %dma_start3A_190 = arith.constant 560 : i32
    %dma_start3A_191 = tpu.memref_slice %arg10[%dma_start3A_190] : memref<8000xi32, #tpu.memory_space<vmem>> -> memref<80xi32, #tpu.memory_space<vmem>>
    %dma_start3A_192 = arith.constant 0 : i32
    %dma_start3A_193 = arith.constant 0 : i32
    %dma_start3A_194 = tpu.memref_slice %arg2[%dma_start3A_192, %dma_start3A_193] : memref<100000x256xf32, #tpu.memory_space<hbm>> -> memref<100000x256xf32, #tpu.memory_space<hbm>>
    tpu.enqueue_indirect_dma source(%dma_start3A_194 : memref<100000x256xf32, #tpu.memory_space<hbm>>) target(%arg14 : memref<80x256xf32, #tpu.memory_space<vmem>>) offsets(%dma_start3A_191 : memref<80xi32, #tpu.memory_space<vmem>>) semaphore(%arg18 : memref<!tpu.dma_semaphore, #tpu.memory_space<semaphore_mem>>)
    %dma_wait3A_195 = arith.constant 560 : i32
    %dma_wait3A_196 = tpu.memref_slice %arg10[%dma_wait3A_195] : memref<8000xi32, #tpu.memory_space<vmem>> -> memref<80xi32, #tpu.memory_space<vmem>>
    %dma_wait3A_197 = arith.constant 0 : i32
    %dma_wait3A_198 = arith.constant 0 : i32
    %dma_wait3A_199 = tpu.memref_slice %arg2[%dma_wait3A_197, %dma_wait3A_198] : memref<100000x256xf32, #tpu.memory_space<hbm>> -> memref<100000x256xf32, #tpu.memory_space<hbm>>
    tpu.wait_indirect_dma semaphore(%arg18 : memref<!tpu.dma_semaphore, #tpu.memory_space<semaphore_mem>>) src(%dma_wait3A_199 : memref<100000x256xf32, #tpu.memory_space<hbm>>) dst(%arg14 : memref<80x256xf32, #tpu.memory_space<vmem>>)
    %mul3A_200 = arith.constant 800 : i32
    %mul3A_201 = arith.muli %add3A, %mul3A_200 : i32
    %add3A_202 = arith.constant 560 : i32
    %add3A_203 = arith.addi %mul3A_201, %add3A_202 : i32
    %dma_start3A_204 = arith.constant 0 : i32
    %dma_start3A_205 = tpu.memref_slice %arg8[%add3A_203, %dma_start3A_204] : memref<25600x256xf32, #tpu.memory_space<hbm>> -> memref<80x256xf32, #tpu.memory_space<hbm>>
    %dma_start3A_206 = arith.constant 0 : i32
    %dma_start3A_207 = tpu.memref_slice %arg8[%add3A_203, %dma_start3A_206] : memref<25600x256xf32, #tpu.memory_space<hbm>> -> memref<80x256xf32, #tpu.memory_space<hbm>>
    tpu.enqueue_dma source(%arg14 : memref<80x256xf32, #tpu.memory_space<vmem>>) target(%dma_start3A_207 : memref<80x256xf32, #tpu.memory_space<hbm>>) target_semaphore(%arg20 : memref<!tpu.dma_semaphore, #tpu.memory_space<semaphore_mem>>)
    %dma_wait3A_208 = arith.constant 0 : i32
    %dma_wait3A_209 = tpu.memref_slice %arg8[%add3A_181, %dma_wait3A_208] : memref<25600x256xf32, #tpu.memory_space<hbm>> -> memref<80x256xf32, #tpu.memory_space<hbm>>
    %dma_wait3A_210 = arith.constant 0 : i32
    %dma_wait3A_211 = tpu.memref_slice %arg8[%add3A_181, %dma_wait3A_210] : memref<25600x256xf32, #tpu.memory_space<hbm>> -> memref<80x256xf32, #tpu.memory_space<hbm>>
    tpu.wait_dma2 semaphore(%arg19 : memref<!tpu.dma_semaphore, #tpu.memory_space<semaphore_mem>>) src(%arg13 : memref<80x256xf32, #tpu.memory_space<vmem>>) dst(%dma_wait3A_211 : memref<80x256xf32, #tpu.memory_space<hbm>>)
    %dma_start3A_212 = arith.constant 640 : i32
    %dma_start3A_213 = tpu.memref_slice %arg10[%dma_start3A_212] : memref<8000xi32, #tpu.memory_space<vmem>> -> memref<80xi32, #tpu.memory_space<vmem>>
    %dma_start3A_214 = arith.constant 0 : i32
    %dma_start3A_215 = arith.constant 0 : i32
    %dma_start3A_216 = tpu.memref_slice %arg2[%dma_start3A_214, %dma_start3A_215] : memref<100000x256xf32, #tpu.memory_space<hbm>> -> memref<100000x256xf32, #tpu.memory_space<hbm>>
    tpu.enqueue_indirect_dma source(%dma_start3A_216 : memref<100000x256xf32, #tpu.memory_space<hbm>>) target(%arg13 : memref<80x256xf32, #tpu.memory_space<vmem>>) offsets(%dma_start3A_213 : memref<80xi32, #tpu.memory_space<vmem>>) semaphore(%arg17 : memref<!tpu.dma_semaphore, #tpu.memory_space<semaphore_mem>>)
    %dma_wait3A_217 = arith.constant 640 : i32
    %dma_wait3A_218 = tpu.memref_slice %arg10[%dma_wait3A_217] : memref<8000xi32, #tpu.memory_space<vmem>> -> memref<80xi32, #tpu.memory_space<vmem>>
    %dma_wait3A_219 = arith.constant 0 : i32
    %dma_wait3A_220 = arith.constant 0 : i32
    %dma_wait3A_221 = tpu.memref_slice %arg2[%dma_wait3A_219, %dma_wait3A_220] : memref<100000x256xf32, #tpu.memory_space<hbm>> -> memref<100000x256xf32, #tpu.memory_space<hbm>>
    tpu.wait_indirect_dma semaphore(%arg17 : memref<!tpu.dma_semaphore, #tpu.memory_space<semaphore_mem>>) src(%dma_wait3A_221 : memref<100000x256xf32, #tpu.memory_space<hbm>>) dst(%arg13 : memref<80x256xf32, #tpu.memory_space<vmem>>)
    %mul3A_222 = arith.constant 800 : i32
    %mul3A_223 = arith.muli %add3A, %mul3A_222 : i32
    %add3A_224 = arith.constant 640 : i32
    %add3A_225 = arith.addi %mul3A_223, %add3A_224 : i32
    %dma_start3A_226 = arith.constant 0 : i32
    %dma_start3A_227 = tpu.memref_slice %arg8[%add3A_225, %dma_start3A_226] : memref<25600x256xf32, #tpu.memory_space<hbm>> -> memref<80x256xf32, #tpu.memory_space<hbm>>
    %dma_start3A_228 = arith.constant 0 : i32
    %dma_start3A_229 = tpu.memref_slice %arg8[%add3A_225, %dma_start3A_228] : memref<25600x256xf32, #tpu.memory_space<hbm>> -> memref<80x256xf32, #tpu.memory_space<hbm>>
    tpu.enqueue_dma source(%arg13 : memref<80x256xf32, #tpu.memory_space<vmem>>) target(%dma_start3A_229 : memref<80x256xf32, #tpu.memory_space<hbm>>) target_semaphore(%arg19 : memref<!tpu.dma_semaphore, #tpu.memory_space<semaphore_mem>>)
    %dma_wait3A_230 = arith.constant 0 : i32
    %dma_wait3A_231 = tpu.memref_slice %arg8[%add3A_203, %dma_wait3A_230] : memref<25600x256xf32, #tpu.memory_space<hbm>> -> memref<80x256xf32, #tpu.memory_space<hbm>>
    %dma_wait3A_232 = arith.constant 0 : i32
    %dma_wait3A_233 = tpu.memref_slice %arg8[%add3A_203, %dma_wait3A_232] : memref<25600x256xf32, #tpu.memory_space<hbm>> -> memref<80x256xf32, #tpu.memory_space<hbm>>
    tpu.wait_dma2 semaphore(%arg20 : memref<!tpu.dma_semaphore, #tpu.memory_space<semaphore_mem>>) src(%arg14 : memref<80x256xf32, #tpu.memory_space<vmem>>) dst(%dma_wait3A_233 : memref<80x256xf32, #tpu.memory_space<hbm>>)
    %dma_start3A_234 = arith.constant 720 : i32
    %dma_start3A_235 = tpu.memref_slice %arg10[%dma_start3A_234] : memref<8000xi32, #tpu.memory_space<vmem>> -> memref<80xi32, #tpu.memory_space<vmem>>
    %dma_start3A_236 = arith.constant 0 : i32
    %dma_start3A_237 = arith.constant 0 : i32
    %dma_start3A_238 = tpu.memref_slice %arg2[%dma_start3A_236, %dma_start3A_237] : memref<100000x256xf32, #tpu.memory_space<hbm>> -> memref<100000x256xf32, #tpu.memory_space<hbm>>
    tpu.enqueue_indirect_dma source(%dma_start3A_238 : memref<100000x256xf32, #tpu.memory_space<hbm>>) target(%arg14 : memref<80x256xf32, #tpu.memory_space<vmem>>) offsets(%dma_start3A_235 : memref<80xi32, #tpu.memory_space<vmem>>) semaphore(%arg18 : memref<!tpu.dma_semaphore, #tpu.memory_space<semaphore_mem>>)
    %dma_wait3A_239 = arith.constant 720 : i32
    %dma_wait3A_240 = tpu.memref_slice %arg10[%dma_wait3A_239] : memref<8000xi32, #tpu.memory_space<vmem>> -> memref<80xi32, #tpu.memory_space<vmem>>
    %dma_wait3A_241 = arith.constant 0 : i32
    %dma_wait3A_242 = arith.constant 0 : i32
    %dma_wait3A_243 = tpu.memref_slice %arg2[%dma_wait3A_241, %dma_wait3A_242] : memref<100000x256xf32, #tpu.memory_space<hbm>> -> memref<100000x256xf32, #tpu.memory_space<hbm>>
    tpu.wait_indirect_dma semaphore(%arg18 : memref<!tpu.dma_semaphore, #tpu.memory_space<semaphore_mem>>) src(%dma_wait3A_243 : memref<100000x256xf32, #tpu.memory_space<hbm>>) dst(%arg14 : memref<80x256xf32, #tpu.memory_space<vmem>>)
    %mul3A_244 = arith.constant 800 : i32
    %mul3A_245 = arith.muli %add3A, %mul3A_244 : i32
    %add3A_246 = arith.constant 720 : i32
    %add3A_247 = arith.addi %mul3A_245, %add3A_246 : i32
    %dma_start3A_248 = arith.constant 0 : i32
    %dma_start3A_249 = tpu.memref_slice %arg8[%add3A_247, %dma_start3A_248] : memref<25600x256xf32, #tpu.memory_space<hbm>> -> memref<80x256xf32, #tpu.memory_space<hbm>>
    %dma_start3A_250 = arith.constant 0 : i32
    %dma_start3A_251 = tpu.memref_slice %arg8[%add3A_247, %dma_start3A_250] : memref<25600x256xf32, #tpu.memory_space<hbm>> -> memref<80x256xf32, #tpu.memory_space<hbm>>
    tpu.enqueue_dma source(%arg14 : memref<80x256xf32, #tpu.memory_space<vmem>>) target(%dma_start3A_251 : memref<80x256xf32, #tpu.memory_space<hbm>>) target_semaphore(%arg20 : memref<!tpu.dma_semaphore, #tpu.memory_space<semaphore_mem>>)
    %dma_wait3A_252 = arith.constant 0 : i32
    %dma_wait3A_253 = tpu.memref_slice %arg8[%add3A_225, %dma_wait3A_252] : memref<25600x256xf32, #tpu.memory_space<hbm>> -> memref<80x256xf32, #tpu.memory_space<hbm>>
    %dma_wait3A_254 = arith.constant 0 : i32
    %dma_wait3A_255 = tpu.memref_slice %arg8[%add3A_225, %dma_wait3A_254] : memref<25600x256xf32, #tpu.memory_space<hbm>> -> memref<80x256xf32, #tpu.memory_space<hbm>>
    tpu.wait_dma2 semaphore(%arg19 : memref<!tpu.dma_semaphore, #tpu.memory_space<semaphore_mem>>) src(%arg13 : memref<80x256xf32, #tpu.memory_space<vmem>>) dst(%dma_wait3A_255 : memref<80x256xf32, #tpu.memory_space<hbm>>)
    %dma_wait3A_256 = arith.constant 0 : i32
    %dma_wait3A_257 = tpu.memref_slice %arg8[%add3A_247, %dma_wait3A_256] : memref<25600x256xf32, #tpu.memory_space<hbm>> -> memref<80x256xf32, #tpu.memory_space<hbm>>
    %dma_wait3A_258 = arith.constant 0 : i32
    %dma_wait3A_259 = tpu.memref_slice %arg8[%add3A_247, %dma_wait3A_258] : memref<25600x256xf32, #tpu.memory_space<hbm>> -> memref<80x256xf32, #tpu.memory_space<hbm>>
    tpu.wait_dma2 semaphore(%arg20 : memref<!tpu.dma_semaphore, #tpu.memory_space<semaphore_mem>>) src(%arg14 : memref<80x256xf32, #tpu.memory_space<vmem>>) dst(%dma_wait3A_259 : memref<80x256xf32, #tpu.memory_space<hbm>>)
    %mul3A_260 = arith.constant 32 : i32
    %mul3A_261 = arith.muli %add3A, %mul3A_260 : i32
    "tpu.region"() ({
      %run_scoped3A = tpu.sem_alloc : memref<!tpu.dma_semaphore, #tpu.memory_space<semaphore_mem>>
      %dma_start3A_280 = arith.constant 0 : i32
      %dma_start3A_281 = tpu.memref_slice %arg10[%dma_start3A_280] : memref<8000xi32, #tpu.memory_space<vmem>> -> memref<32xi32, #tpu.memory_space<vmem>>
      %dma_start3A_282 = tpu.memref_slice %arg4[%mul3A_261] : memref<1024xi32, #tpu.memory_space<hbm>> -> memref<32xi32, #tpu.memory_space<hbm>>
      %dma_start3A_283 = arith.constant 0 : i32
      %dma_start3A_284 = tpu.memref_slice %arg10[%dma_start3A_283] : memref<8000xi32, #tpu.memory_space<vmem>> -> memref<32xi32, #tpu.memory_space<vmem>>
      %dma_start3A_285 = tpu.memref_slice %arg4[%mul3A_261] : memref<1024xi32, #tpu.memory_space<hbm>> -> memref<32xi32, #tpu.memory_space<hbm>>
      tpu.enqueue_dma source(%dma_start3A_285 : memref<32xi32, #tpu.memory_space<hbm>>) target(%dma_start3A_284 : memref<32xi32, #tpu.memory_space<vmem>>) target_semaphore(%run_scoped3A : memref<!tpu.dma_semaphore, #tpu.memory_space<semaphore_mem>>)
      %dma_wait3A_286 = arith.constant 0 : i32
      %dma_wait3A_287 = tpu.memref_slice %arg10[%dma_wait3A_286] : memref<8000xi32, #tpu.memory_space<vmem>> -> memref<32xi32, #tpu.memory_space<vmem>>
      %dma_wait3A_288 = tpu.memref_slice %arg4[%mul3A_261] : memref<1024xi32, #tpu.memory_space<hbm>> -> memref<32xi32, #tpu.memory_space<hbm>>
      %dma_wait3A_289 = arith.constant 0 : i32
      %dma_wait3A_290 = tpu.memref_slice %arg10[%dma_wait3A_289] : memref<8000xi32, #tpu.memory_space<vmem>> -> memref<32xi32, #tpu.memory_space<vmem>>
      %dma_wait3A_291 = tpu.memref_slice %arg4[%mul3A_261] : memref<1024xi32, #tpu.memory_space<hbm>> -> memref<32xi32, #tpu.memory_space<hbm>>
      tpu.wait_dma2 semaphore(%run_scoped3A : memref<!tpu.dma_semaphore, #tpu.memory_space<semaphore_mem>>) src(%dma_wait3A_291 : memref<32xi32, #tpu.memory_space<hbm>>) dst(%dma_wait3A_290 : memref<32xi32, #tpu.memory_space<vmem>>)
      tpu.yield
    }) : () -> ()
    %dma_start3A_262 = arith.constant 0 : i32
    %dma_start3A_263 = arith.constant 0 : i32
    %dma_start3A_264 = tpu.memref_slice %arg13[%dma_start3A_262, %dma_start3A_263] : memref<80x256xf32, #tpu.memory_space<vmem>> -> memref<32x256xf32, #tpu.memory_space<vmem>>
    %dma_start3A_265 = arith.constant 0 : i32
    %dma_start3A_266 = tpu.memref_slice %arg10[%dma_start3A_265] : memref<8000xi32, #tpu.memory_space<vmem>> -> memref<32xi32, #tpu.memory_space<vmem>>
    %dma_start3A_267 = arith.constant 0 : i32
    %dma_start3A_268 = arith.constant 0 : i32
    %dma_start3A_269 = tpu.memref_slice %arg2[%dma_start3A_267, %dma_start3A_268] : memref<100000x256xf32, #tpu.memory_space<hbm>> -> memref<100000x256xf32, #tpu.memory_space<hbm>>
    tpu.enqueue_indirect_dma source(%dma_start3A_269 : memref<100000x256xf32, #tpu.memory_space<hbm>>) target(%dma_start3A_264 : memref<32x256xf32, #tpu.memory_space<vmem>>) offsets(%dma_start3A_266 : memref<32xi32, #tpu.memory_space<vmem>>) semaphore(%arg17 : memref<!tpu.dma_semaphore, #tpu.memory_space<semaphore_mem>>)
    %dma_wait3A_270 = arith.constant 0 : i32
    %dma_wait3A_271 = arith.constant 0 : i32
    %dma_wait3A_272 = tpu.memref_slice %arg13[%dma_wait3A_270, %dma_wait3A_271] : memref<80x256xf32, #tpu.memory_space<vmem>> -> memref<32x256xf32, #tpu.memory_space<vmem>>
    %dma_wait3A_273 = arith.constant 0 : i32
    %dma_wait3A_274 = tpu.memref_slice %arg10[%dma_wait3A_273] : memref<8000xi32, #tpu.memory_space<vmem>> -> memref<32xi32, #tpu.memory_space<vmem>>
    %dma_wait3A_275 = arith.constant 0 : i32
    %dma_wait3A_276 = arith.constant 0 : i32
    %dma_wait3A_277 = tpu.memref_slice %arg2[%dma_wait3A_275, %dma_wait3A_276] : memref<100000x256xf32, #tpu.memory_space<hbm>> -> memref<100000x256xf32, #tpu.memory_space<hbm>>
    tpu.wait_indirect_dma semaphore(%arg17 : memref<!tpu.dma_semaphore, #tpu.memory_space<semaphore_mem>>) src(%dma_wait3A_277 : memref<100000x256xf32, #tpu.memory_space<hbm>>) dst(%dma_wait3A_272 : memref<32x256xf32, #tpu.memory_space<vmem>>)
    %mul3A_278 = arith.constant 32 : i32
    %mul3A_279 = arith.muli %add3A, %mul3A_278 : i32
    "tpu.region"() ({
      %run_scoped3A = tpu.sem_alloc : memref<!tpu.dma_semaphore, #tpu.memory_space<semaphore_mem>>
      %dma_start3A_280 = arith.constant 0 : i32
      %dma_start3A_281 = arith.constant 0 : i32
      %dma_start3A_282 = tpu.memref_slice %arg13[%dma_start3A_280, %dma_start3A_281] : memref<80x256xf32, #tpu.memory_space<vmem>> -> memref<32x256xf32, #tpu.memory_space<vmem>>
      %dma_start3A_283 = arith.constant 0 : i32
      %dma_start3A_284 = tpu.memref_slice %arg7[%mul3A_279, %dma_start3A_283] : memref<1024x256xf32, #tpu.memory_space<hbm>> -> memref<32x256xf32, #tpu.memory_space<hbm>>
      %dma_start3A_285 = arith.constant 0 : i32
      %dma_start3A_286 = tpu.memref_slice %arg7[%mul3A_279, %dma_start3A_285] : memref<1024x256xf32, #tpu.memory_space<hbm>> -> memref<32x256xf32, #tpu.memory_space<hbm>>
      %dma_start3A_287 = arith.constant 0 : i32
      %dma_start3A_288 = arith.constant 0 : i32
      %dma_start3A_289 = tpu.memref_slice %arg13[%dma_start3A_287, %dma_start3A_288] : memref<80x256xf32, #tpu.memory_space<vmem>> -> memref<32x256xf32, #tpu.memory_space<vmem>>
      tpu.enqueue_dma source(%dma_start3A_289 : memref<32x256xf32, #tpu.memory_space<vmem>>) target(%dma_start3A_286 : memref<32x256xf32, #tpu.memory_space<hbm>>) target_semaphore(%run_scoped3A : memref<!tpu.dma_semaphore, #tpu.memory_space<semaphore_mem>>)
      %dma_wait3A_290 = arith.constant 0 : i32
      %dma_wait3A_291 = arith.constant 0 : i32
      %dma_wait3A_292 = tpu.memref_slice %arg13[%dma_wait3A_290, %dma_wait3A_291] : memref<80x256xf32, #tpu.memory_space<vmem>> -> memref<32x256xf32, #tpu.memory_space<vmem>>
      %dma_wait3A_293 = arith.constant 0 : i32
      %dma_wait3A_294 = tpu.memref_slice %arg7[%mul3A_279, %dma_wait3A_293] : memref<1024x256xf32, #tpu.memory_space<hbm>> -> memref<32x256xf32, #tpu.memory_space<hbm>>
      %dma_wait3A_295 = arith.constant 0 : i32
      %dma_wait3A_296 = tpu.memref_slice %arg7[%mul3A_279, %dma_wait3A_295] : memref<1024x256xf32, #tpu.memory_space<hbm>> -> memref<32x256xf32, #tpu.memory_space<hbm>>
      %dma_wait3A_297 = arith.constant 0 : i32
      %dma_wait3A_298 = arith.constant 0 : i32
      %dma_wait3A_299 = tpu.memref_slice %arg13[%dma_wait3A_297, %dma_wait3A_298] : memref<80x256xf32, #tpu.memory_space<vmem>> -> memref<32x256xf32, #tpu.memory_space<vmem>>
      tpu.wait_dma2 semaphore(%run_scoped3A : memref<!tpu.dma_semaphore, #tpu.memory_space<semaphore_mem>>) src(%dma_wait3A_299 : memref<32x256xf32, #tpu.memory_space<vmem>>) dst(%dma_wait3A_296 : memref<32x256xf32, #tpu.memory_space<hbm>>)
      tpu.yield
    }) : () -> ()
    return
  }
}

module attributes {stable_mosaic.version = 14 : i64} {
  func.func @_tc1_body(%arg0: i32, %arg1: memref<3200x256xf32, #tpu.memory_space<vmem>>, %arg2: memref<3200x128xf32, #tpu.memory_space<vmem>>, %arg3: memref<256x128xf32, #tpu.memory_space<vmem>>, %arg4: memref<128x256xf32, #tpu.memory_space<vmem>>, %arg5: memref<128x256xf32, #tpu.memory_space<vmem>>) attributes {dimension_semantics = [#tpu.dimension_semantics<arbitrary>], iteration_bounds = array<i64: 8>, scalar_prefetch = 0 : i64, scratch_operands = 0 : i64, tpu.core_type = #tpu.core_type<tc>, window_params = [{transform_indices = @transform_0, window_bounds = array<i64: 3200, 256>}, {transform_indices = @transform_1, window_bounds = array<i64: 3200, 128>}, {pipeline_mode = #tpu.pipeline_mode<synchronous>, transform_indices = @transform_2, window_bounds = array<i64: 256, 128>}, {transform_indices = @transform_3, window_bounds = array<i64: 128, 256>}, {transform_indices = @transform_4, window_bounds = array<i64: 128, 256>}]} {
    %get3A = arith.constant 0 : index
    %get3A_0 = arith.constant 0 : index
    %get3A_1 = vector.load %arg1[%get3A, %get3A_0] : memref<3200x256xf32, #tpu.memory_space<vmem>>, vector<3200x256xf32>
    %get3A_2 = arith.constant 0 : index
    %get3A_3 = arith.constant 0 : index
    %get3A_4 = vector.load %arg3[%get3A_2, %get3A_3] : memref<256x128xf32, #tpu.memory_space<vmem>>, vector<256x128xf32>
    %dot_general3A = arith.constant dense<0.000000e+00> : vector<3200x128xf32>
    %dot_general3A_5 = tpu.matmul %get3A_1, %get3A_4, %dot_general3A {dimension_numbers = #tpu.dot_dimension_numbers<[1], [0], [0], [1], [0, 0, 1, 1], [], []>, transpose_lhs_hint = false} : vector<3200x256xf32>, vector<256x128xf32>, vector<3200x128xf32> -> vector<3200x128xf32>
    %get3A_6 = arith.constant 0 : index
    %get3A_7 = arith.constant 0 : index
    %get3A_8 = vector.load %arg2[%get3A_6, %get3A_7] : memref<3200x128xf32, #tpu.memory_space<vmem>>, vector<3200x128xf32>
    %mul3A = arith.constant 1.000000e-01 : f32
    %mul3A_9 = vector.broadcast %mul3A : f32 to vector<3200x128xf32>
    %mul3A_10 = arith.mulf %get3A_8, %mul3A_9 : vector<3200x128xf32>
    %concatenate3A = tpu.concatenate %dot_general3A_5, %mul3A_10 in 1 : vector<3200x128xf32>, vector<3200x128xf32> -> vector<3200x256xf32>
    %max3A = arith.constant 0.000000e+00 : f32
    %max3A_11 = vector.broadcast %max3A : f32 to vector<3200x256xf32>
    %max3A_12 = arith.maximumf %concatenate3A, %max3A_11 : vector<3200x256xf32>
    %iota3A = tpu.iota {dimensions = array<i32: 1>} : vector<128x3200xi32>
    %jit3A = arith.constant 25 : i32
    %div3A = vector.broadcast %jit3A : i32 to vector<128x3200xi32>
    %div3A_13 = arith.divsi %iota3A, %div3A : vector<128x3200xi32>
    %sign3A = arith.constant 0 : i32
    %sign3A_14 = vector.broadcast %sign3A : i32 to vector<128x3200xi32>
    %sign3A_15 = arith.cmpi sgt, %iota3A, %sign3A_14 : vector<128x3200xi32>
    %sign3A_16 = arith.extui %sign3A_15 : vector<128x3200xi1> to vector<128x3200xi32>
    %sign3A_17 = arith.constant 0 : i32
    %sign3A_18 = vector.broadcast %sign3A_17 : i32 to vector<128x3200xi32>
    %sign3A_19 = arith.cmpi slt, %iota3A, %sign3A_18 : vector<128x3200xi32>
    %sign3A_20 = arith.extui %sign3A_19 : vector<128x3200xi1> to vector<128x3200xi32>
    %sign3A_21 = arith.subi %sign3A_16, %sign3A_20 : vector<128x3200xi32>
    %sign3A_22 = arith.constant 0 : i32
    %sign3A_23 = arith.cmpi sgt, %jit3A, %sign3A_22 : i32
    %sign3A_24 = arith.extui %sign3A_23 : i1 to i32
    %sign3A_25 = arith.constant 0 : i32
    %sign3A_26 = arith.cmpi slt, %jit3A, %sign3A_25 : i32
    %sign3A_27 = arith.extui %sign3A_26 : i1 to i32
    %sign3A_28 = arith.subi %sign3A_24, %sign3A_27 : i32
    %ne3A = vector.broadcast %sign3A_28 : i32 to vector<128x3200xi32>
    %ne3A_29 = arith.cmpi ne, %sign3A_21, %ne3A : vector<128x3200xi32>
    %rem3A = vector.broadcast %jit3A : i32 to vector<128x3200xi32>
    %rem3A_30 = arith.remsi %iota3A, %rem3A : vector<128x3200xi32>
    %ne3A_31 = arith.constant 0 : i32
    %ne3A_32 = vector.broadcast %ne3A_31 : i32 to vector<128x3200xi32>
    %ne3A_33 = arith.cmpi ne, %rem3A_30, %ne3A_32 : vector<128x3200xi32>
    %and3A = arith.andi %ne3A_29, %ne3A_33 : vector<128x3200xi1>
    %sub3A = arith.constant 1 : i32
    %sub3A_34 = vector.broadcast %sub3A : i32 to vector<128x3200xi32>
    %sub3A_35 = arith.subi %div3A_13, %sub3A_34 : vector<128x3200xi32>
    %select_n3A = arith.select %and3A, %sub3A_35, %div3A_13 : vector<128x3200xi1>, vector<128x3200xi32>
    %iota3A_36 = tpu.iota {dimensions = array<i32: 0>} : vector<128x3200xi32>
    %eq3A = arith.cmpi eq, %select_n3A, %iota3A_36 : vector<128x3200xi32>
    %convert_element_type3A = arith.extui %eq3A : vector<128x3200xi1> to vector<128x3200xi32>
    %convert_element_type3A_37 = arith.sitofp %convert_element_type3A : vector<128x3200xi32> to vector<128x3200xf32>
    %dot_general3A_38 = arith.constant dense<0.000000e+00> : vector<128x256xf32>
    %dot_general3A_39 = tpu.matmul %convert_element_type3A_37, %max3A_12, %dot_general3A_38 {dimension_numbers = #tpu.dot_dimension_numbers<[1], [0], [0], [1], [0, 0, 1, 1], [], []>, transpose_lhs_hint = false} : vector<128x3200xf32>, vector<3200x256xf32>, vector<128x256xf32> -> vector<128x256xf32>
    %mul3A_40 = arith.constant 4.000000e-02 : f32
    %mul3A_41 = vector.broadcast %mul3A_40 : f32 to vector<128x256xf32>
    %mul3A_42 = arith.mulf %dot_general3A_39, %mul3A_41 : vector<128x256xf32>
    %swap3A = arith.constant 0 : index
    %swap3A_43 = arith.constant 0 : index
    %swap3A_44 = vector.load %arg4[%swap3A, %swap3A_43] : memref<128x256xf32, #tpu.memory_space<vmem>>, vector<128x256xf32>
    tpu.vector_store %arg4[%swap3A, %swap3A_43], %mul3A_42 {strides = array<i32>} : memref<128x256xf32, #tpu.memory_space<vmem>>, vector<128x256xf32>,
    %dot_general3A_45 = arith.constant dense<0.000000e+00> : vector<128x256xf32>
    %dot_general3A_46 = tpu.matmul %convert_element_type3A_37, %get3A_1, %dot_general3A_45 {dimension_numbers = #tpu.dot_dimension_numbers<[1], [0], [0], [1], [0, 0, 1, 1], [], []>, transpose_lhs_hint = false} : vector<128x3200xf32>, vector<3200x256xf32>, vector<128x256xf32> -> vector<128x256xf32>
    %swap3A_47 = arith.constant 0 : index
    %swap3A_48 = arith.constant 0 : index
    %swap3A_49 = vector.load %arg5[%swap3A_47, %swap3A_48] : memref<128x256xf32, #tpu.memory_space<vmem>>, vector<128x256xf32>
    tpu.vector_store %arg5[%swap3A_47, %swap3A_48], %dot_general3A_46 {strides = array<i32>} : memref<128x256xf32, #tpu.memory_space<vmem>>, vector<128x256xf32>,
    return
  }
  func.func @transform_0(%arg0: i32) -> (i32, i32) {
    %c0_i32 = arith.constant 0 : i32
    %c0_i32_0 = arith.constant 0 : i32
    return %arg0, %c0_i32 : i32, i32
  }
  func.func @transform_1(%arg0: i32) -> (i32, i32) {
    %c0_i32 = arith.constant 0 : i32
    %c0_i32_0 = arith.constant 0 : i32
    return %arg0, %c0_i32 : i32, i32
  }
  func.func @transform_2(%arg0: i32) -> (i32, i32) {
    %c0_i32 = arith.constant 0 : i32
    %c0_i32_0 = arith.constant 0 : i32
    %c0_i32_1 = arith.constant 0 : i32
    return %c0_i32, %c0_i32_0 : i32, i32
  }
  func.func @transform_3(%arg0: i32) -> (i32, i32) {
    %c0_i32 = arith.constant 0 : i32
    %c0_i32_0 = arith.constant 0 : i32
    return %arg0, %c0_i32 : i32, i32
  }
  func.func @transform_4(%arg0: i32) -> (i32, i32) {
    %c0_i32 = arith.constant 0 : i32
    %c0_i32_0 = arith.constant 0 : i32
    return %arg0, %c0_i32 : i32, i32
  }
}

module attributes {stable_mosaic.version = 14 : i64} {
  func.func @_tc2_body(%arg0: memref<1024x256xf32, #tpu.memory_space<vmem>>, %arg1: memref<1024x256xf32, #tpu.memory_space<vmem>>, %arg2: memref<1024x256xf32, #tpu.memory_space<vmem>>, %arg3: memref<256x128xf32, #tpu.memory_space<vmem>>, %arg4: memref<256x128xf32, #tpu.memory_space<vmem>>, %arg5: memref<256x128xf32, #tpu.memory_space<vmem>>, %arg6: memref<256x128xf32, #tpu.memory_space<vmem>>, %arg7: memref<512x1xi32, #tpu.memory_space<vmem>>, %arg8: memref<512x1xi32, #tpu.memory_space<vmem>>, %arg9: memref<512x1xi32, #tpu.memory_space<vmem>>, %arg10: memref<512x256xf32, #tpu.memory_space<vmem>>, %arg11: memref<1x1xf32, #tpu.memory_space<vmem>>, %arg12: memref<1x1xf32, #tpu.memory_space<vmem>>) attributes {dimension_semantics = [], scalar_prefetch = 0 : i64, scratch_operands = 0 : i64, tpu.core_type = #tpu.core_type<tc>} {
    %get3A = arith.constant 0 : index
    %get3A_0 = arith.constant 0 : index
    %get3A_1 = vector.load %arg0[%get3A, %get3A_0] : memref<1024x256xf32, #tpu.memory_space<vmem>>, vector<1024x256xf32>
    %get3A_2 = arith.constant 0 : index
    %get3A_3 = arith.constant 0 : index
    %get3A_4 = vector.load %arg3[%get3A_2, %get3A_3] : memref<256x128xf32, #tpu.memory_space<vmem>>, vector<256x128xf32>
    %dot_general3A = arith.constant dense<0.000000e+00> : vector<1024x128xf32>
    %dot_general3A_5 = tpu.matmul %get3A_1, %get3A_4, %dot_general3A {dimension_numbers = #tpu.dot_dimension_numbers<[1], [0], [0], [1], [0, 0, 1, 1], [], []>, transpose_lhs_hint = false} : vector<1024x256xf32>, vector<256x128xf32>, vector<1024x128xf32> -> vector<1024x128xf32>
    %get3A_6 = arith.constant 0 : index
    %get3A_7 = arith.constant 0 : index
    %get3A_8 = vector.load %arg1[%get3A_6, %get3A_7] : memref<1024x256xf32, #tpu.memory_space<vmem>>, vector<1024x256xf32>
    %mul3A = arith.constant 4.000000e-02 : f32
    %mul3A_9 = vector.broadcast %mul3A : f32 to vector<1024x256xf32>
    %mul3A_10 = arith.mulf %get3A_8, %mul3A_9 : vector<1024x256xf32>
    %get3A_11 = arith.constant 0 : index
    %get3A_12 = arith.constant 0 : index
    %get3A_13 = vector.load %arg4[%get3A_11, %get3A_12] : memref<256x128xf32, #tpu.memory_space<vmem>>, vector<256x128xf32>
    %dot_general3A_14 = arith.constant dense<0.000000e+00> : vector<1024x128xf32>
    %dot_general3A_15 = tpu.matmul %mul3A_10, %get3A_13, %dot_general3A_14 {dimension_numbers = #tpu.dot_dimension_numbers<[1], [0], [0], [1], [0, 0, 1, 1], [], []>, transpose_lhs_hint = false} : vector<1024x256xf32>, vector<256x128xf32>, vector<1024x128xf32> -> vector<1024x128xf32>
    %concatenate3A = tpu.concatenate %dot_general3A_5, %dot_general3A_15 in 1 : vector<1024x128xf32>, vector<1024x128xf32> -> vector<1024x256xf32>
    %max3A = arith.constant 0.000000e+00 : f32
    %max3A_16 = vector.broadcast %max3A : f32 to vector<1024x256xf32>
    %max3A_17 = arith.maximumf %concatenate3A, %max3A_16 : vector<1024x256xf32>
    %get3A_18 = arith.constant 0 : index
    %get3A_19 = arith.constant 0 : index
    %get3A_20 = vector.load %arg5[%get3A_18, %get3A_19] : memref<256x128xf32, #tpu.memory_space<vmem>>, vector<256x128xf32>
    %dot_general3A_21 = arith.constant dense<0.000000e+00> : vector<1024x128xf32>
    %dot_general3A_22 = tpu.matmul %max3A_17, %get3A_20, %dot_general3A_21 {dimension_numbers = #tpu.dot_dimension_numbers<[1], [0], [0], [1], [0, 0, 1, 1], [], []>, transpose_lhs_hint = false} : vector<1024x256xf32>, vector<256x128xf32>, vector<1024x128xf32> -> vector<1024x128xf32>
    %get3A_23 = arith.constant 0 : index
    %get3A_24 = arith.constant 0 : index
    %get3A_25 = vector.load %arg2[%get3A_23, %get3A_24] : memref<1024x256xf32, #tpu.memory_space<vmem>>, vector<1024x256xf32>
    %get3A_26 = arith.constant 0 : index
    %get3A_27 = arith.constant 0 : index
    %get3A_28 = vector.load %arg6[%get3A_26, %get3A_27] : memref<256x128xf32, #tpu.memory_space<vmem>>, vector<256x128xf32>
    %dot_general3A_29 = arith.constant dense<0.000000e+00> : vector<1024x128xf32>
    %dot_general3A_30 = tpu.matmul %get3A_25, %get3A_28, %dot_general3A_29 {dimension_numbers = #tpu.dot_dimension_numbers<[1], [0], [0], [1], [0, 0, 1, 1], [], []>, transpose_lhs_hint = false} : vector<1024x256xf32>, vector<256x128xf32>, vector<1024x128xf32> -> vector<1024x128xf32>
    %concatenate3A_31 = tpu.concatenate %dot_general3A_22, %dot_general3A_30 in 1 : vector<1024x128xf32>, vector<1024x128xf32> -> vector<1024x256xf32>
    %mul3A_32 = arith.mulf %concatenate3A_31, %concatenate3A_31 : vector<1024x256xf32>
    %reduce_sum3A = arith.constant dense<0.000000e+00> : vector<1024xf32>
    %reduce_sum3A_33 = vector.multi_reduction <add>, %mul3A_32, %reduce_sum3A [1] : vector<1024x256xf32> to vector<1024xf32>
    %broadcast_in_dim3A = vector.shape_cast %reduce_sum3A_33 : vector<1024xf32> to vector<1024x1xf32>
    %max3A_34 = arith.constant 9.99999996E-13 : f32
    %max3A_35 = vector.broadcast %max3A_34 : f32 to vector<1024x1xf32>
    %max3A_36 = arith.maximumf %broadcast_in_dim3A, %max3A_35 : vector<1024x1xf32>
    %rsqrt3A = math.rsqrt %max3A_36 : vector<1024x1xf32>
    %mul3A_37 = vector.broadcast %rsqrt3A : vector<1024x1xf32> to vector<1024x256xf32>
    %mul3A_38 = arith.mulf %concatenate3A_31, %mul3A_37 : vector<1024x256xf32>
    %iota3A = tpu.iota {dimensions = array<i32: 1>} : vector<512x1024xi32>
    %get3A_39 = arith.constant 0 : index
    %get3A_40 = arith.constant 0 : index
    %get3A_41 = vector.load %arg7[%get3A_39, %get3A_40] : memref<512x1xi32, #tpu.memory_space<vmem>>, vector<512x1xi32>
    %eq3A = vector.broadcast %get3A_41 : vector<512x1xi32> to vector<512x1024xi32>
    %eq3A_42 = arith.cmpi eq, %iota3A, %eq3A : vector<512x1024xi32>
    %convert_element_type3A = arith.extui %eq3A_42 : vector<512x1024xi1> to vector<512x1024xi32>
    %convert_element_type3A_43 = arith.sitofp %convert_element_type3A : vector<512x1024xi32> to vector<512x1024xf32>
    %dot_general3A_44 = arith.constant dense<0.000000e+00> : vector<512x256xf32>
    %dot_general3A_45 = tpu.matmul %convert_element_type3A_43, %mul3A_38, %dot_general3A_44 {dimension_numbers = #tpu.dot_dimension_numbers<[1], [0], [0], [1], [0, 0, 1, 1], [], []>, precision = #tpu.contract_precision<fp32>, transpose_lhs_hint = false} : vector<512x1024xf32>, vector<1024x256xf32>, vector<512x256xf32> -> vector<512x256xf32>
    %get3A_46 = arith.constant 0 : index
    %get3A_47 = arith.constant 0 : index
    %get3A_48 = vector.load %arg8[%get3A_46, %get3A_47] : memref<512x1xi32, #tpu.memory_space<vmem>>, vector<512x1xi32>
    %eq3A_49 = vector.broadcast %get3A_48 : vector<512x1xi32> to vector<512x1024xi32>
    %eq3A_50 = arith.cmpi eq, %iota3A, %eq3A_49 : vector<512x1024xi32>
    %convert_element_type3A_51 = arith.extui %eq3A_50 : vector<512x1024xi1> to vector<512x1024xi32>
    %convert_element_type3A_52 = arith.sitofp %convert_element_type3A_51 : vector<512x1024xi32> to vector<512x1024xf32>
    %dot_general3A_53 = arith.constant dense<0.000000e+00> : vector<512x256xf32>
    %dot_general3A_54 = tpu.matmul %convert_element_type3A_52, %mul3A_38, %dot_general3A_53 {dimension_numbers = #tpu.dot_dimension_numbers<[1], [0], [0], [1], [0, 0, 1, 1], [], []>, precision = #tpu.contract_precision<fp32>, transpose_lhs_hint = false} : vector<512x1024xf32>, vector<1024x256xf32>, vector<512x256xf32> -> vector<512x256xf32>
    %get3A_55 = arith.constant 0 : index
    %get3A_56 = arith.constant 0 : index
    %get3A_57 = vector.load %arg9[%get3A_55, %get3A_56] : memref<512x1xi32, #tpu.memory_space<vmem>>, vector<512x1xi32>
    %eq3A_58 = vector.broadcast %get3A_57 : vector<512x1xi32> to vector<512x1024xi32>
    %eq3A_59 = arith.cmpi eq, %iota3A, %eq3A_58 : vector<512x1024xi32>
    %convert_element_type3A_60 = arith.extui %eq3A_59 : vector<512x1024xi1> to vector<512x1024xi32>
    %convert_element_type3A_61 = arith.sitofp %convert_element_type3A_60 : vector<512x1024xi32> to vector<512x1024xf32>
    %dot_general3A_62 = arith.constant dense<0.000000e+00> : vector<512x256xf32>
    %dot_general3A_63 = tpu.matmul %convert_element_type3A_61, %mul3A_38, %dot_general3A_62 {dimension_numbers = #tpu.dot_dimension_numbers<[1], [0], [0], [1], [0, 0, 1, 1], [], []>, precision = #tpu.contract_precision<fp32>, transpose_lhs_hint = false} : vector<512x1024xf32>, vector<1024x256xf32>, vector<512x256xf32> -> vector<512x256xf32>
    %swap3A = arith.constant 0 : index
    %swap3A_64 = arith.constant 0 : index
    %swap3A_65 = vector.load %arg10[%swap3A, %swap3A_64] : memref<512x256xf32, #tpu.memory_space<vmem>>, vector<512x256xf32>
    tpu.vector_store %arg10[%swap3A, %swap3A_64], %dot_general3A_45 {strides = array<i32>} : memref<512x256xf32, #tpu.memory_space<vmem>>, vector<512x256xf32>,
    %mul3A_66 = arith.mulf %dot_general3A_45, %dot_general3A_54 : vector<512x256xf32>
    %reduce_sum3A_67 = arith.constant dense<0.000000e+00> : vector<512xf32>
    %reduce_sum3A_68 = vector.multi_reduction <add>, %mul3A_66, %reduce_sum3A_67 [1] : vector<512x256xf32> to vector<512xf32>
    %broadcast_in_dim3A_69 = vector.shape_cast %reduce_sum3A_68 : vector<512xf32> to vector<512x1xf32>
    %dot_general3A_70 = arith.constant dense<0.000000e+00> : vector<512x512xf32>
    %dot_general3A_71 = tpu.matmul %dot_general3A_45, %dot_general3A_63, %dot_general3A_70 {dimension_numbers = #tpu.dot_dimension_numbers<[1], [1], [0], [0], [0, 0, 1, 0], [], []>, transpose_lhs_hint = false} : vector<512x256xf32>, vector<512x256xf32>, vector<512x512xf32> -> vector<512x512xf32>
    %ge3A = vector.broadcast %broadcast_in_dim3A_69 : vector<512x1xf32> to vector<512x512xf32>
    %ge3A_72 = arith.cmpf oge, %dot_general3A_71, %ge3A : vector<512x512xf32>
    %convert_element_type3A_73 = arith.extui %ge3A_72 : vector<512x512xi1> to vector<512x512xi32>
    %reduce_sum3A_74 = arith.constant dense<0> : vector<512xi32>
    %reduce_sum3A_75 = vector.multi_reduction <add>, %convert_element_type3A_73, %reduce_sum3A_74 [1] : vector<512x512xi32> to vector<512xi32>
    %broadcast_in_dim3A_76 = vector.shape_cast %reduce_sum3A_75 : vector<512xi32> to vector<512x1xi32>
    %convert_element_type3A_77 = arith.sitofp %broadcast_in_dim3A_76 : vector<512x1xi32> to vector<512x1xf32>
    %add3A = arith.constant 1.000000e+00 : f32
    %add3A_78 = vector.broadcast %add3A : f32 to vector<512x1xf32>
    %add3A_79 = arith.addf %convert_element_type3A_77, %add3A_78 : vector<512x1xf32>
    %div3A = arith.constant 1.000000e+00 : f32
    %div3A_80 = vector.broadcast %div3A : f32 to vector<512x1xf32>
    %div3A_81 = arith.divf %div3A_80, %add3A_79 : vector<512x1xf32>
    %reduce_sum3A_82 = vector.shape_cast %div3A_81 : vector<512x1xf32> to vector<1x512x1xf32>
    %reduce_sum3A_83 = arith.constant dense<0.000000e+00> : vector<1xf32>
    %reduce_sum3A_84 = vector.multi_reduction <add>, %reduce_sum3A_82, %reduce_sum3A_83 [1, 2] : vector<1x512x1xf32> to vector<1xf32>
    %reduce_sum3A_85 = vector.shape_cast %reduce_sum3A_84 : vector<1xf32> to vector<1x1x1xf32>
    %reduce_sum3A_86 = vector.extract %reduce_sum3A_85[0, 0, 0] : f32 from vector<1x1x1xf32>
    %div3A_87 = arith.constant 5.120000e+02 : f32
    %div3A_88 = arith.divf %reduce_sum3A_86, %div3A_87 : f32
    %reshape3A = vector.broadcast %div3A_88 : f32 to vector<1x1xf32>
    %swap3A_89 = arith.constant 0 : index
    %swap3A_90 = arith.constant 0 : index
    %swap3A_91 = vector.load %arg12[%swap3A_89, %swap3A_90] : memref<1x1xf32, #tpu.memory_space<vmem>>, vector<1x1xf32>
    tpu.vector_store %arg12[%swap3A_89, %swap3A_90], %reshape3A {strides = array<i32>} : memref<1x1xf32, #tpu.memory_space<vmem>>, vector<1x1xf32>,
    %neg3A = arith.constant 0.000000e+00 : f32
    %neg3A_92 = vector.broadcast %neg3A : f32 to vector<512x1xf32>
    %neg3A_93 = arith.subf %neg3A_92, %broadcast_in_dim3A_69 : vector<512x1xf32>
    %max3A_94 = arith.constant 0.000000e+00 : f32
    %max3A_95 = vector.broadcast %max3A_94 : f32 to vector<512x1xf32>
    %max3A_96 = arith.maximumf %neg3A_93, %max3A_95 : vector<512x1xf32>
    %abs3A = math.absf %neg3A_93 : vector<512x1xf32>
    %neg3A_97 = arith.constant 0.000000e+00 : f32
    %neg3A_98 = vector.broadcast %neg3A_97 : f32 to vector<512x1xf32>
    %neg3A_99 = arith.subf %neg3A_98, %abs3A : vector<512x1xf32>
    %exp3A = math.exp %neg3A_99 : vector<512x1xf32>
    %log1p3A = math.log1p %exp3A : vector<512x1xf32>
    %add3A_100 = arith.addf %max3A_96, %log1p3A : vector<512x1xf32>
    %reduce_sum3A_101 = vector.shape_cast %add3A_100 : vector<512x1xf32> to vector<1x512x1xf32>
    %reduce_sum3A_102 = arith.constant dense<0.000000e+00> : vector<1xf32>
    %reduce_sum3A_103 = vector.multi_reduction <add>, %reduce_sum3A_101, %reduce_sum3A_102 [1, 2] : vector<1x512x1xf32> to vector<1xf32>
    %reduce_sum3A_104 = vector.shape_cast %reduce_sum3A_103 : vector<1xf32> to vector<1x1x1xf32>
    %reduce_sum3A_105 = vector.extract %reduce_sum3A_104[0, 0, 0] : f32 from vector<1x1x1xf32>
    %max3A_106 = arith.constant 0.000000e+00 : f32
    %max3A_107 = vector.broadcast %max3A_106 : f32 to vector<512x512xf32>
    %max3A_108 = arith.maximumf %dot_general3A_71, %max3A_107 : vector<512x512xf32>
    %abs3A_109 = math.absf %dot_general3A_71 : vector<512x512xf32>
    %neg3A_110 = arith.constant 0.000000e+00 : f32
    %neg3A_111 = vector.broadcast %neg3A_110 : f32 to vector<512x512xf32>
    %neg3A_112 = arith.subf %neg3A_111, %abs3A_109 : vector<512x512xf32>
    %exp3A_113 = math.exp %neg3A_112 : vector<512x512xf32>
    %log1p3A_114 = math.log1p %exp3A_113 : vector<512x512xf32>
    %add3A_115 = arith.addf %max3A_108, %log1p3A_114 : vector<512x512xf32>
    %reduce_sum3A_116 = vector.shape_cast %add3A_115 : vector<512x512xf32> to vector<1x512x512xf32>
    %reduce_sum3A_117 = arith.constant dense<0.000000e+00> : vector<1xf32>
    %reduce_sum3A_118 = vector.multi_reduction <add>, %reduce_sum3A_116, %reduce_sum3A_117 [1, 2] : vector<1x512x512xf32> to vector<1xf32>
    %reduce_sum3A_119 = vector.shape_cast %reduce_sum3A_118 : vector<1xf32> to vector<1x1x1xf32>
    %reduce_sum3A_120 = vector.extract %reduce_sum3A_119[0, 0, 0] : f32 from vector<1x1x1xf32>
    %add3A_121 = arith.addf %reduce_sum3A_105, %reduce_sum3A_120 : f32
    %mul3A_122 = arith.constant 0.001953125 : f32
    %mul3A_123 = arith.mulf %add3A_121, %mul3A_122 : f32
    %reshape3A_124 = vector.broadcast %mul3A_123 : f32 to vector<1x1xf32>
    %swap3A_125 = arith.constant 0 : index
    %swap3A_126 = arith.constant 0 : index
    %swap3A_127 = vector.load %arg11[%swap3A_125, %swap3A_126] : memref<1x1xf32, #tpu.memory_space<vmem>>, vector<1x1xf32>
    tpu.vector_store %arg11[%swap3A_125, %swap3A_126], %reshape3A_124 {strides = array<i32>} : memref<1x1xf32, #tpu.memory_space<vmem>>, vector<1x1xf32>,
    return
  }
}

module attributes {stable_mosaic.version = 14 : i64} {
  func.func @_tc0_body(%arg0: i32, %arg1: memref<5000x256xf32, #tpu.memory_space<vmem>>, %arg2: memref<256x128xf32, #tpu.memory_space<vmem>>, %arg3: memref<5000x128xf32, #tpu.memory_space<vmem>>) attributes {dimension_semantics = [#tpu.dimension_semantics<arbitrary>], iteration_bounds = array<i64: 20>, scalar_prefetch = 0 : i64, scratch_operands = 0 : i64, tpu.core_type = #tpu.core_type<tc>, window_params = [{transform_indices = @transform_0, window_bounds = array<i64: 5000, 256>}, {pipeline_mode = #tpu.pipeline_mode<synchronous>, transform_indices = @transform_1, window_bounds = array<i64: 256, 128>}, {transform_indices = @transform_2, window_bounds = array<i64: 5000, 128>}]} {
    %get3A = arith.constant 0 : index
    %get3A_0 = arith.constant 0 : index
    %get3A_1 = vector.load %arg1[%get3A, %get3A_0] : memref<5000x256xf32, #tpu.memory_space<vmem>>, vector<5000x256xf32>
    %get3A_2 = arith.constant 0 : index
    %get3A_3 = arith.constant 0 : index
    %get3A_4 = vector.load %arg2[%get3A_2, %get3A_3] : memref<256x128xf32, #tpu.memory_space<vmem>>, vector<256x128xf32>
    %dot_general3A = arith.constant dense<0.000000e+00> : vector<5000x128xf32>
    %dot_general3A_5 = tpu.matmul %get3A_1, %get3A_4, %dot_general3A {dimension_numbers = #tpu.dot_dimension_numbers<[1], [0], [0], [1], [0, 0, 1, 1], [], []>, precision = #tpu.contract_precision<fp32>, transpose_lhs_hint = false} : vector<5000x256xf32>, vector<256x128xf32>, vector<5000x128xf32> -> vector<5000x128xf32>
    %swap3A = arith.constant 0 : index
    %swap3A_6 = arith.constant 0 : index
    %swap3A_7 = vector.load %arg3[%swap3A, %swap3A_6] : memref<5000x128xf32, #tpu.memory_space<vmem>>, vector<5000x128xf32>
    tpu.vector_store %arg3[%swap3A, %swap3A_6], %dot_general3A_5 {strides = array<i32>} : memref<5000x128xf32, #tpu.memory_space<vmem>>, vector<5000x128xf32>,
    return
  }
  func.func @transform_0(%arg0: i32) -> (i32, i32) {
    %c0_i32 = arith.constant 0 : i32
    %c0_i32_0 = arith.constant 0 : i32
    return %arg0, %c0_i32 : i32, i32
  }
  func.func @transform_1(%arg0: i32) -> (i32, i32) {
    %c0_i32 = arith.constant 0 : i32
    %c0_i32_0 = arith.constant 0 : i32
    %c0_i32_1 = arith.constant 0 : i32
    return %c0_i32, %c0_i32_0 : i32, i32
  }
  func.func @transform_2(%arg0: i32) -> (i32, i32) {
    %c0_i32 = arith.constant 0 : i32
    %c0_i32_0 = arith.constant 0 : i32
    return %arg0, %c0_i32 : i32, i32
  }
}

</mosaic_0001>

<sc_bundles>
// kernel: kernel.6.cloned.1.call-start
scs
__scs_entry_jumppad:
0x0: {  	(pc) =	sbr.rel $0x88, $3  }
0x1: {  	(tag) =	ssettag $0x0;
	lr =	simm.s32 $0x1  }
0x2: {  	[smem:$0x3F96] =	sst lr;
	_ =	strace $0xD0000000  }
0x3: {  	_ = 	snop  }
0x4: {  	_ = 	snop  }
0x5: {  	_ = 	snop  }
0x6: {  	_ = 	snop  }
0x7: {  	_ = 	snop  }
__scs_overlays_trampoline_lowered:
0x8: {  	[smem:$0x3FA5] =	sst s0  }
0x9: {  	[smem:$0x3FA6] =	sst s1  }
0xa: {  	[smem:$0x3FA7] =	sst s2  }
0xb: {  	[smem:$0x3FA8] =	sst s3  }
0xc: {  	[smem:$0x3FA9] =	sst s4  }
0xd: {  	[smem:$0x3FAA] =	sst s5  }
0xe: {  	[smem:$0x3FAB] =	sst s6  }
0xf: {  	[smem:$0x3FAC] =	sst s7  }
0x10: {  	[smem:$0x3FAD] =	sst s8  }
0x11: {  	[smem:$0x3FAE] =	sst s9;
	s0 =	simm.s32 @!p0 $0x0  }
0x12: {  	s1 =	sld [smem:$0x3F94];
	s0 =	simm.s32 @p0 $0x1  }
0x13: {  	[smem:$0x3FAF] =	sst s0;
	s0 =	simm.s32 @!p1 $0x0  }
0x14: {  	s2 =	sld [smem:$0x3F93];
	s0 =	simm.s32 @p1 $0x1  }
0x15: {  	[smem:$0x3FB0] =	sst s0;
	s0 =	simm.s32 @!p2 $0x0  }
0x16: {  	s3 =	sld [smem:$0x3FDB];
	s0 =	simm.s32 @p2 $0x1  }
0x17: {  	s4 =	simm.s32 $0x1BF5;
	[smem:$0x3FB2] =	sst s0  }
0x18: {  	s0 =	sld [smem:$0x3F95];
	_ =	swait.ge [sflag:s4], $0x0  }
0x19: {  	s7 =	sld [smem:$0x3F96]  }
0x1a: {  	s8 =	sadd.s32 $0xFFFFE003, lr  }
0x1b: {  	s9 =	sadd.s32 $0xFFFFFEF7, lr;
	s5 =	simm.s32 $0xFFFFFFFF;
	p2 =	slt.u32 s8, $0xFFFFF086  }
0x1c: {  	p1 =	slt.u32 s9, $0xF7A;
	s5 =	simm.s32 @!p2 $0x0  }
0x1d: {  	s5 =	simm.s32 @p1 $0x1;
	p0 =	seq.s32 s7, s2  }
0x1e: {  	s7 =	smul.u32 @!p0 $0xF7A, s2;
	p2 =	seq.s32 @!p0 s5, $0x0  }
0x1f: {  	s9 =	smul.u32 $0xF7A, s1;
	s8 =	simm.s32 @!p0 $0x1BF5;
	p2 =	por !p2, p0  }
0x20: {  	[sflag:s8] =	ssyncset.s32 @!p0 $0xFFFFF086;
	s6 =	sadd.s32 @!p0 s3, s7;
	s7 =	simm.s32 @!p0 $0x108  }
0x21: {  	s3 =	sadd.s32 s3, s9;
	s6 =	sadd.s32 @!p0 $0x88, s6;
	s7 =	simm.s32 @p2 $0x1082  }
0x22: {  	[simem:s7], [sflag:s8] =	dma.local @!p0 [hbm:s6], $0xF7A  }
0x23: {  	s9 =	sor.u32 $0xD0000000, s2;
	s6 =	simm.s32 $0x108;
	_ =	swait.ge @!p0 [sflag:s8], $0x0  }
0x24: {  	s3 =	sadd.s32 $0x88, s3;
	s6 =	simm.s32 @!p1 $0x1082;
	[sflag:s4] =	ssyncset.s32 $0xFFFFF086  }
0x25: {  	[simem:s6], [sflag:s4] =	dma.local [hbm:s3], $0xF7A  }
0x26: {  	[smem:$0x3F96] =	sst s1;
	(tag) =	ssettag s2;
	_ =	strace s9  }
0x27: {  	s1 =	sld [smem:$0x3FA6]  }
0x28: {  	s2 =	sld [smem:$0x3FA7]  }
0x29: {  	s4 =	sld [smem:$0x3FA9]  }
0x2a: {  	p0 =	seq.s32 s5, $0x0;
	s5 =	sld [smem:$0x3FAA]  }
0x2b: {  	s6 =	sld [smem:$0x3FAB]  }
0x2c: {  	s7 =	sld [smem:$0x3FAC]  }
0x2d: {  	s3 =	simm.s32 $0x108;
	s8 =	sld [smem:$0x3FAD]  }
0x2e: {  	s3 =	simm.s32 @!p0 $0x1082;
	s9 =	sld [smem:$0x3FAE]  }
0x2f: {  	lr =	sadd.s32 s0, s3;
	s0 =	sld [smem:$0x3FA5]  }
0x30: {  	s3 =	sld [smem:$0x3FA8]  }
0x31: {  	[smem:$0x3FB1] =	sst s10  }
0x32: {  	s10 =	sld [smem:$0x3FAF];
	_ =	sdelay $0x3  }
0x33: {  	p0 =	seq.s32 s10, $0x1;
	s10 =	sld [smem:$0x3FB1];
	_ =	sdelay $0x3  }
0x34: {  	[smem:$0x3FB1] =	sst s10  }
0x35: {  	s10 =	sld [smem:$0x3FB0];
	_ =	sdelay $0x3  }
0x36: {  	p1 =	seq.s32 s10, $0x1;
	s10 =	sld [smem:$0x3FB1];
	_ =	sdelay $0x3  }
0x37: {  	[smem:$0x3FB1] =	sst s10  }
0x38: {  	s10 =	sld [smem:$0x3FB2]  }
0x39: {  	_ = 	snop;
	(pc) =	sbr.ind lr, $3  }
0x3a: {  	_ = 	snop  }
0x3b: {  	_ = 	snop  }
0x3c: {  	p2 =	seq.s32 s10, $0x1;
	s10 =	sld [smem:$0x3FB1]  }
0x3d: {  	_ =	shalt  }
0x3e: {  	_ =	shalt  }
0x3f: {  	_ =	shalt  }
0x40: {  	_ =	shalt  }
0x41: {  	_ =	shalt  }
0x42: {  	_ =	shalt  }
0x43: {  	_ =	shalt  }
0x44: {  	_ =	shalt  }
0x45: {  	_ =	shalt  }
0x46: {  	_ =	shalt  }
0x47: {  	_ =	shalt  }
0x48: {  	_ =	shalt  }
0x49: {  	_ =	shalt  }
0x4a: {  	_ =	shalt  }
0x4b: {  	_ =	shalt  }
0x4c: {  	_ =	shalt  }
0x4d: {  	_ =	shalt  }
0x4e: {  	_ =	shalt  }
0x4f: {  	_ =	shalt  }
0x50: {  	_ =	shalt  }
0x51: {  	_ =	shalt  }
0x52: {  	_ =	shalt  }
0x53: {  	_ =	shalt  }
0x54: {  	_ =	shalt  }
0x55: {  	_ =	shalt  }
0x56: {  	_ =	shalt  }
0x57: {  	_ =	shalt  }
0x58: {  	_ =	shalt  }
0x59: {  	_ =	shalt  }
0x5a: {  	_ =	shalt  }
0x5b: {  	_ =	shalt  }
0x5c: {  	_ =	shalt  }
0x5d: {  	_ =	shalt  }
0x5e: {  	_ =	shalt  }
0x5f: {  	_ =	shalt  }
0x60: {  	_ =	shalt  }
0x61: {  	_ =	shalt  }
0x62: {  	_ =	shalt  }
0x63: {  	_ =	shalt  }
0x64: {  	_ =	shalt  }
0x65: {  	_ =	shalt  }
0x66: {  	_ =	shalt  }
0x67: {  	_ =	shalt  }
0x68: {  	_ =	shalt  }
0x69: {  	_ =	shalt  }
0x6a: {  	_ =	shalt  }
0x6b: {  	_ =	shalt  }
0x6c: {  	_ =	shalt  }
0x6d: {  	_ =	shalt  }
0x6e: {  	_ =	shalt  }
0x6f: {  	_ =	shalt  }
0x70: {  	_ =	shalt  }
0x71: {  	_ =	shalt  }
0x72: {  	_ =	shalt  }
0x73: {  	_ =	shalt  }
0x74: {  	_ =	shalt  }
0x75: {  	_ =	shalt  }
0x76: {  	_ =	shalt  }
0x77: {  	_ =	shalt  }
0x78: {  	_ =	shalt  }
0x79: {  	_ =	shalt  }
0x7a: {  	_ =	shalt  }
0x7b: {  	_ =	shalt  }
0x7c: {  	_ =	shalt  }
0x7d: {  	_ =	shalt  }
0x7e: {  	_ =	shalt  }
0x7f: {  	_ =	shalt  }
0x80: {  	_ =	shalt  }
0x81: {  	_ =	shalt  }
0x82: {  	_ =	shalt  }
0x83: {  	_ =	shalt  }
0x84: {  	_ =	shalt  }
0x85: {  	_ =	shalt  }
0x86: {  	_ =	shalt  }
0x87: {  	_ =	shalt  }
.Lfunc_end0:
.L_simem_size_0:
called_computation_lowered:
.L_overlay_start_0:
0x88: {  	s2 =	sld [smem:$0x3FD9]  }
0x89: {  	s3 =	sld [smem:$0x3FFE];
	_ =	sdelay $0x1  }
0x8a: {  	s1 =	srdreg.scid  }
0x8b: {  	s0 =	sand.u32 $0x1, s1  }
0x8c: {  	s17 =	sshll.u32 s0, $0xA;
	s2 =	sadd.s32 s3, s2  }
0x8d: {  	s2 =	sadd.s32 s2, s17  }
0x8e: {  	[smem:$0x3FBD] =	sst s2  }
0x8f: {  	_ = 	snop  }
0x90: {  	s2 =	sld [smem:$0x3FC9]  }
0x91: {  	s18 =	sld [smem:$0x3FC5]  }
0x92: {  	s4 =	sld [smem:$0x3FC4]  }
0x93: {  	s5 =	sld [smem:$0x3FC3];
	(tm) =	ssettm $0x1  }
0x94: {  	s6 =	sld [smem:$0x3FFB];
	_ =	sdelay $0x3  }
0x95: {  	_ =	strace s6  }
0x96: {  	s6 =	sld [smem:$0x3FFC];
	_ =	sdelay $0x3  }
0x97: {  	_ =	strace s6  }
0x98: {  	s6 =	sld [smem:$0x3FFD];
	_ =	sdelay $0x3  }
0x99: {  	_ =	strace s6  }
0x9a: {  	_ =	strace $0x8FFFFFFF  }
0x9b: {  	s19 =	sld [smem:$0x3FDB];
	_ =	sdelay $0x1  }
0x9c: {  	s7 =	simm.s32 $_scs_section_size  }
0x9d: {  	s8 =	simm.s32 $_size__tile_overlayer_lowered;
	s9 =	simm.s32 $_tile_overlayer_lowered  }
0x9e: {  	s22 =	simm.s32 $0x1BFF;
	s21 =	sshll.u32 s9, $0x1;
	s6 =	sadd.s32 s7, s19  }
0x9f: {  	s10 =	simm.s32 $0x0;
	s20 =	sshll.u32 s8, $0x1;
	s8 =	sadd.s32 s21, s6  }
0xa0: {  	[timem:s10], [sflag:s22] =	dma.local [hbm:s8], s20  }
0xa1: {  	_ =	swait.ge [sflag:s22], s20  }
0xa2: {  	s7 =	ssub.s32 $0x0, s20;
	[sflag:s22] =	ssyncset.done $0x0  }
0xa3: {  	[sflag:s22] =	ssyncadd.s32 s7;
	_ =	sdelay $0x1  }
0xa4: {  	s23 =	simm.s32 $0x1B8B  }
0xa5: {  	_ =	swait.ge [sflag:s23], $0x1  }
0xa6: {  	[sflag:s23] =	ssyncset.done $0x0  }
0xa7: {  	s25 =	simm.s32 $0x1B8E;
	s24 =	sld [smem:$0x3FFE];
	[sflag:s23] =	ssyncadd.s32 $0xFFFFFFFF  }
0xa8: {  	s26 =	simm.s32 $execute0_lowered;
	[smem:$0x3FD2] =	sst s25  }
0xa9: {  	s8 =	sshll.u32 s26, $0x1;
	_ =	strace $0x80000046;
	[dreg:$0x1] =	wrdreg $0xFFFFFFFF  }
0xaa: {  	s28 =	simm.s32 $_size_execute0_lowered;
	s6 =	sadd.s32 s6, s8;
	[dreg:$0x0] =	wrdreg $0x0  }
0xab: {  	s8 =	sshll.u32 s28, $0x1;
	[dreg:$0x2] =	wrdreg s6  }
0xac: {  	[dreg:$0x3] =	wrdreg s8  }
0xad: {  	[dreg:$0x4] =	wrdreg $0xC0  }
0xae: {  	_ =	task [dreg:s10], $0x5FFFF  }
0xaf: {  	[dreg:$0x1] =	wrdreg $0xFFFFFFFF  }
0xb0: {  	[dreg:$0x0] =	wrdreg $0x60  }
0xb1: {  	[dreg:$0x2] =	wrdreg s2  }
0xb2: {  	[dreg:$0x3] =	wrdreg s24  }
0xb3: {  	[dreg:$0x4] =	wrdreg s18  }
0xb4: {  	[dreg:$0x5] =	wrdreg s4  }
0xb5: {  	[dreg:$0x6] =	wrdreg s5  }
0xb6: {  	[dreg:$0x7] =	wrdreg $0x9  }
0xb7: {  	_ =	task.clear_ibuf [dreg:s10], $0x8FFFF;
	_ =	strace $0x90000046  }
0xb8: {  	s29 =	simm.s32 $0x9;
	_ =	strace $0x80000048  }
0xb9: {  	_ =	swait.ge [sflag:s29], $0x1  }
0xba: {  	[sflag:s29] =	ssyncadd.s32 $0xFFFFFFFF  }
0xbb: {  	_ =	strace $0x90000048  }
0xbc: {  	_ =	sfence  }
0xbd: {  	s30 =	sld [smem:$0x0];
	_ =	sdelay $0x2  }
0xbe: {  	s31 =	sshll.u32 s1, $0xD;
	s1 =	sshrl.u32 s1, $0x2  }
0xbf: {  	s3 =	sand.u32 $0x4000, s31;
	s1 =	sadd.s32 s1, s30  }
0xc0: {  	s0 =	sor.u32 s3, s0;
	s1 =	sshll.u32 s1, $0x11  }
0xc1: {  	s0 =	sor.u32 s1, s0  }
0xc2: {  	s0 =	sadd.s32 $0x8F2B, s0  }
0xc3: {  	[sflag:s0] =	ssyncadd.remote.s32 $0x1  }
0xc4: {  	_ =	sfence.sel $0xFFFF  }
0xc5: {  	[dreg:$0x0] =	wrdreg $0xFFFFFFFF;
	(pc) =	sbr.abs _section_cstart, $3  }
0xc6: {  	[dreg:$0x1] =	wrdreg $0xFFFFFFFF  }
0xc7: {  	_ =	task.clear_ibuf [dreg:s10], $0x2FFFF;
	_ =	strace $0x9FFFFFFF  }
0xc8: {  	(tm) =	ssettm $0x7FFFFFFF  }
0xc9: {  	_ =	shalt  }
tec
execute0_lowered:
.L_overlay_start_1:
0x0: {  	(tag) =	ssettag $0x1  }
0x1: {  	s1 =	rddreg [dreg:$0x0]  }
0x2: {  	s0 =	rddreg [dreg:$0x1]  }
0x3: {  	s2 =	rddreg [dreg:$0x2]  }
0x4: {  	s6 =	rddreg [dreg:$0x3]  }
0x5: {  	s7 =	rddreg [dreg:$0x4]  }
0x6: {  	s4 =	srdreg.scid;
	s8 =	stileid.u32  }
0x7: {  	s3 =	simm.s32 $0x0;
	s5 =	sand.u32 $0x1, s4;
	s24 =	sshll.u32 s8, $0x1  }
0x8: {  	[smem:$0x7FF] =	sst s3;
	s8 =	sor.u32 s5, s24  }
0x9: {  	s4 =	sadd.s32 $0x2000, s0;
	s12 =	sadd.s32 $0x1ECA00, s0;
	s11 =	smul.u32 $0x3E8, s8  }
0xa: {  	_ =	strace $0x80000047;
	s10 =	ssub.s32 $0x2, s5;
	s14 =	smul.u32 $0x32000, s8  }
0xb: {  	s5 =	sadd.s32 $0x188A00, s0;
	s9 =	sshll.u32 s8, $0xA;
	s25 =	smul.u32 $0x64, s8  }
0xc: {  	s13 =	sshrl.u32 s10, $0x1;
	s26 =	smul.u32 $0x6400, s8;
	s7 =	sadd.s32 s7, s11  }
0xd: {  	s9 =	sadd.s32 s9, s0;
	s6 =	sadd.s32 s6, s25;
	[dreg:$0x6] =	wrdreg s7  }
0xe: {  	s0 =	ssub.s32 s10, s13;
	s17 =	sadd.s32 s12, s26;
	[dreg:$0x7] =	wrdreg s6  }
0xf: {  	s15 =	sshrl.u32 s14, $0x3;
	s26 =	sadd.s32 $0x2B4A00, s9;
	[dreg:$0x8] =	wrdreg s17  }
0x10: {  	s0 =	smax.u32 s0, $0x1;
	s16 =	sadd.s32 s12, s15;
	[dreg:$0x13] =	wrdreg s26  }
0x11: {  	[dreg:$0x14] =	wrdreg s0;
	s18 =	sadd.s32 $0xA00, s16  }
0x12: {  	s19 =	sadd.s32 $0x1400, s16;
	[dreg:$0x9] =	wrdreg s18  }
0x13: {  	s29 =	simm.s32 $0xAF80;
	s20 =	sadd.s32 $0x1E00, s16;
	[dreg:$0xa] =	wrdreg s19  }
0x14: {  	s30 =	simm.s32 $0x1;
	s21 =	sadd.s32 $0x2800, s16;
	[dreg:$0xb] =	wrdreg s20  }
0x15: {  	s31 =	simm.s32 $0x15F80;
	s22 =	sadd.s32 $0x3200, s16;
	[dreg:$0xc] =	wrdreg s21  }
0x16: {  	s28 =	simm.s32 $0x4;
	s23 =	sadd.s32 $0x3C00, s16;
	[dreg:$0xd] =	wrdreg s22  }
0x17: {  	s7 =	smul.u32 $0x19000, s8;
	s24 =	sadd.s32 $0x4600, s16;
	[dreg:$0xe] =	wrdreg s23  }
0x18: {  	s8 =	sshll.u32 s8, $0x2;
	s25 =	sadd.s32 $0x5000, s16;
	[dreg:$0xf] =	wrdreg s24  }
0x19: {  	s0 =	simm.s32 $0x2;
	s6 =	sadd.s32 $0x5A00, s16;
	[dreg:$0x10] =	wrdreg s25  }
0x1a: {  	s26 =	simm.s32 $0x3;
	s2 =	sadd.s32 s2, s8;
	[dreg:$0x11] =	wrdreg s6  }
0x1b: {  	v2 =	vlaneseq.u32;
	s8 =	simm.s32 $0x5;
	s16 =	simm.s32 $0xBF80;
	[dreg:$0x12] =	wrdreg s2  }
0x1c: {  	vm0 =	vmmov $0xffff;
	v1 =	vshrl.u32 v2, $0x3;
	s23 =	simm.s32 $0x80;
	s25 =	simm.s32 $0x20;
	s24 =	simm.s32 $0x6F80  }
0x1d: {  	v0 =	vand.u32 $0x7, v2;
	v2 =	vor.u32 $0x8, v2;
	v1 =	vmul.u32 $0x8, v1;
	s2 =	simm.s32 $0x16780;
	s6 =	simm.s32 $0x0;
	s22 =	simm.s32 $0x10F80  }
.LBB2_1:
0x1e: {  	[dreg:$0x15] =	wrdreg s6  }
0x1f: {  	s11 =	rddreg [dreg:$0x6]  }
0x20: {  	[tilespmem:s3], [sflag:$0x5] =	stream.linear.gather [hbm4b:s11+s3], $0x1F40, $0x38;
	[tilespmem:$0x16F80] =	vst v63  }
0x21: {  	_ =	swait.ge [sflag:s8], $0x1F40  }
0x22: {  	[sflag:s8] =	ssyncset.done $0x0  }
0x23: {  	s20 =	simm.s32 $0x1F80;
	[sflag:s8] =	ssyncadd.s32 $0xFFFFE0C0  }
0x24: {  	[tilespmem:s20], [sflag:$0x1] =	stream.indirect.gather [hbm4b:s4+s23], $0x80, s3, s23, $0xb8;
	[tilespmem:$0x16F80] =	vst v63  }
0x25: {  	s21 =	simm.s32 $0x5F80;
	s18 =	simm.s32 $0x0  }
0x26: {  	[tilespmem:s21], [sflag:$0x1] =	stream.indirect.gather [hbm4b:s4+s25], $0x80, s23, s25, $0xb8;
	[tilespmem:$0x16F80] =	vst v63  }
.LBB2_2:
0x27: {  	s19 =	sshllo.u32 s18, $0x1  }
0x28: {  	s11 =	smul.u32 $0x280, s19;
	_ =	sdelay $0x1  }
0x29: {  	s11 =	sshra.s32 s11, $0x2  }
0x2a: {  	[tilespmem:s24], [sflag:$0x2] =	stream.indirect.gather [hbm4b:s4+s23], $0x80, s11, s23, $0xb8;
	[tilespmem:$0x16F80] =	vst v63  }
0x2b: {  	s11 =	sadd.s32 $0x80, s11  }
0x2c: {  	[tilespmem:s29], [sflag:$0x2] =	stream.indirect.gather [hbm4b:s4+s25], $0x80, s11, s25, $0xb8;
	[tilespmem:$0x16F80] =	vst v63  }
0x2d: {  	_ =	swait.ge [sflag:s30], $0x4000  }
0x2e: {  	[sflag:s30] =	ssyncset.done $0x0  }
0x2f: {  	[sflag:s30] =	ssyncadd.s32 $0xFFFFC000  }
0x30: {  	_ =	swait.ge [sflag:s30], $0x1000  }
0x31: {  	p0 =	seq.s32 s18, $0x0;
	[sflag:s30] =	ssyncset.done $0x0  }
0x32: {  	s11 =	simm.s32 @!p0 $0x3;
	[sflag:s30] =	ssyncadd.s32 $0xFFFFF000  }
0x33: {  	_ =	swait.ge @!p0 [sflag:s11], $0x800  }
0x34: {  	[sflag:s11] =	ssyncset.done @!p0 $0x0  }
0x35: {  	s20 =	simm.s32 $0x2200;
	[sflag:s11] =	ssyncadd.s32 @!p0 $0xFFFFF800  }
0x36: {  	v3 =	vld [tilespmem:s20+$0xFFFFFE00]  }
0x37: {  	v4 =	vld [tilespmem:s20+$0xFFFFFD80];
	_ =	sdelay $0x1  }
0x38: {  	v5 =	vld [tilespmem:s20+$0xFFFFFE80];
	_ =	sdelay $0x1  }
0x39: {  	v6 =	vld [tilespmem:s20+$0xFFFFFF00]  }
0x3a: {  	v3 =	vadd.f32 v3, v4  }
0x3b: {  	v4 =	vld [tilespmem:s20+$0xFFFFFF80]  }
0x3c: {  	v3 =	vadd.f32 v5, v3  }
0x3d: {  	v5 =	vld [tilespmem:s20+$0x0]  }
0x3e: {  	v3 =	vadd.f32 v6, v3  }
0x3f: {  	v6 =	vld [tilespmem:s20+$0x80]  }
0x40: {  	v3 =	vadd.f32 v4, v3  }
0x41: {  	v4 =	vld [tilespmem:s20+$0x100]  }
0x42: {  	v3 =	vadd.f32 v5, v3  }
0x43: {  	v5 =	vld [tilespmem:s20+$0x180]  }
0x44: {  	v3 =	vadd.f32 v6, v3  }
0x45: {  	v6 =	vld [tilespmem:s20+$0x200]  }
0x46: {  	v3 =	vadd.f32 v4, v3;
	_ =	sdelay $0x1  }
0x47: {  	v3 =	vadd.f32 v5, v3;
	_ =	sdelay $0x1  }
0x48: {  	v3 =	vadd.f32 v6, v3  }
0x49: {  	s21 =	simm.s32 $0x0  }
0x4a: {  	[tilespmem:s21+$0x15F80] =	vst v3  }
0x4b: {  	v3 =	vld [tilespmem:s20+$0xFFFFFD90]  }
0x4c: {  	v4 =	vld [tilespmem:s20+$0xFFFFFE10];
	_ =	sdelay $0x1  }
0x4d: {  	v5 =	vld [tilespmem:s20+$0xFFFFFE90];
	_ =	sdelay $0x1  }
0x4e: {  	v6 =	vld [tilespmem:s20+$0xFFFFFF10]  }
0x4f: {  	v3 =	vadd.f32 v4, v3  }
0x50: {  	v4 =	vld [tilespmem:s20+$0xFFFFFF90]  }
0x51: {  	v3 =	vadd.f32 v5, v3  }
0x52: {  	v5 =	vld [tilespmem:s20+$0x10]  }
0x53: {  	v3 =	vadd.f32 v6, v3  }
0x54: {  	v6 =	vld [tilespmem:s20+$0x90]  }
0x55: {  	v3 =	vadd.f32 v4, v3  }
0x56: {  	v4 =	vld [tilespmem:s20+$0x110]  }
0x57: {  	v3 =	vadd.f32 v5, v3  }
0x58: {  	v5 =	vld [tilespmem:s20+$0x190]  }
0x59: {  	v3 =	vadd.f32 v6, v3  }
0x5a: {  	v6 =	vld [tilespmem:s20+$0x210]  }
0x5b: {  	v3 =	vadd.f32 v4, v3;
	_ =	sdelay $0x1  }
0x5c: {  	v3 =	vadd.f32 v5, v3;
	_ =	sdelay $0x1  }
0x5d: {  	v3 =	vadd.f32 v6, v3;
	_ =	sdelay $0x1  }
0x5e: {  	[tilespmem:s21+$0x15F90] =	vst v3  }
0x5f: {  	v3 =	vld [tilespmem:s20+$0xFFFFFDA0]  }
0x60: {  	v4 =	vld [tilespmem:s20+$0xFFFFFE20];
	_ =	sdelay $0x1  }
0x61: {  	v5 =	vld [tilespmem:s20+$0xFFFFFEA0];
	_ =	sdelay $0x1  }
0x62: {  	v6 =	vld [tilespmem:s20+$0xFFFFFF20]  }
0x63: {  	v3 =	vadd.f32 v4, v3  }
0x64: {  	v4 =	vld [tilespmem:s20+$0xFFFFFFA0]  }
0x65: {  	v3 =	vadd.f32 v5, v3  }
0x66: {  	v5 =	vld [tilespmem:s20+$0x20]  }
0x67: {  	v3 =	vadd.f32 v6, v3  }
0x68: {  	v6 =	vld [tilespmem:s20+$0xA0]  }
0x69: {  	v3 =	vadd.f32 v4, v3  }
0x6a: {  	v4 =	vld [tilespmem:s20+$0x120]  }
0x6b: {  	v3 =	vadd.f32 v5, v3  }
0x6c: {  	v5 =	vld [tilespmem:s20+$0x1A0]  }
0x6d: {  	v3 =	vadd.f32 v6, v3  }
0x6e: {  	v6 =	vld [tilespmem:s20+$0x220]  }
0x6f: {  	v3 =	vadd.f32 v4, v3;
	_ =	sdelay $0x1  }
0x70: {  	v3 =	vadd.f32 v5, v3;
	_ =	sdelay $0x1  }
0x71: {  	v3 =	vadd.f32 v6, v3;
	_ =	sdelay $0x1  }
0x72: {  	[tilespmem:s21+$0x15FA0] =	vst v3  }
0x73: {  	v3 =	vld [tilespmem:s20+$0xFFFFFDB0]  }
0x74: {  	v4 =	vld [tilespmem:s20+$0xFFFFFE30];
	_ =	sdelay $0x1  }
0x75: {  	v5 =	vld [tilespmem:s20+$0xFFFFFEB0];
	_ =	sdelay $0x1  }
0x76: {  	v6 =	vld [tilespmem:s20+$0xFFFFFF30]  }
0x77: {  	v3 =	vadd.f32 v4, v3  }
0x78: {  	v4 =	vld [tilespmem:s20+$0xFFFFFFB0]  }
0x79: {  	v3 =	vadd.f32 v5, v3  }
0x7a: {  	v5 =	vld [tilespmem:s20+$0x30]  }
0x7b: {  	v3 =	vadd.f32 v6, v3  }
0x7c: {  	v6 =	vld [tilespmem:s20+$0xB0]  }
0x7d: {  	v3 =	vadd.f32 v4, v3  }
0x7e: {  	v4 =	vld [tilespmem:s20+$0x130]  }
0x7f: {  	v3 =	vadd.f32 v5, v3  }
0x80: {  	v5 =	vld [tilespmem:s20+$0x1B0]  }
0x81: {  	v3 =	vadd.f32 v6, v3  }
0x82: {  	v6 =	vld [tilespmem:s20+$0x230]  }
0x83: {  	v3 =	vadd.f32 v4, v3;
	_ =	sdelay $0x1  }
0x84: {  	v3 =	vadd.f32 v5, v3;
	_ =	sdelay $0x1  }
0x85: {  	v3 =	vadd.f32 v6, v3;
	_ =	sdelay $0x1  }
0x86: {  	[tilespmem:s21+$0x15FB0] =	vst v3  }
0x87: {  	v3 =	vld [tilespmem:s20+$0xFFFFFDC0]  }
0x88: {  	v4 =	vld [tilespmem:s20+$0xFFFFFE40];
	_ =	sdelay $0x1  }
0x89: {  	v5 =	vld [tilespmem:s20+$0xFFFFFEC0];
	_ =	sdelay $0x1  }
0x8a: {  	v6 =	vld [tilespmem:s20+$0xFFFFFF40]  }
0x8b: {  	v3 =	vadd.f32 v4, v3  }
0x8c: {  	v4 =	vld [tilespmem:s20+$0xFFFFFFC0]  }
0x8d: {  	v3 =	vadd.f32 v5, v3  }
0x8e: {  	v5 =	vld [tilespmem:s20+$0x40]  }
0x8f: {  	v3 =	vadd.f32 v6, v3  }
0x90: {  	v6 =	vld [tilespmem:s20+$0xC0]  }
0x91: {  	v3 =	vadd.f32 v4, v3  }
0x92: {  	v4 =	vld [tilespmem:s20+$0x140]  }
0x93: {  	v3 =	vadd.f32 v5, v3  }
0x94: {  	v5 =	vld [tilespmem:s20+$0x1C0]  }
0x95: {  	v3 =	vadd.f32 v6, v3  }
0x96: {  	v6 =	vld [tilespmem:s20+$0x240]  }
0x97: {  	v3 =	vadd.f32 v4, v3;
	_ =	sdelay $0x1  }
0x98: {  	v3 =	vadd.f32 v5, v3;
	_ =	sdelay $0x1  }
0x99: {  	v3 =	vadd.f32 v6, v3;
	_ =	sdelay $0x1  }
0x9a: {  	[tilespmem:s21+$0x15FC0] =	vst v3  }
0x9b: {  	v3 =	vld [tilespmem:s20+$0xFFFFFDD0]  }
0x9c: {  	v4 =	vld [tilespmem:s20+$0xFFFFFE50];
	_ =	sdelay $0x1  }
0x9d: {  	v5 =	vld [tilespmem:s20+$0xFFFFFED0];
	_ =	sdelay $0x1  }
0x9e: {  	v6 =	vld [tilespmem:s20+$0xFFFFFF50]  }
0x9f: {  	v3 =	vadd.f32 v4, v3  }
0xa0: {  	v4 =	vld [tilespmem:s20+$0xFFFFFFD0]  }
0xa1: {  	v3 =	vadd.f32 v5, v3  }
0xa2: {  	v5 =	vld [tilespmem:s20+$0x50]  }
0xa3: {  	v3 =	vadd.f32 v6, v3  }
0xa4: {  	v6 =	vld [tilespmem:s20+$0xD0]  }
0xa5: {  	v3 =	vadd.f32 v4, v3  }
0xa6: {  	v4 =	vld [tilespmem:s20+$0x150]  }
0xa7: {  	v3 =	vadd.f32 v5, v3  }
0xa8: {  	v5 =	vld [tilespmem:s20+$0x1D0]  }
0xa9: {  	v3 =	vadd.f32 v6, v3  }
0xaa: {  	v6 =	vld [tilespmem:s20+$0x250]  }
0xab: {  	v3 =	vadd.f32 v4, v3;
	_ =	sdelay $0x1  }
0xac: {  	v3 =	vadd.f32 v5, v3;
	_ =	sdelay $0x1  }
0xad: {  	v3 =	vadd.f32 v6, v3;
	_ =	sdelay $0x1  }
0xae: {  	[tilespmem:s21+$0x15FD0] =	vst v3  }
0xaf: {  	v3 =	vld [tilespmem:s20+$0xFFFFFDE0]  }
0xb0: {  	v4 =	vld [tilespmem:s20+$0xFFFFFE60];
	_ =	sdelay $0x1  }
0xb1: {  	v5 =	vld [tilespmem:s20+$0xFFFFFEE0];
	_ =	sdelay $0x1  }
0xb2: {  	v6 =	vld [tilespmem:s20+$0xFFFFFF60]  }
0xb3: {  	v3 =	vadd.f32 v4, v3  }
0xb4: {  	v4 =	vld [tilespmem:s20+$0xFFFFFFE0]  }
0xb5: {  	v3 =	vadd.f32 v5, v3  }
0xb6: {  	v5 =	vld [tilespmem:s20+$0x60]  }
0xb7: {  	v3 =	vadd.f32 v6, v3  }
0xb8: {  	v6 =	vld [tilespmem:s20+$0xE0]  }
0xb9: {  	v3 =	vadd.f32 v4, v3  }
0xba: {  	v4 =	vld [tilespmem:s20+$0x160]  }
0xbb: {  	v3 =	vadd.f32 v5, v3  }
0xbc: {  	v5 =	vld [tilespmem:s20+$0x1E0]  }
0xbd: {  	v3 =	vadd.f32 v6, v3  }
0xbe: {  	v6 =	vld [tilespmem:s20+$0x260]  }
0xbf: {  	v3 =	vadd.f32 v4, v3;
	_ =	sdelay $0x1  }
0xc0: {  	v3 =	vadd.f32 v5, v3;
	_ =	sdelay $0x1  }
0xc1: {  	v3 =	vadd.f32 v6, v3;
	_ =	sdelay $0x1  }
0xc2: {  	[tilespmem:s21+$0x15FE0] =	vst v3  }
0xc3: {  	v3 =	vld [tilespmem:s20+$0xFFFFFDF0]  }
0xc4: {  	v4 =	vld [tilespmem:s20+$0xFFFFFE70];
	_ =	sdelay $0x1  }
0xc5: {  	v5 =	vld [tilespmem:s20+$0xFFFFFEF0];
	_ =	sdelay $0x1  }
0xc6: {  	v6 =	vld [tilespmem:s20+$0xFFFFFF70]  }
0xc7: {  	v3 =	vadd.f32 v4, v3  }
0xc8: {  	v4 =	vld [tilespmem:s20+$0xFFFFFFF0]  }
0xc9: {  	v3 =	vadd.f32 v5, v3  }
0xca: {  	v7 =	vld [tilespmem:s20+$0x70]  }
0xcb: {  	v5 =	vadd.f32 v6, v3  }
0xcc: {  	v6 =	vld [tilespmem:s20+$0xF0]  }
0xcd: {  	v3 =	vld [tilespmem:s20+$0x170];
	v8 =	vadd.f32 v4, v5  }
0xce: {  	v5 =	vld [tilespmem:s20+$0x1F0]  }
0xcf: {  	s11 =	simm.s32 $0x200;
	v4 =	vld [tilespmem:s20+$0x270];
	v7 =	vadd.f32 v7, v8  }
.LBB2_3:
0xd0: {  	p1 =	sne.s32 s11, $0x1E00  }
0xd1: {  	s20 =	sadd.s32 $0x500, s20;
	s12 =	smov.u32 s11;
	s11 =	sadd.s32 $0x200, s11;
	v6 =	vadd.f32 v6, v7  }
0xd2: {  	_ = 	snop  }
0xd3: {  	v3 =	vadd.f32 v3, v6;
	_ =	sdelay $0x1  }
0xd4: {  	v3 =	vadd.f32 v5, v3;
	_ =	sdelay $0x1  }
0xd5: {  	v3 =	vadd.f32 v4, v3;
	_ =	sdelay $0x1  }
0xd6: {  	[tilespmem:s21+$0x15FF0] =	vst v3  }
0xd7: {  	v3 =	vld [tilespmem:s20+$0xFFFFFE00]  }
0xd8: {  	v4 =	vld [tilespmem:s20+$0xFFFFFD80]  }
0xd9: {  	v5 =	vld [tilespmem:s20+$0xFFFFFE80];
	_ =	sdelay $0x2  }
0xda: {  	v6 =	vld [tilespmem:s20+$0xFFFFFF00]  }
0xdb: {  	v3 =	vadd.f32 v3, v4  }
0xdc: {  	v4 =	vld [tilespmem:s20+$0xFFFFFF80]  }
0xdd: {  	v3 =	vadd.f32 v5, v3  }
0xde: {  	v5 =	vld [tilespmem:s20+$0x0]  }
0xdf: {  	v3 =	vadd.f32 v6, v3  }
0xe0: {  	v6 =	vld [tilespmem:s20+$0x80]  }
0xe1: {  	v3 =	vadd.f32 v4, v3  }
0xe2: {  	v4 =	vld [tilespmem:s20+$0x100]  }
0xe3: {  	v3 =	vadd.f32 v5, v3  }
0xe4: {  	v5 =	vld [tilespmem:s20+$0x180]  }
0xe5: {  	v3 =	vadd.f32 v6, v3  }
0xe6: {  	v6 =	vld [tilespmem:s20+$0x200]  }
0xe7: {  	v3 =	vadd.f32 v4, v3;
	_ =	sdelay $0x1  }
0xe8: {  	v3 =	vadd.f32 v5, v3;
	_ =	sdelay $0x1  }
0xe9: {  	v3 =	vadd.f32 v6, v3  }
0xea: {  	s21 =	sshra.s32 s12, $0x2  }
0xeb: {  	[tilespmem:s21+$0x15F80] =	vst v3  }
0xec: {  	v3 =	vld [tilespmem:s20+$0xFFFFFD90]  }
0xed: {  	v4 =	vld [tilespmem:s20+$0xFFFFFE10];
	_ =	sdelay $0x1  }
0xee: {  	v5 =	vld [tilespmem:s20+$0xFFFFFE90];
	_ =	sdelay $0x1  }
0xef: {  	v6 =	vld [tilespmem:s20+$0xFFFFFF10]  }
0xf0: {  	v3 =	vadd.f32 v4, v3  }
0xf1: {  	v4 =	vld [tilespmem:s20+$0xFFFFFF90]  }
0xf2: {  	v3 =	vadd.f32 v5, v3  }
0xf3: {  	v5 =	vld [tilespmem:s20+$0x10]  }
0xf4: {  	v3 =	vadd.f32 v6, v3  }
0xf5: {  	v6 =	vld [tilespmem:s20+$0x90]  }
0xf6: {  	v3 =	vadd.f32 v4, v3  }
0xf7: {  	v4 =	vld [tilespmem:s20+$0x110]  }
0xf8: {  	v3 =	vadd.f32 v5, v3  }
0xf9: {  	v5 =	vld [tilespmem:s20+$0x190]  }
0xfa: {  	v3 =	vadd.f32 v6, v3  }
0xfb: {  	v6 =	vld [tilespmem:s20+$0x210]  }
0xfc: {  	v3 =	vadd.f32 v4, v3;
	_ =	sdelay $0x1  }
0xfd: {  	v3 =	vadd.f32 v5, v3;
	_ =	sdelay $0x1  }
0xfe: {  	v3 =	vadd.f32 v6, v3;
	_ =	sdelay $0x1  }
0xff: {  	[tilespmem:s21+$0x15F90] =	vst v3  }
0x100: {  	v3 =	vld [tilespmem:s20+$0xFFFFFDA0]  }
0x101: {  	v4 =	vld [tilespmem:s20+$0xFFFFFE20];
	_ =	sdelay $0x1  }
0x102: {  	v5 =	vld [tilespmem:s20+$0xFFFFFEA0];
	_ =	sdelay $0x1  }
0x103: {  	v6 =	vld [tilespmem:s20+$0xFFFFFF20]  }
0x104: {  	v3 =	vadd.f32 v4, v3  }
0x105: {  	v4 =	vld [tilespmem:s20+$0xFFFFFFA0]  }
0x106: {  	v3 =	vadd.f32 v5, v3  }
0x107: {  	v5 =	vld [tilespmem:s20+$0x20]  }
0x108: {  	v3 =	vadd.f32 v6, v3  }
0x109: {  	v6 =	vld [tilespmem:s20+$0xA0]  }
0x10a: {  	v3 =	vadd.f32 v4, v3  }
0x10b: {  	v4 =	vld [tilespmem:s20+$0x120]  }
0x10c: {  	v3 =	vadd.f32 v5, v3  }
0x10d: {  	v5 =	vld [tilespmem:s20+$0x1A0]  }
0x10e: {  	v3 =	vadd.f32 v6, v3  }
0x10f: {  	v6 =	vld [tilespmem:s20+$0x220]  }
0x110: {  	v3 =	vadd.f32 v4, v3;
	_ =	sdelay $0x1  }
0x111: {  	v3 =	vadd.f32 v5, v3;
	_ =	sdelay $0x1  }
0x112: {  	v3 =	vadd.f32 v6, v3;
	_ =	sdelay $0x1  }
0x113: {  	[tilespmem:s21+$0x15FA0] =	vst v3  }
0x114: {  	v3 =	vld [tilespmem:s20+$0xFFFFFDB0]  }
0x115: {  	v4 =	vld [tilespmem:s20+$0xFFFFFE30];
	_ =	sdelay $0x1  }
0x116: {  	v5 =	vld [tilespmem:s20+$0xFFFFFEB0];
	_ =	sdelay $0x1  }
0x117: {  	v6 =	vld [tilespmem:s20+$0xFFFFFF30]  }
0x118: {  	v3 =	vadd.f32 v4, v3  }
0x119: {  	v4 =	vld [tilespmem:s20+$0xFFFFFFB0]  }
0x11a: {  	v3 =	vadd.f32 v5, v3  }
0x11b: {  	v5 =	vld [tilespmem:s20+$0x30]  }
0x11c: {  	v3 =	vadd.f32 v6, v3  }
0x11d: {  	v6 =	vld [tilespmem:s20+$0xB0]  }
0x11e: {  	v3 =	vadd.f32 v4, v3  }
0x11f: {  	v4 =	vld [tilespmem:s20+$0x130]  }
0x120: {  	v3 =	vadd.f32 v5, v3  }
0x121: {  	v5 =	vld [tilespmem:s20+$0x1B0]  }
0x122: {  	v3 =	vadd.f32 v6, v3  }
0x123: {  	v6 =	vld [tilespmem:s20+$0x230]  }
0x124: {  	v3 =	vadd.f32 v4, v3;
	_ =	sdelay $0x1  }
0x125: {  	v3 =	vadd.f32 v5, v3;
	_ =	sdelay $0x1  }
0x126: {  	v3 =	vadd.f32 v6, v3;
	_ =	sdelay $0x1  }
0x127: {  	[tilespmem:s21+$0x15FB0] =	vst v3  }
0x128: {  	v3 =	vld [tilespmem:s20+$0xFFFFFDC0]  }
0x129: {  	v4 =	vld [tilespmem:s20+$0xFFFFFE40];
	_ =	sdelay $0x1  }
0x12a: {  	v5 =	vld [tilespmem:s20+$0xFFFFFEC0];
	_ =	sdelay $0x1  }
0x12b: {  	v6 =	vld [tilespmem:s20+$0xFFFFFF40]  }
0x12c: {  	v3 =	vadd.f32 v4, v3  }
0x12d: {  	v4 =	vld [tilespmem:s20+$0xFFFFFFC0]  }
0x12e: {  	v3 =	vadd.f32 v5, v3  }
0x12f: {  	v5 =	vld [tilespmem:s20+$0x40]  }
0x130: {  	v3 =	vadd.f32 v6, v3  }
0x131: {  	v6 =	vld [tilespmem:s20+$0xC0]  }
0x132: {  	v3 =	vadd.f32 v4, v3  }
0x133: {  	v4 =	vld [tilespmem:s20+$0x140]  }
0x134: {  	v3 =	vadd.f32 v5, v3  }
0x135: {  	v5 =	vld [tilespmem:s20+$0x1C0]  }
0x136: {  	v3 =	vadd.f32 v6, v3  }
0x137: {  	v6 =	vld [tilespmem:s20+$0x240]  }
0x138: {  	v3 =	vadd.f32 v4, v3;
	_ =	sdelay $0x1  }
0x139: {  	v3 =	vadd.f32 v5, v3;
	_ =	sdelay $0x1  }
0x13a: {  	v3 =	vadd.f32 v6, v3;
	_ =	sdelay $0x1  }
0x13b: {  	[tilespmem:s21+$0x15FC0] =	vst v3  }
0x13c: {  	v3 =	vld [tilespmem:s20+$0xFFFFFDD0]  }
0x13d: {  	v4 =	vld [tilespmem:s20+$0xFFFFFE50]  }
0x13e: {  	v5 =	vld [tilespmem:s20+$0xFFFFFED0]  }
0x13f: {  	v6 =	vld [tilespmem:s20+$0xFFFFFF50]  }
0x140: {  	v7 =	vld [tilespmem:s20+$0xFFFFFFD0]  }
0x141: {  	v8 =	vld [tilespmem:s20+$0x50]  }
0x142: {  	v3 =	vadd.f32 v4, v3;
	v4 =	vld [tilespmem:s20+$0xD0]  }
0x143: {  	v9 =	vld [tilespmem:s20+$0x150]  }
0x144: {  	v3 =	vadd.f32 v5, v3;
	v5 =	vld [tilespmem:s20+$0x1D0]  }
0x145: {  	v10 =	vld [tilespmem:s20+$0x250]  }
0x146: {  	v3 =	vadd.f32 v6, v3;
	_ =	sdelay $0x1  }
0x147: {  	v3 =	vadd.f32 v7, v3;
	_ =	sdelay $0x1  }
0x148: {  	v3 =	vadd.f32 v8, v3;
	_ =	sdelay $0x1  }
0x149: {  	v3 =	vadd.f32 v4, v3;
	_ =	sdelay $0x1  }
0x14a: {  	v3 =	vadd.f32 v9, v3;
	_ =	sdelay $0x1  }
0x14b: {  	v3 =	vadd.f32 v5, v3;
	_ =	sdelay $0x1  }
0x14c: {  	v3 =	vadd.f32 v10, v3;
	_ =	sdelay $0x1  }
0x14d: {  	[tilespmem:s21+$0x15FD0] =	vst v3  }
0x14e: {  	v3 =	vld [tilespmem:s20+$0xFFFFFDE0]  }
0x14f: {  	v4 =	vld [tilespmem:s20+$0xFFFFFE60]  }
0x150: {  	v5 =	vld [tilespmem:s20+$0xFFFFFEE0]  }
0x151: {  	v6 =	vld [tilespmem:s20+$0xFFFFFF60]  }
0x152: {  	v7 =	vld [tilespmem:s20+$0xFFFFFFE0]  }
0x153: {  	v8 =	vld [tilespmem:s20+$0x60]  }
0x154: {  	v3 =	vadd.f32 v4, v3;
	v4 =	vld [tilespmem:s20+$0xE0]  }
0x155: {  	v9 =	vld [tilespmem:s20+$0x160]  }
0x156: {  	v3 =	vadd.f32 v5, v3;
	v5 =	vld [tilespmem:s20+$0x1E0]  }
0x157: {  	v10 =	vld [tilespmem:s20+$0x260]  }
0x158: {  	v3 =	vadd.f32 v6, v3;
	_ =	sdelay $0x1  }
0x159: {  	v3 =	vadd.f32 v7, v3;
	_ =	sdelay $0x1  }
0x15a: {  	v3 =	vadd.f32 v8, v3;
	_ =	sdelay $0x1  }
0x15b: {  	v3 =	vadd.f32 v4, v3;
	_ =	sdelay $0x1  }
0x15c: {  	v3 =	vadd.f32 v9, v3;
	_ =	sdelay $0x1  }
0x15d: {  	v3 =	vadd.f32 v5, v3;
	_ =	sdelay $0x1  }
0x15e: {  	v3 =	vadd.f32 v10, v3;
	_ =	sdelay $0x1  }
0x15f: {  	[tilespmem:s21+$0x15FE0] =	vst v3  }
0x160: {  	v3 =	vld [tilespmem:s20+$0xFFFFFDF0]  }
0x161: {  	v4 =	vld [tilespmem:s20+$0xFFFFFE70]  }
0x162: {  	v5 =	vld [tilespmem:s20+$0xFFFFFEF0]  }
0x163: {  	v7 =	vld [tilespmem:s20+$0xFFFFFF70]  }
0x164: {  	v8 =	vld [tilespmem:s20+$0xFFFFFFF0]  }
0x165: {  	v9 =	vld [tilespmem:s20+$0x70]  }
0x166: {  	v4 =	vadd.f32 v4, v3;
	v6 =	vld [tilespmem:s20+$0xF0]  }
0x167: {  	v3 =	vld [tilespmem:s20+$0x170]  }
0x168: {  	v10 =	vadd.f32 v5, v4;
	v5 =	vld [tilespmem:s20+$0x1F0]  }
0x169: {  	v4 =	vld [tilespmem:s20+$0x270]  }
.Ltmp0:
0x16a: {  	v7 =	vadd.f32 v7, v10;
	(pc) =	sbr.rel @p1 .LBB2_3-.Ltmp0, $3  }
0x16b: {  	_ = 	snop  }
0x16c: {  	v7 =	vadd.f32 v8, v7;
	_ =	sdelay $0x1  }
0x16d: {  	v7 =	vadd.f32 v9, v7  }
0x16e: {  	_ = 	snop  }
0x16f: {  	v6 =	vadd.f32 v6, v7;
	_ =	sdelay $0x1  }
0x170: {  	v3 =	vadd.f32 v3, v6;
	_ =	sdelay $0x1  }
0x171: {  	v3 =	vadd.f32 v5, v3  }
0x172: {  	s11 =	sshll.u32 s18, $0xC  }
0x173: {  	s11 =	sadd.s32 s7, s11;
	v3 =	vadd.f32 v4, v3  }
0x174: {  	p1 =	seq.s32 s18, $0x18;
	s11 =	sshrl.u32 s11, $0x3  }
0x175: {  	s12 =	smul.u32 @!p1 $0x500, s18;
	s11 =	sadd.s32 s5, s11;
	[tilespmem:s21+$0x15FF0] =	vst v3  }
0x176: {  	[hbm4b:s11+s3] =	stream.linear.scatter [tilespmem:s31], [sflag:$0x3], $0x800, $0x38;
	[tilespmem:$0x16F80] =	vst v63  }
0x177: {  	s11 =	sshra.s32 @!p1 s12, $0x2  }
0x178: {  	s20 =	simm.s32 @!p1 $0x80;
	s21 =	simm.s32 @!p1 $0x1F80;
	s12 =	sadd.s32 @!p1 $0x140, s11  }
0x179: {  	[tilespmem:s21], [sflag:$0x1] =	stream.indirect.gather @!p1 [hbm4b:s4+s20], $0x80, s12, s20, $0xb8;
	[tilespmem:$0x16F80] =	vst v63  }
0x17a: {  	s11 =	sadd.s32 @!p1 $0x1C0, s11;
	s12 =	simm.s32 @!p1 $0x20;
	s20 =	simm.s32 @!p1 $0x5F80  }
0x17b: {  	[tilespmem:s20], [sflag:$0x1] =	stream.indirect.gather @!p1 [hbm4b:s4+s12], $0x80, s11, s12, $0xb8;
	[tilespmem:$0x16F80] =	vst v63  }
0x17c: {  	_ =	swait.ge [sflag:s0], $0x4000  }
0x17d: {  	[sflag:s0] =	ssyncset.done $0x0  }
0x17e: {  	[sflag:s0] =	ssyncadd.s32 $0xFFFFC000  }
0x17f: {  	_ =	swait.ge [sflag:s0], $0x1000  }
0x180: {  	[sflag:s0] =	ssyncset.done $0x0  }
0x181: {  	s11 =	simm.s32 @!p0 $0x4;
	[sflag:s0] =	ssyncadd.s32 $0xFFFFF000  }
0x182: {  	_ =	swait.ge @!p0 [sflag:s11], $0x800  }
0x183: {  	[sflag:s11] =	ssyncset.done @!p0 $0x0  }
0x184: {  	s20 =	simm.s32 $0x7200;
	[sflag:s11] =	ssyncadd.s32 @!p0 $0xFFFFF800  }
0x185: {  	v3 =	vld [tilespmem:s20+$0xFFFFFE00]  }
0x186: {  	v4 =	vld [tilespmem:s20+$0xFFFFFD80];
	_ =	sdelay $0x1  }
0x187: {  	v5 =	vld [tilespmem:s20+$0xFFFFFE80];
	_ =	sdelay $0x1  }
0x188: {  	v6 =	vld [tilespmem:s20+$0xFFFFFF00]  }
0x189: {  	v3 =	vadd.f32 v3, v4  }
0x18a: {  	v4 =	vld [tilespmem:s20+$0xFFFFFF80]  }
0x18b: {  	v3 =	vadd.f32 v5, v3  }
0x18c: {  	v5 =	vld [tilespmem:s20+$0x0]  }
0x18d: {  	v3 =	vadd.f32 v6, v3  }
0x18e: {  	v6 =	vld [tilespmem:s20+$0x80]  }
0x18f: {  	v3 =	vadd.f32 v4, v3  }
0x190: {  	v4 =	vld [tilespmem:s20+$0x100]  }
0x191: {  	v3 =	vadd.f32 v5, v3  }
0x192: {  	v5 =	vld [tilespmem:s20+$0x180]  }
0x193: {  	v3 =	vadd.f32 v6, v3  }
0x194: {  	v6 =	vld [tilespmem:s20+$0x200]  }
0x195: {  	v3 =	vadd.f32 v4, v3;
	_ =	sdelay $0x1  }
0x196: {  	v3 =	vadd.f32 v5, v3;
	_ =	sdelay $0x1  }
0x197: {  	v3 =	vadd.f32 v6, v3  }
0x198: {  	s21 =	simm.s32 $0x0  }
0x199: {  	[tilespmem:s21+$0x16780] =	vst v3  }
0x19a: {  	v3 =	vld [tilespmem:s20+$0xFFFFFD90]  }
0x19b: {  	v4 =	vld [tilespmem:s20+$0xFFFFFE10];
	_ =	sdelay $0x1  }
0x19c: {  	v5 =	vld [tilespmem:s20+$0xFFFFFE90];
	_ =	sdelay $0x1  }
0x19d: {  	v6 =	vld [tilespmem:s20+$0xFFFFFF10]  }
0x19e: {  	v3 =	vadd.f32 v4, v3  }
0x19f: {  	v4 =	vld [tilespmem:s20+$0xFFFFFF90]  }
0x1a0: {  	v3 =	vadd.f32 v5, v3  }
0x1a1: {  	v5 =	vld [tilespmem:s20+$0x10]  }
0x1a2: {  	v3 =	vadd.f32 v6, v3  }
0x1a3: {  	v6 =	vld [tilespmem:s20+$0x90]  }
0x1a4: {  	v3 =	vadd.f32 v4, v3  }
0x1a5: {  	v4 =	vld [tilespmem:s20+$0x110]  }
0x1a6: {  	v3 =	vadd.f32 v5, v3  }
0x1a7: {  	v5 =	vld [tilespmem:s20+$0x190]  }
0x1a8: {  	v3 =	vadd.f32 v6, v3  }
0x1a9: {  	v6 =	vld [tilespmem:s20+$0x210]  }
0x1aa: {  	v3 =	vadd.f32 v4, v3;
	_ =	sdelay $0x1  }
0x1ab: {  	v3 =	vadd.f32 v5, v3;
	_ =	sdelay $0x1  }
0x1ac: {  	v3 =	vadd.f32 v6, v3;
	_ =	sdelay $0x1  }
0x1ad: {  	[tilespmem:s21+$0x16790] =	vst v3  }
0x1ae: {  	v3 =	vld [tilespmem:s20+$0xFFFFFDA0]  }
0x1af: {  	v4 =	vld [tilespmem:s20+$0xFFFFFE20];
	_ =	sdelay $0x1  }
0x1b0: {  	v5 =	vld [tilespmem:s20+$0xFFFFFEA0];
	_ =	sdelay $0x1  }
0x1b1: {  	v6 =	vld [tilespmem:s20+$0xFFFFFF20]  }
0x1b2: {  	v3 =	vadd.f32 v4, v3  }
0x1b3: {  	v4 =	vld [tilespmem:s20+$0xFFFFFFA0]  }
0x1b4: {  	v3 =	vadd.f32 v5, v3  }
0x1b5: {  	v5 =	vld [tilespmem:s20+$0x20]  }
0x1b6: {  	v3 =	vadd.f32 v6, v3  }
0x1b7: {  	v6 =	vld [tilespmem:s20+$0xA0]  }
0x1b8: {  	v3 =	vadd.f32 v4, v3  }
0x1b9: {  	v4 =	vld [tilespmem:s20+$0x120]  }
0x1ba: {  	v3 =	vadd.f32 v5, v3  }
0x1bb: {  	v5 =	vld [tilespmem:s20+$0x1A0]  }
0x1bc: {  	v3 =	vadd.f32 v6, v3  }
0x1bd: {  	v6 =	vld [tilespmem:s20+$0x220]  }
0x1be: {  	v3 =	vadd.f32 v4, v3;
	_ =	sdelay $0x1  }
0x1bf: {  	v3 =	vadd.f32 v5, v3;
	_ =	sdelay $0x1  }
0x1c0: {  	v3 =	vadd.f32 v6, v3;
	_ =	sdelay $0x1  }
0x1c1: {  	[tilespmem:s21+$0x167A0] =	vst v3  }
0x1c2: {  	v3 =	vld [tilespmem:s20+$0xFFFFFDB0]  }
0x1c3: {  	v4 =	vld [tilespmem:s20+$0xFFFFFE30];
	_ =	sdelay $0x1  }
0x1c4: {  	v5 =	vld [tilespmem:s20+$0xFFFFFEB0];
	_ =	sdelay $0x1  }
0x1c5: {  	v6 =	vld [tilespmem:s20+$0xFFFFFF30]  }
0x1c6: {  	v3 =	vadd.f32 v4, v3  }
0x1c7: {  	v4 =	vld [tilespmem:s20+$0xFFFFFFB0]  }
0x1c8: {  	v3 =	vadd.f32 v5, v3  }
0x1c9: {  	v5 =	vld [tilespmem:s20+$0x30]  }
0x1ca: {  	v3 =	vadd.f32 v6, v3  }
0x1cb: {  	v6 =	vld [tilespmem:s20+$0xB0]  }
0x1cc: {  	v3 =	vadd.f32 v4, v3  }
0x1cd: {  	v4 =	vld [tilespmem:s20+$0x130]  }
0x1ce: {  	v3 =	vadd.f32 v5, v3  }
0x1cf: {  	v5 =	vld [tilespmem:s20+$0x1B0]  }
0x1d0: {  	v3 =	vadd.f32 v6, v3  }
0x1d1: {  	v6 =	vld [tilespmem:s20+$0x230]  }
0x1d2: {  	v3 =	vadd.f32 v4, v3;
	_ =	sdelay $0x1  }
0x1d3: {  	v3 =	vadd.f32 v5, v3;
	_ =	sdelay $0x1  }
0x1d4: {  	v3 =	vadd.f32 v6, v3;
	_ =	sdelay $0x1  }
0x1d5: {  	[tilespmem:s21+$0x167B0] =	vst v3  }
0x1d6: {  	v3 =	vld [tilespmem:s20+$0xFFFFFDC0]  }
0x1d7: {  	v4 =	vld [tilespmem:s20+$0xFFFFFE40];
	_ =	sdelay $0x1  }
0x1d8: {  	v5 =	vld [tilespmem:s20+$0xFFFFFEC0];
	_ =	sdelay $0x1  }
0x1d9: {  	v6 =	vld [tilespmem:s20+$0xFFFFFF40]  }
0x1da: {  	v3 =	vadd.f32 v4, v3  }
0x1db: {  	v4 =	vld [tilespmem:s20+$0xFFFFFFC0]  }
0x1dc: {  	v3 =	vadd.f32 v5, v3  }
0x1dd: {  	v5 =	vld [tilespmem:s20+$0x40]  }
0x1de: {  	v3 =	vadd.f32 v6, v3  }
0x1df: {  	v6 =	vld [tilespmem:s20+$0xC0]  }
0x1e0: {  	v3 =	vadd.f32 v4, v3  }
0x1e1: {  	v4 =	vld [tilespmem:s20+$0x140]  }
0x1e2: {  	v3 =	vadd.f32 v5, v3  }
0x1e3: {  	v5 =	vld [tilespmem:s20+$0x1C0]  }
0x1e4: {  	v3 =	vadd.f32 v6, v3  }
0x1e5: {  	v6 =	vld [tilespmem:s20+$0x240]  }
0x1e6: {  	v3 =	vadd.f32 v4, v3;
	_ =	sdelay $0x1  }
0x1e7: {  	v3 =	vadd.f32 v5, v3;
	_ =	sdelay $0x1  }
0x1e8: {  	v3 =	vadd.f32 v6, v3;
	_ =	sdelay $0x1  }
0x1e9: {  	[tilespmem:s21+$0x167C0] =	vst v3  }
0x1ea: {  	v3 =	vld [tilespmem:s20+$0xFFFFFDD0]  }
0x1eb: {  	v4 =	vld [tilespmem:s20+$0xFFFFFE50];
	_ =	sdelay $0x1  }
0x1ec: {  	v5 =	vld [tilespmem:s20+$0xFFFFFED0];
	_ =	sdelay $0x1  }
0x1ed: {  	v6 =	vld [tilespmem:s20+$0xFFFFFF50]  }
0x1ee: {  	v3 =	vadd.f32 v4, v3  }
0x1ef: {  	v4 =	vld [tilespmem:s20+$0xFFFFFFD0]  }
0x1f0: {  	v3 =	vadd.f32 v5, v3  }
0x1f1: {  	v5 =	vld [tilespmem:s20+$0x50]  }
0x1f2: {  	v3 =	vadd.f32 v6, v3  }
0x1f3: {  	v6 =	vld [tilespmem:s20+$0xD0]  }
0x1f4: {  	v3 =	vadd.f32 v4, v3  }
0x1f5: {  	v4 =	vld [tilespmem:s20+$0x150]  }
0x1f6: {  	v3 =	vadd.f32 v5, v3  }
0x1f7: {  	v5 =	vld [tilespmem:s20+$0x1D0]  }
0x1f8: {  	v3 =	vadd.f32 v6, v3  }
0x1f9: {  	v6 =	vld [tilespmem:s20+$0x250]  }
0x1fa: {  	v3 =	vadd.f32 v4, v3;
	_ =	sdelay $0x1  }
0x1fb: {  	v3 =	vadd.f32 v5, v3;
	_ =	sdelay $0x1  }
0x1fc: {  	v3 =	vadd.f32 v6, v3;
	_ =	sdelay $0x1  }
0x1fd: {  	[tilespmem:s21+$0x167D0] =	vst v3  }
0x1fe: {  	v3 =	vld [tilespmem:s20+$0xFFFFFDE0]  }
0x1ff: {  	v4 =	vld [tilespmem:s20+$0xFFFFFE60];
	_ =	sdelay $0x1  }
0x200: {  	v5 =	vld [tilespmem:s20+$0xFFFFFEE0];
	_ =	sdelay $0x1  }
0x201: {  	v6 =	vld [tilespmem:s20+$0xFFFFFF60]  }
0x202: {  	v3 =	vadd.f32 v4, v3  }
0x203: {  	v4 =	vld [tilespmem:s20+$0xFFFFFFE0]  }
0x204: {  	v3 =	vadd.f32 v5, v3  }
0x205: {  	v5 =	vld [tilespmem:s20+$0x60]  }
0x206: {  	v3 =	vadd.f32 v6, v3  }
0x207: {  	v6 =	vld [tilespmem:s20+$0xE0]  }
0x208: {  	v3 =	vadd.f32 v4, v3  }
0x209: {  	v4 =	vld [tilespmem:s20+$0x160]  }
0x20a: {  	v3 =	vadd.f32 v5, v3  }
0x20b: {  	v5 =	vld [tilespmem:s20+$0x1E0]  }
0x20c: {  	v3 =	vadd.f32 v6, v3  }
0x20d: {  	v6 =	vld [tilespmem:s20+$0x260]  }
0x20e: {  	v3 =	vadd.f32 v4, v3;
	_ =	sdelay $0x1  }
0x20f: {  	v3 =	vadd.f32 v5, v3;
	_ =	sdelay $0x1  }
0x210: {  	v3 =	vadd.f32 v6, v3;
	_ =	sdelay $0x1  }
0x211: {  	[tilespmem:s21+$0x167E0] =	vst v3  }
0x212: {  	v3 =	vld [tilespmem:s20+$0xFFFFFDF0]  }
0x213: {  	v4 =	vld [tilespmem:s20+$0xFFFFFE70];
	_ =	sdelay $0x1  }
0x214: {  	v5 =	vld [tilespmem:s20+$0xFFFFFEF0];
	_ =	sdelay $0x1  }
0x215: {  	v6 =	vld [tilespmem:s20+$0xFFFFFF70]  }
0x216: {  	v3 =	vadd.f32 v4, v3  }
0x217: {  	v4 =	vld [tilespmem:s20+$0xFFFFFFF0]  }
0x218: {  	v3 =	vadd.f32 v5, v3  }
0x219: {  	v7 =	vld [tilespmem:s20+$0x70]  }
0x21a: {  	v5 =	vadd.f32 v6, v3  }
0x21b: {  	v6 =	vld [tilespmem:s20+$0xF0]  }
0x21c: {  	v3 =	vld [tilespmem:s20+$0x170];
	v8 =	vadd.f32 v4, v5  }
0x21d: {  	v5 =	vld [tilespmem:s20+$0x1F0]  }
0x21e: {  	s11 =	simm.s32 $0x200;
	v4 =	vld [tilespmem:s20+$0x270];
	v7 =	vadd.f32 v7, v8  }
.LBB2_5:
0x21f: {  	p0 =	sne.s32 s11, $0x1E00  }
0x220: {  	s20 =	sadd.s32 $0x500, s20;
	s12 =	smov.u32 s11;
	s11 =	sadd.s32 $0x200, s11;
	v6 =	vadd.f32 v6, v7  }
0x221: {  	_ = 	snop  }
0x222: {  	v3 =	vadd.f32 v3, v6;
	_ =	sdelay $0x1  }
0x223: {  	v3 =	vadd.f32 v5, v3;
	_ =	sdelay $0x1  }
0x224: {  	v3 =	vadd.f32 v4, v3;
	_ =	sdelay $0x1  }
0x225: {  	[tilespmem:s21+$0x167F0] =	vst v3  }
0x226: {  	v3 =	vld [tilespmem:s20+$0xFFFFFE00]  }
0x227: {  	v4 =	vld [tilespmem:s20+$0xFFFFFD80]  }
0x228: {  	v5 =	vld [tilespmem:s20+$0xFFFFFE80];
	_ =	sdelay $0x2  }
0x229: {  	v6 =	vld [tilespmem:s20+$0xFFFFFF00]  }
0x22a: {  	v3 =	vadd.f32 v3, v4  }
0x22b: {  	v4 =	vld [tilespmem:s20+$0xFFFFFF80]  }
0x22c: {  	v3 =	vadd.f32 v5, v3  }
0x22d: {  	v5 =	vld [tilespmem:s20+$0x0]  }
0x22e: {  	v3 =	vadd.f32 v6, v3  }
0x22f: {  	v6 =	vld [tilespmem:s20+$0x80]  }
0x230: {  	v3 =	vadd.f32 v4, v3  }
0x231: {  	v4 =	vld [tilespmem:s20+$0x100]  }
0x232: {  	v3 =	vadd.f32 v5, v3  }
0x233: {  	v5 =	vld [tilespmem:s20+$0x180]  }
0x234: {  	v3 =	vadd.f32 v6, v3  }
0x235: {  	v6 =	vld [tilespmem:s20+$0x200]  }
0x236: {  	v3 =	vadd.f32 v4, v3;
	_ =	sdelay $0x1  }
0x237: {  	v3 =	vadd.f32 v5, v3;
	_ =	sdelay $0x1  }
0x238: {  	v3 =	vadd.f32 v6, v3  }
0x239: {  	s21 =	sshra.s32 s12, $0x2  }
0x23a: {  	[tilespmem:s21+$0x16780] =	vst v3  }
0x23b: {  	v3 =	vld [tilespmem:s20+$0xFFFFFD90]  }
0x23c: {  	v4 =	vld [tilespmem:s20+$0xFFFFFE10];
	_ =	sdelay $0x1  }
0x23d: {  	v5 =	vld [tilespmem:s20+$0xFFFFFE90];
	_ =	sdelay $0x1  }
0x23e: {  	v6 =	vld [tilespmem:s20+$0xFFFFFF10]  }
0x23f: {  	v3 =	vadd.f32 v4, v3  }
0x240: {  	v4 =	vld [tilespmem:s20+$0xFFFFFF90]  }
0x241: {  	v3 =	vadd.f32 v5, v3  }
0x242: {  	v5 =	vld [tilespmem:s20+$0x10]  }
0x243: {  	v3 =	vadd.f32 v6, v3  }
0x244: {  	v6 =	vld [tilespmem:s20+$0x90]  }
0x245: {  	v3 =	vadd.f32 v4, v3  }
0x246: {  	v4 =	vld [tilespmem:s20+$0x110]  }
0x247: {  	v3 =	vadd.f32 v5, v3  }
0x248: {  	v5 =	vld [tilespmem:s20+$0x190]  }
0x249: {  	v3 =	vadd.f32 v6, v3  }
0x24a: {  	v6 =	vld [tilespmem:s20+$0x210]  }
0x24b: {  	v3 =	vadd.f32 v4, v3;
	_ =	sdelay $0x1  }
0x24c: {  	v3 =	vadd.f32 v5, v3;
	_ =	sdelay $0x1  }
0x24d: {  	v3 =	vadd.f32 v6, v3;
	_ =	sdelay $0x1  }
0x24e: {  	[tilespmem:s21+$0x16790] =	vst v3  }
0x24f: {  	v3 =	vld [tilespmem:s20+$0xFFFFFDA0]  }
0x250: {  	v4 =	vld [tilespmem:s20+$0xFFFFFE20];
	_ =	sdelay $0x1  }
0x251: {  	v5 =	vld [tilespmem:s20+$0xFFFFFEA0];
	_ =	sdelay $0x1  }
0x252: {  	v6 =	vld [tilespmem:s20+$0xFFFFFF20]  }
0x253: {  	v3 =	vadd.f32 v4, v3  }
0x254: {  	v4 =	vld [tilespmem:s20+$0xFFFFFFA0]  }
0x255: {  	v3 =	vadd.f32 v5, v3  }
0x256: {  	v5 =	vld [tilespmem:s20+$0x20]  }
0x257: {  	v3 =	vadd.f32 v6, v3  }
0x258: {  	v6 =	vld [tilespmem:s20+$0xA0]  }
0x259: {  	v3 =	vadd.f32 v4, v3  }
0x25a: {  	v4 =	vld [tilespmem:s20+$0x120]  }
0x25b: {  	v3 =	vadd.f32 v5, v3  }
0x25c: {  	v5 =	vld [tilespmem:s20+$0x1A0]  }
0x25d: {  	v3 =	vadd.f32 v6, v3  }
0x25e: {  	v6 =	vld [tilespmem:s20+$0x220]  }
0x25f: {  	v3 =	vadd.f32 v4, v3;
	_ =	sdelay $0x1  }
0x260: {  	v3 =	vadd.f32 v5, v3;
	_ =	sdelay $0x1  }
0x261: {  	v3 =	vadd.f32 v6, v3;
	_ =	sdelay $0x1  }
0x262: {  	[tilespmem:s21+$0x167A0] =	vst v3  }
0x263: {  	v3 =	vld [tilespmem:s20+$0xFFFFFDB0]  }
0x264: {  	v4 =	vld [tilespmem:s20+$0xFFFFFE30];
	_ =	sdelay $0x1  }
0x265: {  	v5 =	vld [tilespmem:s20+$0xFFFFFEB0];
	_ =	sdelay $0x1  }
0x266: {  	v6 =	vld [tilespmem:s20+$0xFFFFFF30]  }
0x267: {  	v3 =	vadd.f32 v4, v3  }
0x268: {  	v4 =	vld [tilespmem:s20+$0xFFFFFFB0]  }
0x269: {  	v3 =	vadd.f32 v5, v3  }
0x26a: {  	v5 =	vld [tilespmem:s20+$0x30]  }
0x26b: {  	v3 =	vadd.f32 v6, v3  }
0x26c: {  	v6 =	vld [tilespmem:s20+$0xB0]  }
0x26d: {  	v3 =	vadd.f32 v4, v3  }
0x26e: {  	v4 =	vld [tilespmem:s20+$0x130]  }
0x26f: {  	v3 =	vadd.f32 v5, v3  }
0x270: {  	v5 =	vld [tilespmem:s20+$0x1B0]  }
0x271: {  	v3 =	vadd.f32 v6, v3  }
0x272: {  	v6 =	vld [tilespmem:s20+$0x230]  }
0x273: {  	v3 =	vadd.f32 v4, v3;
	_ =	sdelay $0x1  }
0x274: {  	v3 =	vadd.f32 v5, v3;
	_ =	sdelay $0x1  }
0x275: {  	v3 =	vadd.f32 v6, v3;
	_ =	sdelay $0x1  }
0x276: {  	[tilespmem:s21+$0x167B0] =	vst v3  }
0x277: {  	v3 =	vld [tilespmem:s20+$0xFFFFFDC0]  }
0x278: {  	v4 =	vld [tilespmem:s20+$0xFFFFFE40];
	_ =	sdelay $0x1  }
0x279: {  	v5 =	vld [tilespmem:s20+$0xFFFFFEC0];
	_ =	sdelay $0x1  }
0x27a: {  	v6 =	vld [tilespmem:s20+$0xFFFFFF40]  }
0x27b: {  	v3 =	vadd.f32 v4, v3  }
0x27c: {  	v4 =	vld [tilespmem:s20+$0xFFFFFFC0]  }
0x27d: {  	v3 =	vadd.f32 v5, v3  }
0x27e: {  	v5 =	vld [tilespmem:s20+$0x40]  }
0x27f: {  	v3 =	vadd.f32 v6, v3  }
0x280: {  	v6 =	vld [tilespmem:s20+$0xC0]  }
0x281: {  	v3 =	vadd.f32 v4, v3  }
0x282: {  	v4 =	vld [tilespmem:s20+$0x140]  }
0x283: {  	v3 =	vadd.f32 v5, v3  }
0x284: {  	v5 =	vld [tilespmem:s20+$0x1C0]  }
0x285: {  	v3 =	vadd.f32 v6, v3  }
0x286: {  	v6 =	vld [tilespmem:s20+$0x240]  }
0x287: {  	v3 =	vadd.f32 v4, v3;
	_ =	sdelay $0x1  }
0x288: {  	v3 =	vadd.f32 v5, v3;
	_ =	sdelay $0x1  }
0x289: {  	v3 =	vadd.f32 v6, v3;
	_ =	sdelay $0x1  }
0x28a: {  	[tilespmem:s21+$0x167C0] =	vst v3  }
0x28b: {  	v3 =	vld [tilespmem:s20+$0xFFFFFDD0]  }
0x28c: {  	v4 =	vld [tilespmem:s20+$0xFFFFFE50]  }
0x28d: {  	v5 =	vld [tilespmem:s20+$0xFFFFFED0]  }
0x28e: {  	v6 =	vld [tilespmem:s20+$0xFFFFFF50]  }
0x28f: {  	v7 =	vld [tilespmem:s20+$0xFFFFFFD0]  }
0x290: {  	v8 =	vld [tilespmem:s20+$0x50]  }
0x291: {  	v3 =	vadd.f32 v4, v3;
	v4 =	vld [tilespmem:s20+$0xD0]  }
0x292: {  	v9 =	vld [tilespmem:s20+$0x150]  }
0x293: {  	v3 =	vadd.f32 v5, v3;
	v5 =	vld [tilespmem:s20+$0x1D0]  }
0x294: {  	v10 =	vld [tilespmem:s20+$0x250]  }
0x295: {  	v3 =	vadd.f32 v6, v3;
	_ =	sdelay $0x1  }
0x296: {  	v3 =	vadd.f32 v7, v3;
	_ =	sdelay $0x1  }
0x297: {  	v3 =	vadd.f32 v8, v3;
	_ =	sdelay $0x1  }
0x298: {  	v3 =	vadd.f32 v4, v3;
	_ =	sdelay $0x1  }
0x299: {  	v3 =	vadd.f32 v9, v3;
	_ =	sdelay $0x1  }
0x29a: {  	v3 =	vadd.f32 v5, v3;
	_ =	sdelay $0x1  }
0x29b: {  	v3 =	vadd.f32 v10, v3;
	_ =	sdelay $0x1  }
0x29c: {  	[tilespmem:s21+$0x167D0] =	vst v3  }
0x29d: {  	v3 =	vld [tilespmem:s20+$0xFFFFFDE0]  }
0x29e: {  	v4 =	vld [tilespmem:s20+$0xFFFFFE60]  }
0x29f: {  	v5 =	vld [tilespmem:s20+$0xFFFFFEE0]  }
0x2a0: {  	v6 =	vld [tilespmem:s20+$0xFFFFFF60]  }
0x2a1: {  	v7 =	vld [tilespmem:s20+$0xFFFFFFE0]  }
0x2a2: {  	v8 =	vld [tilespmem:s20+$0x60]  }
0x2a3: {  	v3 =	vadd.f32 v4, v3;
	v4 =	vld [tilespmem:s20+$0xE0]  }
0x2a4: {  	v9 =	vld [tilespmem:s20+$0x160]  }
0x2a5: {  	v3 =	vadd.f32 v5, v3;
	v5 =	vld [tilespmem:s20+$0x1E0]  }
0x2a6: {  	v10 =	vld [tilespmem:s20+$0x260]  }
0x2a7: {  	v3 =	vadd.f32 v6, v3;
	_ =	sdelay $0x1  }
0x2a8: {  	v3 =	vadd.f32 v7, v3;
	_ =	sdelay $0x1  }
0x2a9: {  	v3 =	vadd.f32 v8, v3;
	_ =	sdelay $0x1  }
0x2aa: {  	v3 =	vadd.f32 v4, v3;
	_ =	sdelay $0x1  }
0x2ab: {  	v3 =	vadd.f32 v9, v3;
	_ =	sdelay $0x1  }
0x2ac: {  	v3 =	vadd.f32 v5, v3;
	_ =	sdelay $0x1  }
0x2ad: {  	v3 =	vadd.f32 v10, v3;
	_ =	sdelay $0x1  }
0x2ae: {  	[tilespmem:s21+$0x167E0] =	vst v3  }
0x2af: {  	v3 =	vld [tilespmem:s20+$0xFFFFFDF0]  }
0x2b0: {  	v4 =	vld [tilespmem:s20+$0xFFFFFE70]  }
0x2b1: {  	v5 =	vld [tilespmem:s20+$0xFFFFFEF0]  }
0x2b2: {  	v7 =	vld [tilespmem:s20+$0xFFFFFF70]  }
0x2b3: {  	v8 =	vld [tilespmem:s20+$0xFFFFFFF0]  }
0x2b4: {  	v9 =	vld [tilespmem:s20+$0x70]  }
0x2b5: {  	v4 =	vadd.f32 v4, v3;
	v6 =	vld [tilespmem:s20+$0xF0]  }
0x2b6: {  	v3 =	vld [tilespmem:s20+$0x170]  }
0x2b7: {  	v10 =	vadd.f32 v5, v4;
	v5 =	vld [tilespmem:s20+$0x1F0]  }
0x2b8: {  	v4 =	vld [tilespmem:s20+$0x270]  }
.Ltmp1:
0x2b9: {  	v7 =	vadd.f32 v7, v10;
	(pc) =	sbr.rel @p0 .LBB2_5-.Ltmp1, $3  }
0x2ba: {  	_ = 	snop  }
0x2bb: {  	v7 =	vadd.f32 v8, v7;
	_ =	sdelay $0x1  }
0x2bc: {  	v7 =	vadd.f32 v9, v7  }
0x2bd: {  	_ = 	snop  }
0x2be: {  	v6 =	vadd.f32 v6, v7;
	_ =	sdelay $0x1  }
0x2bf: {  	v3 =	vadd.f32 v3, v6  }
0x2c0: {  	s18 =	sadd.s32 $0x1, s18  }
0x2c1: {  	p0 =	sne.s32 s18, $0x19;
	v3 =	vadd.f32 v5, v3  }
.Ltmp2:
0x2c2: {  	s11 =	sshll.u32 s19, $0xB;
	(pc) =	sbr.rel @p0 .LBB2_2-.Ltmp2, $4  }
0x2c3: {  	s11 =	sadd.s32 s7, s11;
	v3 =	vadd.f32 v4, v3  }
0x2c4: {  	s11 =	sshrl.u32 s11, $0x3  }
0x2c5: {  	s11 =	sadd.s32 s5, s11;
	[tilespmem:s21+$0x167F0] =	vst v3  }
0x2c6: {  	[hbm4b:s11+s3] =	stream.linear.scatter [tilespmem:s2], [sflag:$0x4], $0x800, $0x38;
	[tilespmem:$0x16F80] =	vst v63  }
0x2c7: {  	_ =	swait.ge [sflag:s26], $0x800  }
0x2c8: {  	[sflag:s26] =	ssyncset.done $0x0  }
0x2c9: {  	[sflag:s26] =	ssyncadd.s32 $0xFFFFF800  }
0x2ca: {  	_ =	swait.ge [sflag:s28], $0x800  }
0x2cb: {  	[sflag:s28] =	ssyncset.done $0x0  }
0x2cc: {  	s11 =	rddreg [dreg:$0x7];
	[sflag:s28] =	ssyncadd.s32 $0xFFFFF800  }
0x2cd: {  	[tilespmem:s3], [sflag:$0x5] =	stream.linear.gather [hbm4b:s11+s3], $0x320, $0x38;
	[tilespmem:$0x16F80] =	vst v63  }
0x2ce: {  	_ =	swait.ge [sflag:s8], $0x320  }
0x2cf: {  	[sflag:s8] =	ssyncset.done $0x0  }
0x2d0: {  	[sflag:s8] =	ssyncadd.s32 $0xFFFFFCE0  }
0x2d1: {  	v3 =	vld [tilespmem:$0x0];
	_ =	sdelay $0x4  }
0x2d2: {  	v4 =	vshll.u32 v3, $0x1  }
0x2d3: {  	v3 =	vand.u32 $0x7, v3;
	v4 =	vand.u32 $0xFFFFFFF0, v4  }
0x2d4: {  	v3 =	vor.u32 v3, v4  }
0x2d5: {  	v4 =	vperm.xlane v3, v0;
	_ =	sdelay $0x1  }
0x2d6: {  	v3 =	vperm.xlane v3, v2;
	v4 =	vadd.s32 v1, v4;
	_ =	sdelay $0x1  }
0x2d7: {  	v3 =	vadd.s32 v1, v3;
	_ =	sdelay $0x2  }
0x2d8: {  	[tilespmem:s16], [sflag:$0x1] =	stream.indirect_vreg.gather [hbm4b:s1+s3], $0x80, v4, vm0, $0xb8;
	[tilespmem:$0x16F80] =	vst v63  }
0x2d9: {  	s6 =	simm.s32 $0xC780  }
0x2da: {  	[tilespmem:s6], [sflag:$0x1] =	stream.indirect_vreg.gather [hbm4b:s1+s3], $0x80, v3, vm0, $0xb8;
	[tilespmem:$0x16F80] =	vst v63  }
0x2db: {  	v3 =	vld [tilespmem:$0x10];
	_ =	sdelay $0x4  }
0x2dc: {  	v13 =	vshll.u32 v3, $0x1  }
0x2dd: {  	v3 =	vand.u32 $0x7, v3;
	v4 =	vand.u32 $0xFFFFFFF0, v13  }
0x2de: {  	v3 =	vor.u32 v3, v4  }
0x2df: {  	v4 =	vperm.xlane v3, v0;
	_ =	sdelay $0x1  }
0x2e0: {  	v3 =	vperm.xlane v3, v2;
	v4 =	vadd.s32 v1, v4;
	_ =	sdelay $0x1  }
0x2e1: {  	v3 =	vadd.s32 v1, v3;
	_ =	sdelay $0x1  }
0x2e2: {  	s18 =	simm.s32 $0xCF80  }
0x2e3: {  	[tilespmem:s18], [sflag:$0x1] =	stream.indirect_vreg.gather [hbm4b:s1+s3], $0x80, v4, vm0, $0xb8;
	[tilespmem:$0x16F80] =	vst v63  }
0x2e4: {  	s19 =	simm.s32 $0xD780  }
0x2e5: {  	[tilespmem:s19], [sflag:$0x1] =	stream.indirect_vreg.gather [hbm4b:s1+s3], $0x80, v3, vm0, $0xb8;
	[tilespmem:$0x16F80] =	vst v63  }
0x2e6: {  	v3 =	vld [tilespmem:$0x20];
	_ =	sdelay $0x4  }
0x2e7: {  	v14 =	vshll.u32 v3, $0x1  }
0x2e8: {  	v3 =	vand.u32 $0x7, v3;
	v4 =	vand.u32 $0xFFFFFFF0, v14  }
0x2e9: {  	v3 =	vor.u32 v3, v4  }
0x2ea: {  	v4 =	vperm.xlane v3, v0;
	_ =	sdelay $0x1  }
0x2eb: {  	v3 =	vperm.xlane v3, v2;
	v4 =	vadd.s32 v1, v4;
	_ =	sdelay $0x1  }
0x2ec: {  	v3 =	vadd.s32 v1, v3;
	_ =	sdelay $0x1  }
0x2ed: {  	s20 =	simm.s32 $0xDF80  }
0x2ee: {  	[tilespmem:s20], [sflag:$0x1] =	stream.indirect_vreg.gather [hbm4b:s1+s3], $0x80, v4, vm0, $0xb8;
	[tilespmem:$0x16F80] =	vst v63  }
0x2ef: {  	s21 =	simm.s32 $0xE780  }
0x2f0: {  	[tilespmem:s21], [sflag:$0x1] =	stream.indirect_vreg.gather [hbm4b:s1+s3], $0x80, v3, vm0, $0xb8;
	[tilespmem:$0x16F80] =	vst v63  }
0x2f1: {  	v3 =	vld [tilespmem:$0x30];
	_ =	sdelay $0x4  }
0x2f2: {  	v15 =	vshll.u32 v3, $0x1  }
0x2f3: {  	v3 =	vand.u32 $0x7, v3;
	v4 =	vand.u32 $0xFFFFFFF0, v15  }
0x2f4: {  	v3 =	vor.u32 v3, v4  }
0x2f5: {  	v4 =	vperm.xlane v3, v0;
	_ =	sdelay $0x1  }
0x2f6: {  	v3 =	vperm.xlane v3, v2;
	v4 =	vadd.s32 v1, v4;
	_ =	sdelay $0x1  }
0x2f7: {  	v3 =	vadd.s32 v1, v3;
	_ =	sdelay $0x1  }
0x2f8: {  	s10 =	simm.s32 $0xEF80  }
0x2f9: {  	[tilespmem:s10], [sflag:$0x1] =	stream.indirect_vreg.gather [hbm4b:s1+s3], $0x80, v4, vm0, $0xb8;
	[tilespmem:$0x16F80] =	vst v63  }
0x2fa: {  	s11 =	simm.s32 $0xF780  }
0x2fb: {  	[tilespmem:s11], [sflag:$0x1] =	stream.indirect_vreg.gather [hbm4b:s1+s3], $0x80, v3, vm0, $0xb8;
	[tilespmem:$0x16F80] =	vst v63  }
0x2fc: {  	v3 =	vld [tilespmem:$0x40];
	_ =	sdelay $0x4  }
0x2fd: {  	v16 =	vshll.u32 v3, $0x1  }
0x2fe: {  	v3 =	vand.u32 $0x7, v3;
	v4 =	vand.u32 $0xFFFFFFF0, v16  }
0x2ff: {  	v3 =	vor.u32 v3, v4  }
0x300: {  	v4 =	vperm.xlane v3, v0;
	_ =	sdelay $0x1  }
0x301: {  	v3 =	vperm.xlane v3, v2;
	v4 =	vadd.s32 v1, v4;
	_ =	sdelay $0x1  }
0x302: {  	v3 =	vadd.s32 v1, v3;
	_ =	sdelay $0x1  }
0x303: {  	s12 =	simm.s32 $0xFF80  }
0x304: {  	[tilespmem:s12], [sflag:$0x1] =	stream.indirect_vreg.gather [hbm4b:s1+s3], $0x80, v4, vm0, $0xb8;
	[tilespmem:$0x16F80] =	vst v63  }
0x305: {  	s14 =	simm.s32 $0x10780  }
0x306: {  	[tilespmem:s14], [sflag:$0x1] =	stream.indirect_vreg.gather [hbm4b:s1+s3], $0x80, v3, vm0, $0xb8;
	[tilespmem:$0x16F80] =	vst v63  }
0x307: {  	_ =	swait.ge [sflag:s30], $0x5000  }
0x308: {  	[sflag:s30] =	ssyncset.done $0x0  }
0x309: {  	s15 =	rddreg [dreg:$0x8];
	[sflag:s30] =	ssyncadd.s32 $0xFFFFB000  }
0x30a: {  	[hbm4b:s15+s3] =	stream.linear.scatter [tilespmem:s16], [sflag:$0x3], $0x5000, $0x38;
	[tilespmem:$0x16F80] =	vst v63  }
0x30b: {  	v3 =	vld [tilespmem:$0x50];
	_ =	sdelay $0x4  }
0x30c: {  	v17 =	vshll.u32 v3, $0x1  }
0x30d: {  	v3 =	vand.u32 $0x7, v3;
	v4 =	vand.u32 $0xFFFFFFF0, v17  }
0x30e: {  	v3 =	vor.u32 v3, v4  }
0x30f: {  	v4 =	vperm.xlane v3, v0;
	_ =	sdelay $0x1  }
0x310: {  	v3 =	vperm.xlane v3, v2;
	v4 =	vadd.s32 v1, v4;
	_ =	sdelay $0x1  }
0x311: {  	v3 =	vadd.s32 v1, v3;
	_ =	sdelay $0x2  }
0x312: {  	[tilespmem:s22], [sflag:$0x2] =	stream.indirect_vreg.gather [hbm4b:s1+s3], $0x80, v4, vm0, $0xb8;
	[tilespmem:$0x16F80] =	vst v63  }
0x313: {  	s17 =	simm.s32 $0x11780  }
0x314: {  	[tilespmem:s17], [sflag:$0x2] =	stream.indirect_vreg.gather [hbm4b:s1+s3], $0x80, v3, vm0, $0xb8;
	[tilespmem:$0x16F80] =	vst v63  }
0x315: {  	v3 =	vld [tilespmem:$0x60];
	_ =	sdelay $0x4  }
0x316: {  	v18 =	vshll.u32 v3, $0x1  }
0x317: {  	v3 =	vand.u32 $0x7, v3;
	v4 =	vand.u32 $0xFFFFFFF0, v18  }
0x318: {  	v3 =	vor.u32 v3, v4  }
0x319: {  	v4 =	vperm.xlane v3, v0;
	_ =	sdelay $0x1  }
0x31a: {  	v3 =	vperm.xlane v3, v2;
	v4 =	vadd.s32 v1, v4;
	_ =	sdelay $0x1  }
0x31b: {  	v3 =	vadd.s32 v1, v3;
	_ =	sdelay $0x1  }
0x31c: {  	s10 =	simm.s32 $0x11F80  }
0x31d: {  	[tilespmem:s10], [sflag:$0x2] =	stream.indirect_vreg.gather [hbm4b:s1+s3], $0x80, v4, vm0, $0xb8;
	[tilespmem:$0x16F80] =	vst v63  }
0x31e: {  	s11 =	simm.s32 $0x12780  }
0x31f: {  	[tilespmem:s11], [sflag:$0x2] =	stream.indirect_vreg.gather [hbm4b:s1+s3], $0x80, v3, vm0, $0xb8;
	[tilespmem:$0x16F80] =	vst v63  }
0x320: {  	v3 =	vld [tilespmem:$0x70];
	_ =	sdelay $0x4  }
0x321: {  	v19 =	vshll.u32 v3, $0x1  }
0x322: {  	v3 =	vand.u32 $0x7, v3;
	v4 =	vand.u32 $0xFFFFFFF0, v19  }
0x323: {  	v3 =	vor.u32 v3, v4  }
0x324: {  	v4 =	vperm.xlane v3, v0;
	_ =	sdelay $0x1  }
0x325: {  	v3 =	vperm.xlane v3, v2;
	v4 =	vadd.s32 v1, v4;
	_ =	sdelay $0x1  }
0x326: {  	v3 =	vadd.s32 v1, v3;
	_ =	sdelay $0x1  }
0x327: {  	s12 =	simm.s32 $0x12F80  }
0x328: {  	[tilespmem:s12], [sflag:$0x2] =	stream.indirect_vreg.gather [hbm4b:s1+s3], $0x80, v4, vm0, $0xb8;
	[tilespmem:$0x16F80] =	vst v63  }
0x329: {  	s17 =	simm.s32 $0x13780  }
0x32a: {  	[tilespmem:s17], [sflag:$0x2] =	stream.indirect_vreg.gather [hbm4b:s1+s3], $0x80, v3, vm0, $0xb8;
	[tilespmem:$0x16F80] =	vst v63  }
0x32b: {  	v3 =	vld [tilespmem:$0x80];
	_ =	sdelay $0x4  }
0x32c: {  	v20 =	vshll.u32 v3, $0x1  }
0x32d: {  	v3 =	vand.u32 $0x7, v3;
	v4 =	vand.u32 $0xFFFFFFF0, v20  }
0x32e: {  	v3 =	vor.u32 v3, v4  }
0x32f: {  	v4 =	vperm.xlane v3, v0;
	_ =	sdelay $0x1  }
0x330: {  	v3 =	vperm.xlane v3, v2;
	v4 =	vadd.s32 v1, v4;
	_ =	sdelay $0x1  }
0x331: {  	v3 =	vadd.s32 v1, v3;
	_ =	sdelay $0x1  }
0x332: {  	s11 =	simm.s32 $0x13F80  }
0x333: {  	[tilespmem:s11], [sflag:$0x2] =	stream.indirect_vreg.gather [hbm4b:s1+s3], $0x80, v4, vm0, $0xb8;
	[tilespmem:$0x16F80] =	vst v63  }
0x334: {  	s12 =	simm.s32 $0x14780  }
0x335: {  	[tilespmem:s12], [sflag:$0x2] =	stream.indirect_vreg.gather [hbm4b:s1+s3], $0x80, v3, vm0, $0xb8;
	[tilespmem:$0x16F80] =	vst v63  }
0x336: {  	v3 =	vld [tilespmem:$0x90];
	_ =	sdelay $0x4  }
0x337: {  	v21 =	vshll.u32 v3, $0x1  }
0x338: {  	v3 =	vand.u32 $0x7, v3;
	v4 =	vand.u32 $0xFFFFFFF0, v21  }
0x339: {  	v3 =	vor.u32 v3, v4  }
0x33a: {  	v4 =	vperm.xlane v3, v0;
	_ =	sdelay $0x1  }
0x33b: {  	v3 =	vperm.xlane v3, v2;
	v4 =	vadd.s32 v1, v4;
	_ =	sdelay $0x1  }
0x33c: {  	v3 =	vadd.s32 v1, v3;
	_ =	sdelay $0x1  }
0x33d: {  	s11 =	simm.s32 $0x14F80  }
0x33e: {  	[tilespmem:s11], [sflag:$0x2] =	stream.indirect_vreg.gather [hbm4b:s1+s3], $0x80, v4, vm0, $0xb8;
	[tilespmem:$0x16F80] =	vst v63  }
0x33f: {  	s12 =	simm.s32 $0x15780  }
0x340: {  	[tilespmem:s12], [sflag:$0x2] =	stream.indirect_vreg.gather [hbm4b:s1+s3], $0x80, v3, vm0, $0xb8;
	[tilespmem:$0x16F80] =	vst v63  }
0x341: {  	_ =	swait.ge [sflag:s0], $0x5000  }
0x342: {  	[sflag:s0] =	ssyncset.done $0x0  }
0x343: {  	s8 =	rddreg [dreg:$0x9];
	[sflag:s0] =	ssyncadd.s32 $0xFFFFB000  }
0x344: {  	[hbm4b:s8+s3] =	stream.linear.scatter [tilespmem:s22], [sflag:$0x4], $0x5000, $0x38;
	[tilespmem:$0x16F80] =	vst v63  }
0x345: {  	_ =	swait.ge [sflag:s26], $0x5000  }
0x346: {  	[sflag:s26] =	ssyncset.done $0x0  }
0x347: {  	[sflag:s26] =	ssyncadd.s32 $0xFFFFB000  }
0x348: {  	v3 =	vld [tilespmem:$0xA0];
	_ =	sdelay $0x4  }
0x349: {  	v22 =	vshll.u32 v3, $0x1  }
0x34a: {  	v3 =	vand.u32 $0x7, v3;
	v4 =	vand.u32 $0xFFFFFFF0, v22  }
0x34b: {  	v3 =	vor.u32 v3, v4  }
0x34c: {  	v4 =	vperm.xlane v3, v0;
	_ =	sdelay $0x1  }
0x34d: {  	v3 =	vperm.xlane v3, v2;
	v4 =	vadd.s32 v1, v4;
	_ =	sdelay $0x1  }
0x34e: {  	v3 =	vadd.s32 v1, v3;
	_ =	sdelay $0x2  }
0x34f: {  	[tilespmem:s16], [sflag:$0x1] =	stream.indirect_vreg.gather [hbm4b:s1+s3], $0x80, v4, vm0, $0xb8;
	[tilespmem:$0x16F80] =	vst v63  }
0x350: {  	s9 =	simm.s32 $0xC780  }
0x351: {  	[tilespmem:s9], [sflag:$0x1] =	stream.indirect_vreg.gather [hbm4b:s1+s3], $0x80, v3, vm0, $0xb8;
	[tilespmem:$0x16F80] =	vst v63  }
0x352: {  	v3 =	vld [tilespmem:$0xB0];
	_ =	sdelay $0x4  }
0x353: {  	v23 =	vshll.u32 v3, $0x1  }
0x354: {  	v3 =	vand.u32 $0x7, v3;
	v4 =	vand.u32 $0xFFFFFFF0, v23  }
0x355: {  	v3 =	vor.u32 v3, v4  }
0x356: {  	v4 =	vperm.xlane v3, v0;
	_ =	sdelay $0x1  }
0x357: {  	v3 =	vperm.xlane v3, v2;
	v4 =	vadd.s32 v1, v4;
	_ =	sdelay $0x1  }
0x358: {  	v3 =	vadd.s32 v1, v3;
	_ =	sdelay $0x1  }
0x359: {  	s9 =	simm.s32 $0xCF80  }
0x35a: {  	[tilespmem:s9], [sflag:$0x1] =	stream.indirect_vreg.gather [hbm4b:s1+s3], $0x80, v4, vm0, $0xb8;
	[tilespmem:$0x16F80] =	vst v63  }
0x35b: {  	s6 =	simm.s32 $0xD780  }
0x35c: {  	[tilespmem:s6], [sflag:$0x1] =	stream.indirect_vreg.gather [hbm4b:s1+s3], $0x80, v3, vm0, $0xb8;
	[tilespmem:$0x16F80] =	vst v63  }
0x35d: {  	v3 =	vld [tilespmem:$0xC0];
	_ =	sdelay $0x4  }
0x35e: {  	v24 =	vshll.u32 v3, $0x1  }
0x35f: {  	v3 =	vand.u32 $0x7, v3;
	v4 =	vand.u32 $0xFFFFFFF0, v24  }
0x360: {  	v3 =	vor.u32 v3, v4  }
0x361: {  	v4 =	vperm.xlane v3, v0;
	_ =	sdelay $0x1  }
0x362: {  	v3 =	vperm.xlane v3, v2;
	v4 =	vadd.s32 v1, v4;
	_ =	sdelay $0x1  }
0x363: {  	v3 =	vadd.s32 v1, v3;
	_ =	sdelay $0x1  }
0x364: {  	s13 =	simm.s32 $0xDF80  }
0x365: {  	[tilespmem:s13], [sflag:$0x1] =	stream.indirect_vreg.gather [hbm4b:s1+s3], $0x80, v4, vm0, $0xb8;
	[tilespmem:$0x16F80] =	vst v63  }
0x366: {  	s18 =	simm.s32 $0xE780  }
0x367: {  	[tilespmem:s18], [sflag:$0x1] =	stream.indirect_vreg.gather [hbm4b:s1+s3], $0x80, v3, vm0, $0xb8;
	[tilespmem:$0x16F80] =	vst v63  }
0x368: {  	v3 =	vld [tilespmem:$0xD0];
	_ =	sdelay $0x4  }
0x369: {  	v25 =	vshll.u32 v3, $0x1  }
0x36a: {  	v3 =	vand.u32 $0x7, v3;
	v4 =	vand.u32 $0xFFFFFFF0, v25  }
0x36b: {  	v3 =	vor.u32 v3, v4  }
0x36c: {  	v4 =	vperm.xlane v3, v0;
	_ =	sdelay $0x1  }
0x36d: {  	v3 =	vperm.xlane v3, v2;
	v4 =	vadd.s32 v1, v4;
	_ =	sdelay $0x1  }
0x36e: {  	v3 =	vadd.s32 v1, v3;
	_ =	sdelay $0x1  }
0x36f: {  	s19 =	simm.s32 $0xEF80  }
0x370: {  	[tilespmem:s19], [sflag:$0x1] =	stream.indirect_vreg.gather [hbm4b:s1+s3], $0x80, v4, vm0, $0xb8;
	[tilespmem:$0x16F80] =	vst v63  }
0x371: {  	s20 =	simm.s32 $0xF780  }
0x372: {  	[tilespmem:s20], [sflag:$0x1] =	stream.indirect_vreg.gather [hbm4b:s1+s3], $0x80, v3, vm0, $0xb8;
	[tilespmem:$0x16F80] =	vst v63  }
0x373: {  	v3 =	vld [tilespmem:$0xE0];
	_ =	sdelay $0x4  }
0x374: {  	v26 =	vshll.u32 v3, $0x1  }
0x375: {  	v3 =	vand.u32 $0x7, v3;
	v4 =	vand.u32 $0xFFFFFFF0, v26  }
0x376: {  	v3 =	vor.u32 v3, v4  }
0x377: {  	v4 =	vperm.xlane v3, v0;
	_ =	sdelay $0x1  }
0x378: {  	v3 =	vperm.xlane v3, v2;
	v4 =	vadd.s32 v1, v4;
	_ =	sdelay $0x1  }
0x379: {  	v3 =	vadd.s32 v1, v3;
	_ =	sdelay $0x1  }
0x37a: {  	s21 =	simm.s32 $0xFF80  }
0x37b: {  	[tilespmem:s21], [sflag:$0x1] =	stream.indirect_vreg.gather [hbm4b:s1+s3], $0x80, v4, vm0, $0xb8;
	[tilespmem:$0x16F80] =	vst v63  }
0x37c: {  	s13 =	simm.s32 $0x10780  }
0x37d: {  	[tilespmem:s13], [sflag:$0x1] =	stream.indirect_vreg.gather [hbm4b:s1+s3], $0x80, v3, vm0, $0xb8;
	[tilespmem:$0x16F80] =	vst v63  }
0x37e: {  	_ =	swait.ge [sflag:s30], $0x5000  }
0x37f: {  	[sflag:s30] =	ssyncset.done $0x0  }
0x380: {  	s21 =	rddreg [dreg:$0xa];
	[sflag:s30] =	ssyncadd.s32 $0xFFFFB000  }
0x381: {  	[hbm4b:s21+s3] =	stream.linear.scatter [tilespmem:s16], [sflag:$0x3], $0x5000, $0x38;
	[tilespmem:$0x16F80] =	vst v63  }
0x382: {  	_ =	swait.ge [sflag:s28], $0x5000  }
0x383: {  	[sflag:s28] =	ssyncset.done $0x0  }
0x384: {  	[sflag:s28] =	ssyncadd.s32 $0xFFFFB000  }
0x385: {  	v3 =	vld [tilespmem:$0xF0];
	_ =	sdelay $0x4  }
0x386: {  	v27 =	vshll.u32 v3, $0x1  }
0x387: {  	v3 =	vand.u32 $0x7, v3;
	v4 =	vand.u32 $0xFFFFFFF0, v27  }
0x388: {  	v3 =	vor.u32 v3, v4  }
0x389: {  	v4 =	vperm.xlane v3, v0;
	_ =	sdelay $0x1  }
0x38a: {  	v3 =	vperm.xlane v3, v2;
	v4 =	vadd.s32 v1, v4;
	_ =	sdelay $0x1  }
0x38b: {  	v3 =	vadd.s32 v1, v3;
	_ =	sdelay $0x2  }
0x38c: {  	[tilespmem:s22], [sflag:$0x2] =	stream.indirect_vreg.gather [hbm4b:s1+s3], $0x80, v4, vm0, $0xb8;
	[tilespmem:$0x16F80] =	vst v63  }
0x38d: {  	s14 =	simm.s32 $0x11780  }
0x38e: {  	[tilespmem:s14], [sflag:$0x2] =	stream.indirect_vreg.gather [hbm4b:s1+s3], $0x80, v3, vm0, $0xb8;
	[tilespmem:$0x16F80] =	vst v63  }
0x38f: {  	v3 =	vld [tilespmem:$0x100];
	_ =	sdelay $0x4  }
0x390: {  	v28 =	vshll.u32 v3, $0x1  }
0x391: {  	v3 =	vand.u32 $0x7, v3;
	v4 =	vand.u32 $0xFFFFFFF0, v28  }
0x392: {  	v3 =	vor.u32 v3, v4  }
0x393: {  	v4 =	vperm.xlane v3, v0;
	_ =	sdelay $0x1  }
0x394: {  	v3 =	vperm.xlane v3, v2;
	v4 =	vadd.s32 v1, v4;
	_ =	sdelay $0x1  }
0x395: {  	v3 =	vadd.s32 v1, v3;
	_ =	sdelay $0x1  }
0x396: {  	s15 =	simm.s32 $0x11F80  }
0x397: {  	[tilespmem:s15], [sflag:$0x2] =	stream.indirect_vreg.gather [hbm4b:s1+s3], $0x80, v4, vm0, $0xb8;
	[tilespmem:$0x16F80] =	vst v63  }
0x398: {  	s10 =	simm.s32 $0x12780  }
0x399: {  	[tilespmem:s10], [sflag:$0x2] =	stream.indirect_vreg.gather [hbm4b:s1+s3], $0x80, v3, vm0, $0xb8;
	[tilespmem:$0x16F80] =	vst v63  }
0x39a: {  	v3 =	vld [tilespmem:$0x110];
	_ =	sdelay $0x4  }
0x39b: {  	v29 =	vshll.u32 v3, $0x1  }
0x39c: {  	v3 =	vand.u32 $0x7, v3;
	v4 =	vand.u32 $0xFFFFFFF0, v29  }
0x39d: {  	v3 =	vor.u32 v3, v4  }
0x39e: {  	v4 =	vperm.xlane v3, v0;
	_ =	sdelay $0x1  }
0x39f: {  	v3 =	vperm.xlane v3, v2;
	v4 =	vadd.s32 v1, v4;
	_ =	sdelay $0x1  }
0x3a0: {  	v3 =	vadd.s32 v1, v3;
	_ =	sdelay $0x1  }
0x3a1: {  	s10 =	simm.s32 $0x12F80  }
0x3a2: {  	[tilespmem:s10], [sflag:$0x2] =	stream.indirect_vreg.gather [hbm4b:s1+s3], $0x80, v4, vm0, $0xb8;
	[tilespmem:$0x16F80] =	vst v63  }
0x3a3: {  	s17 =	simm.s32 $0x13780  }
0x3a4: {  	[tilespmem:s17], [sflag:$0x2] =	stream.indirect_vreg.gather [hbm4b:s1+s3], $0x80, v3, vm0, $0xb8;
	[tilespmem:$0x16F80] =	vst v63  }
0x3a5: {  	v3 =	vld [tilespmem:$0x120];
	_ =	sdelay $0x4  }
0x3a6: {  	v30 =	vshll.u32 v3, $0x1  }
0x3a7: {  	v3 =	vand.u32 $0x7, v3;
	v4 =	vand.u32 $0xFFFFFFF0, v30  }
0x3a8: {  	v3 =	vor.u32 v3, v4  }
0x3a9: {  	v4 =	vperm.xlane v3, v0;
	_ =	sdelay $0x1  }
0x3aa: {  	v3 =	vperm.xlane v3, v2;
	v4 =	vadd.s32 v1, v4;
	_ =	sdelay $0x1  }
0x3ab: {  	v3 =	vadd.s32 v1, v3;
	_ =	sdelay $0x1  }
0x3ac: {  	s14 =	simm.s32 $0x13F80  }
0x3ad: {  	[tilespmem:s14], [sflag:$0x2] =	stream.indirect_vreg.gather [hbm4b:s1+s3], $0x80, v4, vm0, $0xb8;
	[tilespmem:$0x16F80] =	vst v63  }
0x3ae: {  	s17 =	simm.s32 $0x14780  }
0x3af: {  	[tilespmem:s17], [sflag:$0x2] =	stream.indirect_vreg.gather [hbm4b:s1+s3], $0x80, v3, vm0, $0xb8;
	[tilespmem:$0x16F80] =	vst v63  }
0x3b0: {  	v3 =	vld [tilespmem:$0x130];
	_ =	sdelay $0x4  }
0x3b1: {  	v31 =	vshll.u32 v3, $0x1  }
0x3b2: {  	v3 =	vand.u32 $0x7, v3;
	v4 =	vand.u32 $0xFFFFFFF0, v31  }
0x3b3: {  	v3 =	vor.u32 v3, v4  }
0x3b4: {  	v4 =	vperm.xlane v3, v0;
	_ =	sdelay $0x1  }
0x3b5: {  	v3 =	vperm.xlane v3, v2;
	v4 =	vadd.s32 v1, v4;
	_ =	sdelay $0x1  }
0x3b6: {  	v3 =	vadd.s32 v1, v3;
	_ =	sdelay $0x1  }
0x3b7: {  	s15 =	simm.s32 $0x14F80  }
0x3b8: {  	[tilespmem:s15], [sflag:$0x2] =	stream.indirect_vreg.gather [hbm4b:s1+s3], $0x80, v4, vm0, $0xb8;
	[tilespmem:$0x16F80] =	vst v63  }
0x3b9: {  	s12 =	simm.s32 $0x15780  }
0x3ba: {  	[tilespmem:s12], [sflag:$0x2] =	stream.indirect_vreg.gather [hbm4b:s1+s3], $0x80, v3, vm0, $0xb8;
	[tilespmem:$0x16F80] =	vst v63  }
0x3bb: {  	_ =	swait.ge [sflag:s0], $0x5000  }
0x3bc: {  	[sflag:s0] =	ssyncset.done $0x0  }
0x3bd: {  	s12 =	rddreg [dreg:$0xb];
	[sflag:s0] =	ssyncadd.s32 $0xFFFFB000  }
0x3be: {  	[hbm4b:s12+s3] =	stream.linear.scatter [tilespmem:s22], [sflag:$0x4], $0x5000, $0x38;
	[tilespmem:$0x16F80] =	vst v63  }
0x3bf: {  	_ =	swait.ge [sflag:s26], $0x5000  }
0x3c0: {  	[sflag:s26] =	ssyncset.done $0x0  }
0x3c1: {  	[sflag:s26] =	ssyncadd.s32 $0xFFFFB000  }
0x3c2: {  	v3 =	vld [tilespmem:$0x140];
	_ =	sdelay $0x4  }
0x3c3: {  	v32 =	vshll.u32 v3, $0x1  }
0x3c4: {  	v3 =	vand.u32 $0x7, v3;
	v4 =	vand.u32 $0xFFFFFFF0, v32  }
0x3c5: {  	v3 =	vor.u32 v3, v4  }
0x3c6: {  	v4 =	vperm.xlane v3, v0;
	_ =	sdelay $0x1  }
0x3c7: {  	v3 =	vperm.xlane v3, v2;
	v4 =	vadd.s32 v1, v4;
	_ =	sdelay $0x1  }
0x3c8: {  	v3 =	vadd.s32 v1, v3;
	_ =	sdelay $0x2  }
0x3c9: {  	[tilespmem:s16], [sflag:$0x1] =	stream.indirect_vreg.gather [hbm4b:s1+s3], $0x80, v4, vm0, $0xb8;
	[tilespmem:$0x16F80] =	vst v63  }
0x3ca: {  	s8 =	simm.s32 $0xC780  }
0x3cb: {  	[tilespmem:s8], [sflag:$0x1] =	stream.indirect_vreg.gather [hbm4b:s1+s3], $0x80, v3, vm0, $0xb8;
	[tilespmem:$0x16F80] =	vst v63  }
0x3cc: {  	v3 =	vld [tilespmem:$0x150];
	_ =	sdelay $0x4  }
0x3cd: {  	v33 =	vshll.u32 v3, $0x1  }
0x3ce: {  	v3 =	vand.u32 $0x7, v3;
	v4 =	vand.u32 $0xFFFFFFF0, v33  }
0x3cf: {  	v3 =	vor.u32 v3, v4  }
0x3d0: {  	v4 =	vperm.xlane v3, v0;
	_ =	sdelay $0x1  }
0x3d1: {  	v3 =	vperm.xlane v3, v2;
	v4 =	vadd.s32 v1, v4;
	_ =	sdelay $0x1  }
0x3d2: {  	v3 =	vadd.s32 v1, v3;
	_ =	sdelay $0x2  }
0x3d3: {  	[tilespmem:s9], [sflag:$0x1] =	stream.indirect_vreg.gather [hbm4b:s1+s3], $0x80, v4, vm0, $0xb8;
	[tilespmem:$0x16F80] =	vst v63  }
0x3d4: {  	s6 =	simm.s32 $0xD780  }
0x3d5: {  	[tilespmem:s6], [sflag:$0x1] =	stream.indirect_vreg.gather [hbm4b:s1+s3], $0x80, v3, vm0, $0xb8;
	[tilespmem:$0x16F80] =	vst v63  }
0x3d6: {  	v3 =	vld [tilespmem:$0x160];
	_ =	sdelay $0x4  }
0x3d7: {  	v34 =	vshll.u32 v3, $0x1  }
0x3d8: {  	v3 =	vand.u32 $0x7, v3;
	v4 =	vand.u32 $0xFFFFFFF0, v34  }
0x3d9: {  	v3 =	vor.u32 v3, v4  }
0x3da: {  	v4 =	vperm.xlane v3, v0;
	_ =	sdelay $0x1  }
0x3db: {  	v3 =	vperm.xlane v3, v2;
	v4 =	vadd.s32 v1, v4;
	_ =	sdelay $0x1  }
0x3dc: {  	v3 =	vadd.s32 v1, v3;
	_ =	sdelay $0x1  }
0x3dd: {  	s11 =	simm.s32 $0xDF80  }
0x3de: {  	[tilespmem:s11], [sflag:$0x1] =	stream.indirect_vreg.gather [hbm4b:s1+s3], $0x80, v4, vm0, $0xb8;
	[tilespmem:$0x16F80] =	vst v63  }
0x3df: {  	s11 =	simm.s32 $0xE780  }
0x3e0: {  	[tilespmem:s11], [sflag:$0x1] =	stream.indirect_vreg.gather [hbm4b:s1+s3], $0x80, v3, vm0, $0xb8;
	[tilespmem:$0x16F80] =	vst v63  }
0x3e1: {  	v3 =	vld [tilespmem:$0x170];
	_ =	sdelay $0x4  }
0x3e2: {  	v35 =	vshll.u32 v3, $0x1  }
0x3e3: {  	v3 =	vand.u32 $0x7, v3;
	v4 =	vand.u32 $0xFFFFFFF0, v35  }
0x3e4: {  	v3 =	vor.u32 v3, v4  }
0x3e5: {  	v4 =	vperm.xlane v3, v0;
	_ =	sdelay $0x1  }
0x3e6: {  	v3 =	vperm.xlane v3, v2;
	v4 =	vadd.s32 v1, v4;
	_ =	sdelay $0x1  }
0x3e7: {  	v3 =	vadd.s32 v1, v3;
	_ =	sdelay $0x1  }
0x3e8: {  	s11 =	simm.s32 $0xEF80  }
0x3e9: {  	[tilespmem:s11], [sflag:$0x1] =	stream.indirect_vreg.gather [hbm4b:s1+s3], $0x80, v4, vm0, $0xb8;
	[tilespmem:$0x16F80] =	vst v63  }
0x3ea: {  	s11 =	simm.s32 $0xF780  }
0x3eb: {  	[tilespmem:s11], [sflag:$0x1] =	stream.indirect_vreg.gather [hbm4b:s1+s3], $0x80, v3, vm0, $0xb8;
	[tilespmem:$0x16F80] =	vst v63  }
0x3ec: {  	v3 =	vld [tilespmem:$0x180];
	_ =	sdelay $0x4  }
0x3ed: {  	v36 =	vshll.u32 v3, $0x1  }
0x3ee: {  	v3 =	vand.u32 $0x7, v3;
	v4 =	vand.u32 $0xFFFFFFF0, v36  }
0x3ef: {  	v3 =	vor.u32 v3, v4  }
0x3f0: {  	v4 =	vperm.xlane v3, v0;
	_ =	sdelay $0x1  }
0x3f1: {  	v3 =	vperm.xlane v3, v2;
	v4 =	vadd.s32 v1, v4;
	_ =	sdelay $0x1  }
0x3f2: {  	v3 =	vadd.s32 v1, v3;
	_ =	sdelay $0x1  }
0x3f3: {  	s11 =	simm.s32 $0xFF80  }
0x3f4: {  	[tilespmem:s11], [sflag:$0x1] =	stream.indirect_vreg.gather [hbm4b:s1+s3], $0x80, v4, vm0, $0xb8;
	[tilespmem:$0x16F80] =	vst v63  }
0x3f5: {  	_ = 	snop  }
0x3f6: {  	[tilespmem:s13], [sflag:$0x1] =	stream.indirect_vreg.gather [hbm4b:s1+s3], $0x80, v3, vm0, $0xb8;
	[tilespmem:$0x16F80] =	vst v63  }
0x3f7: {  	_ =	swait.ge [sflag:s30], $0x5000  }
0x3f8: {  	[sflag:s30] =	ssyncset.done $0x0  }
0x3f9: {  	s9 =	rddreg [dreg:$0xc];
	[sflag:s30] =	ssyncadd.s32 $0xFFFFB000  }
0x3fa: {  	[hbm4b:s9+s3] =	stream.linear.scatter [tilespmem:s16], [sflag:$0x3], $0x5000, $0x38;
	[tilespmem:$0x16F80] =	vst v63  }
0x3fb: {  	_ =	swait.ge [sflag:s28], $0x5000  }
0x3fc: {  	[sflag:s28] =	ssyncset.done $0x0  }
0x3fd: {  	[sflag:s28] =	ssyncadd.s32 $0xFFFFB000  }
0x3fe: {  	v3 =	vld [tilespmem:$0x190];
	_ =	sdelay $0x4  }
0x3ff: {  	v37 =	vshll.u32 v3, $0x1  }
0x400: {  	v3 =	vand.u32 $0x7, v3;
	v4 =	vand.u32 $0xFFFFFFF0, v37  }
0x401: {  	v3 =	vor.u32 v3, v4  }
0x402: {  	v4 =	vperm.xlane v3, v0;
	_ =	sdelay $0x1  }
0x403: {  	v3 =	vperm.xlane v3, v2;
	v4 =	vadd.s32 v1, v4;
	_ =	sdelay $0x1  }
0x404: {  	v3 =	vadd.s32 v1, v3;
	_ =	sdelay $0x2  }
0x405: {  	[tilespmem:s22], [sflag:$0x2] =	stream.indirect_vreg.gather [hbm4b:s1+s3], $0x80, v4, vm0, $0xb8;
	[tilespmem:$0x16F80] =	vst v63  }
0x406: {  	s20 =	simm.s32 $0x11780  }
0x407: {  	[tilespmem:s20], [sflag:$0x2] =	stream.indirect_vreg.gather [hbm4b:s1+s3], $0x80, v3, vm0, $0xb8;
	[tilespmem:$0x16F80] =	vst v63  }
0x408: {  	v3 =	vld [tilespmem:$0x1A0];
	_ =	sdelay $0x4  }
0x409: {  	v38 =	vshll.u32 v3, $0x1  }
0x40a: {  	v3 =	vand.u32 $0x7, v3;
	v4 =	vand.u32 $0xFFFFFFF0, v38  }
0x40b: {  	v3 =	vor.u32 v3, v4  }
0x40c: {  	v4 =	vperm.xlane v3, v0;
	_ =	sdelay $0x1  }
0x40d: {  	v3 =	vperm.xlane v3, v2;
	v4 =	vadd.s32 v1, v4;
	_ =	sdelay $0x1  }
0x40e: {  	v3 =	vadd.s32 v1, v3;
	_ =	sdelay $0x1  }
0x40f: {  	s21 =	simm.s32 $0x11F80  }
0x410: {  	[tilespmem:s21], [sflag:$0x2] =	stream.indirect_vreg.gather [hbm4b:s1+s3], $0x80, v4, vm0, $0xb8;
	[tilespmem:$0x16F80] =	vst v63  }
0x411: {  	s18 =	simm.s32 $0x12780  }
0x412: {  	[tilespmem:s18], [sflag:$0x2] =	stream.indirect_vreg.gather [hbm4b:s1+s3], $0x80, v3, vm0, $0xb8;
	[tilespmem:$0x16F80] =	vst v63  }
0x413: {  	v3 =	vld [tilespmem:$0x1B0];
	_ =	sdelay $0x4  }
0x414: {  	v39 =	vshll.u32 v3, $0x1  }
0x415: {  	v3 =	vand.u32 $0x7, v3;
	v4 =	vand.u32 $0xFFFFFFF0, v39  }
0x416: {  	v3 =	vor.u32 v3, v4  }
0x417: {  	v4 =	vperm.xlane v3, v0;
	_ =	sdelay $0x1  }
0x418: {  	v3 =	vperm.xlane v3, v2;
	v4 =	vadd.s32 v1, v4;
	_ =	sdelay $0x1  }
0x419: {  	v3 =	vadd.s32 v1, v3;
	_ =	sdelay $0x2  }
0x41a: {  	[tilespmem:s10], [sflag:$0x2] =	stream.indirect_vreg.gather [hbm4b:s1+s3], $0x80, v4, vm0, $0xb8;
	[tilespmem:$0x16F80] =	vst v63  }
0x41b: {  	s20 =	simm.s32 $0x13780  }
0x41c: {  	[tilespmem:s20], [sflag:$0x2] =	stream.indirect_vreg.gather [hbm4b:s1+s3], $0x80, v3, vm0, $0xb8;
	[tilespmem:$0x16F80] =	vst v63  }
0x41d: {  	v3 =	vld [tilespmem:$0x1C0];
	_ =	sdelay $0x4  }
0x41e: {  	v40 =	vshll.u32 v3, $0x1  }
0x41f: {  	v3 =	vand.u32 $0x7, v3;
	v4 =	vand.u32 $0xFFFFFFF0, v40  }
0x420: {  	v3 =	vor.u32 v3, v4  }
0x421: {  	v4 =	vperm.xlane v3, v0;
	_ =	sdelay $0x1  }
0x422: {  	v3 =	vperm.xlane v3, v2;
	v4 =	vadd.s32 v1, v4;
	_ =	sdelay $0x1  }
0x423: {  	v3 =	vadd.s32 v1, v3;
	_ =	sdelay $0x2  }
0x424: {  	[tilespmem:s14], [sflag:$0x2] =	stream.indirect_vreg.gather [hbm4b:s1+s3], $0x80, v4, vm0, $0xb8;
	[tilespmem:$0x16F80] =	vst v63  }
0x425: {  	_ = 	snop  }
0x426: {  	[tilespmem:s17], [sflag:$0x2] =	stream.indirect_vreg.gather [hbm4b:s1+s3], $0x80, v3, vm0, $0xb8;
	[tilespmem:$0x16F80] =	vst v63  }
0x427: {  	v3 =	vld [tilespmem:$0x1D0];
	_ =	sdelay $0x4  }
0x428: {  	v41 =	vshll.u32 v3, $0x1  }
0x429: {  	v3 =	vand.u32 $0x7, v3;
	v4 =	vand.u32 $0xFFFFFFF0, v41  }
0x42a: {  	v3 =	vor.u32 v3, v4  }
0x42b: {  	v4 =	vperm.xlane v3, v0;
	_ =	sdelay $0x1  }
0x42c: {  	v3 =	vperm.xlane v3, v2;
	v4 =	vadd.s32 v1, v4;
	_ =	sdelay $0x1  }
0x42d: {  	v3 =	vadd.s32 v1, v3;
	_ =	sdelay $0x2  }
0x42e: {  	[tilespmem:s15], [sflag:$0x2] =	stream.indirect_vreg.gather [hbm4b:s1+s3], $0x80, v4, vm0, $0xb8;
	[tilespmem:$0x16F80] =	vst v63  }
0x42f: {  	s19 =	simm.s32 $0x15780  }
0x430: {  	[tilespmem:s19], [sflag:$0x2] =	stream.indirect_vreg.gather [hbm4b:s1+s3], $0x80, v3, vm0, $0xb8;
	[tilespmem:$0x16F80] =	vst v63  }
0x431: {  	_ =	swait.ge [sflag:s0], $0x5000  }
0x432: {  	[sflag:s0] =	ssyncset.done $0x0  }
0x433: {  	s21 =	rddreg [dreg:$0xd];
	[sflag:s0] =	ssyncadd.s32 $0xFFFFB000  }
0x434: {  	[hbm4b:s21+s3] =	stream.linear.scatter [tilespmem:s22], [sflag:$0x4], $0x5000, $0x38;
	[tilespmem:$0x16F80] =	vst v63  }
0x435: {  	_ =	swait.ge [sflag:s26], $0x5000  }
0x436: {  	[sflag:s26] =	ssyncset.done $0x0  }
0x437: {  	[sflag:s26] =	ssyncadd.s32 $0xFFFFB000  }
0x438: {  	v3 =	vld [tilespmem:$0x1E0];
	_ =	sdelay $0x4  }
0x439: {  	v42 =	vshll.u32 v3, $0x1  }
0x43a: {  	v3 =	vand.u32 $0x7, v3;
	v4 =	vand.u32 $0xFFFFFFF0, v42  }
0x43b: {  	v3 =	vor.u32 v3, v4  }
0x43c: {  	v4 =	vperm.xlane v3, v0;
	_ =	sdelay $0x1  }
0x43d: {  	v3 =	vperm.xlane v3, v2;
	v4 =	vadd.s32 v1, v4;
	_ =	sdelay $0x1  }
0x43e: {  	v3 =	vadd.s32 v1, v3;
	_ =	sdelay $0x2  }
0x43f: {  	[tilespmem:s16], [sflag:$0x1] =	stream.indirect_vreg.gather [hbm4b:s1+s3], $0x80, v4, vm0, $0xb8;
	[tilespmem:$0x16F80] =	vst v63  }
0x440: {  	s12 =	simm.s32 $0xC780  }
0x441: {  	[tilespmem:s12], [sflag:$0x1] =	stream.indirect_vreg.gather [hbm4b:s1+s3], $0x80, v3, vm0, $0xb8;
	[tilespmem:$0x16F80] =	vst v63  }
0x442: {  	v3 =	vld [tilespmem:$0x1F0];
	_ =	sdelay $0x4  }
0x443: {  	v43 =	vshll.u32 v3, $0x1  }
0x444: {  	v3 =	vand.u32 $0x7, v3;
	v4 =	vand.u32 $0xFFFFFFF0, v43  }
0x445: {  	v3 =	vor.u32 v3, v4  }
0x446: {  	v4 =	vperm.xlane v3, v0;
	_ =	sdelay $0x1  }
0x447: {  	v3 =	vperm.xlane v3, v2;
	v4 =	vadd.s32 v1, v4;
	_ =	sdelay $0x1  }
0x448: {  	v3 =	vadd.s32 v1, v3;
	_ =	sdelay $0x1  }
0x449: {  	s8 =	simm.s32 $0xCF80  }
0x44a: {  	[tilespmem:s8], [sflag:$0x1] =	stream.indirect_vreg.gather [hbm4b:s1+s3], $0x80, v4, vm0, $0xb8;
	[tilespmem:$0x16F80] =	vst v63  }
0x44b: {  	s6 =	simm.s32 $0xD780  }
0x44c: {  	[tilespmem:s6], [sflag:$0x1] =	stream.indirect_vreg.gather [hbm4b:s1+s3], $0x80, v3, vm0, $0xb8;
	[tilespmem:$0x16F80] =	vst v63  }
0x44d: {  	v3 =	vld [tilespmem:$0x200];
	_ =	sdelay $0x4  }
0x44e: {  	v44 =	vshll.u32 v3, $0x1  }
0x44f: {  	v3 =	vand.u32 $0x7, v3;
	v4 =	vand.u32 $0xFFFFFFF0, v44  }
0x450: {  	v3 =	vor.u32 v3, v4  }
0x451: {  	v4 =	vperm.xlane v3, v0;
	_ =	sdelay $0x1  }
0x452: {  	v3 =	vperm.xlane v3, v2;
	v4 =	vadd.s32 v1, v4;
	_ =	sdelay $0x1  }
0x453: {  	v3 =	vadd.s32 v1, v3;
	_ =	sdelay $0x1  }
0x454: {  	s8 =	simm.s32 $0xDF80  }
0x455: {  	[tilespmem:s8], [sflag:$0x1] =	stream.indirect_vreg.gather [hbm4b:s1+s3], $0x80, v4, vm0, $0xb8;
	[tilespmem:$0x16F80] =	vst v63  }
0x456: {  	s11 =	simm.s32 $0xE780  }
0x457: {  	[tilespmem:s11], [sflag:$0x1] =	stream.indirect_vreg.gather [hbm4b:s1+s3], $0x80, v3, vm0, $0xb8;
	[tilespmem:$0x16F80] =	vst v63  }
0x458: {  	v3 =	vld [tilespmem:$0x210];
	_ =	sdelay $0x4  }
0x459: {  	v45 =	vshll.u32 v3, $0x1  }
0x45a: {  	v3 =	vand.u32 $0x7, v3;
	v4 =	vand.u32 $0xFFFFFFF0, v45  }
0x45b: {  	v3 =	vor.u32 v3, v4  }
0x45c: {  	v4 =	vperm.xlane v3, v0;
	_ =	sdelay $0x1  }
0x45d: {  	v3 =	vperm.xlane v3, v2;
	v4 =	vadd.s32 v1, v4;
	_ =	sdelay $0x1  }
0x45e: {  	v3 =	vadd.s32 v1, v3;
	_ =	sdelay $0x1  }
0x45f: {  	s21 =	simm.s32 $0xEF80  }
0x460: {  	[tilespmem:s21], [sflag:$0x1] =	stream.indirect_vreg.gather [hbm4b:s1+s3], $0x80, v4, vm0, $0xb8;
	[tilespmem:$0x16F80] =	vst v63  }
0x461: {  	s8 =	simm.s32 $0xF780  }
0x462: {  	[tilespmem:s8], [sflag:$0x1] =	stream.indirect_vreg.gather [hbm4b:s1+s3], $0x80, v3, vm0, $0xb8;
	[tilespmem:$0x16F80] =	vst v63  }
0x463: {  	v3 =	vld [tilespmem:$0x220];
	_ =	sdelay $0x4  }
0x464: {  	v46 =	vshll.u32 v3, $0x1  }
0x465: {  	v3 =	vand.u32 $0x7, v3;
	v4 =	vand.u32 $0xFFFFFFF0, v46  }
0x466: {  	v3 =	vor.u32 v3, v4  }
0x467: {  	v4 =	vperm.xlane v3, v0;
	_ =	sdelay $0x1  }
0x468: {  	v3 =	vperm.xlane v3, v2;
	v4 =	vadd.s32 v1, v4;
	_ =	sdelay $0x1  }
0x469: {  	v3 =	vadd.s32 v1, v3;
	_ =	sdelay $0x1  }
0x46a: {  	s11 =	simm.s32 $0xFF80  }
0x46b: {  	[tilespmem:s11], [sflag:$0x1] =	stream.indirect_vreg.gather [hbm4b:s1+s3], $0x80, v4, vm0, $0xb8;
	[tilespmem:$0x16F80] =	vst v63  }
0x46c: {  	s13 =	simm.s32 $0x10780  }
0x46d: {  	[tilespmem:s13], [sflag:$0x1] =	stream.indirect_vreg.gather [hbm4b:s1+s3], $0x80, v3, vm0, $0xb8;
	[tilespmem:$0x16F80] =	vst v63  }
0x46e: {  	_ =	swait.ge [sflag:s30], $0x5000  }
0x46f: {  	[sflag:s30] =	ssyncset.done $0x0  }
0x470: {  	s13 =	rddreg [dreg:$0xe];
	[sflag:s30] =	ssyncadd.s32 $0xFFFFB000  }
0x471: {  	[hbm4b:s13+s3] =	stream.linear.scatter [tilespmem:s16], [sflag:$0x3], $0x5000, $0x38;
	[tilespmem:$0x16F80] =	vst v63  }
0x472: {  	_ =	swait.ge [sflag:s28], $0x5000  }
0x473: {  	[sflag:s28] =	ssyncset.done $0x0  }
0x474: {  	[sflag:s28] =	ssyncadd.s32 $0xFFFFB000  }
0x475: {  	v3 =	vld [tilespmem:$0x230];
	_ =	sdelay $0x4  }
0x476: {  	v47 =	vshll.u32 v3, $0x1  }
0x477: {  	v3 =	vand.u32 $0x7, v3;
	v4 =	vand.u32 $0xFFFFFFF0, v47  }
0x478: {  	v3 =	vor.u32 v3, v4  }
0x479: {  	v4 =	vperm.xlane v3, v0;
	_ =	sdelay $0x1  }
0x47a: {  	v3 =	vperm.xlane v3, v2;
	v4 =	vadd.s32 v1, v4;
	_ =	sdelay $0x1  }
0x47b: {  	v3 =	vadd.s32 v1, v3;
	_ =	sdelay $0x2  }
0x47c: {  	[tilespmem:s22], [sflag:$0x2] =	stream.indirect_vreg.gather [hbm4b:s1+s3], $0x80, v4, vm0, $0xb8;
	[tilespmem:$0x16F80] =	vst v63  }
0x47d: {  	s21 =	simm.s32 $0x11780  }
0x47e: {  	[tilespmem:s21], [sflag:$0x2] =	stream.indirect_vreg.gather [hbm4b:s1+s3], $0x80, v3, vm0, $0xb8;
	[tilespmem:$0x16F80] =	vst v63  }
0x47f: {  	v3 =	vld [tilespmem:$0x240];
	_ =	sdelay $0x4  }
0x480: {  	v48 =	vshll.u32 v3, $0x1  }
0x481: {  	v3 =	vand.u32 $0x7, v3;
	v4 =	vand.u32 $0xFFFFFFF0, v48  }
0x482: {  	v3 =	vor.u32 v3, v4  }
0x483: {  	v4 =	vperm.xlane v3, v0;
	_ =	sdelay $0x1  }
0x484: {  	v3 =	vperm.xlane v3, v2;
	v4 =	vadd.s32 v1, v4;
	_ =	sdelay $0x1  }
0x485: {  	v3 =	vadd.s32 v1, v3;
	_ =	sdelay $0x1  }
0x486: {  	s11 =	simm.s32 $0x11F80  }
0x487: {  	[tilespmem:s11], [sflag:$0x2] =	stream.indirect_vreg.gather [hbm4b:s1+s3], $0x80, v4, vm0, $0xb8;
	[tilespmem:$0x16F80] =	vst v63  }
0x488: {  	s9 =	simm.s32 $0x12780  }
0x489: {  	[tilespmem:s9], [sflag:$0x2] =	stream.indirect_vreg.gather [hbm4b:s1+s3], $0x80, v3, vm0, $0xb8;
	[tilespmem:$0x16F80] =	vst v63  }
0x48a: {  	v3 =	vld [tilespmem:$0x250];
	_ =	sdelay $0x4  }
0x48b: {  	v49 =	vshll.u32 v3, $0x1  }
0x48c: {  	v3 =	vand.u32 $0x7, v3;
	v4 =	vand.u32 $0xFFFFFFF0, v49  }
0x48d: {  	v3 =	vor.u32 v3, v4  }
0x48e: {  	v4 =	vperm.xlane v3, v0;
	_ =	sdelay $0x1  }
0x48f: {  	v3 =	vperm.xlane v3, v2;
	v4 =	vadd.s32 v1, v4;
	_ =	sdelay $0x1  }
0x490: {  	v3 =	vadd.s32 v1, v3;
	_ =	sdelay $0x1  }
0x491: {  	s10 =	simm.s32 $0x12F80  }
0x492: {  	[tilespmem:s10], [sflag:$0x2] =	stream.indirect_vreg.gather [hbm4b:s1+s3], $0x80, v4, vm0, $0xb8;
	[tilespmem:$0x16F80] =	vst v63  }
0x493: {  	s13 =	simm.s32 $0x13780  }
0x494: {  	[tilespmem:s13], [sflag:$0x2] =	stream.indirect_vreg.gather [hbm4b:s1+s3], $0x80, v3, vm0, $0xb8;
	[tilespmem:$0x16F80] =	vst v63  }
0x495: {  	v3 =	vld [tilespmem:$0x260];
	_ =	sdelay $0x4  }
0x496: {  	v50 =	vshll.u32 v3, $0x1  }
0x497: {  	v3 =	vand.u32 $0x7, v3;
	v4 =	vand.u32 $0xFFFFFFF0, v50  }
0x498: {  	v3 =	vor.u32 v3, v4  }
0x499: {  	v4 =	vperm.xlane v3, v0;
	_ =	sdelay $0x1  }
0x49a: {  	v3 =	vperm.xlane v3, v2;
	v4 =	vadd.s32 v1, v4;
	_ =	sdelay $0x1  }
0x49b: {  	v3 =	vadd.s32 v1, v3;
	_ =	sdelay $0x1  }
0x49c: {  	s14 =	simm.s32 $0x13F80  }
0x49d: {  	[tilespmem:s14], [sflag:$0x2] =	stream.indirect_vreg.gather [hbm4b:s1+s3], $0x80, v4, vm0, $0xb8;
	[tilespmem:$0x16F80] =	vst v63  }
0x49e: {  	s18 =	simm.s32 $0x14780  }
0x49f: {  	[tilespmem:s18], [sflag:$0x2] =	stream.indirect_vreg.gather [hbm4b:s1+s3], $0x80, v3, vm0, $0xb8;
	[tilespmem:$0x16F80] =	vst v63  }
0x4a0: {  	v3 =	vld [tilespmem:$0x270];
	_ =	sdelay $0x4  }
0x4a1: {  	v51 =	vshll.u32 v3, $0x1  }
0x4a2: {  	v3 =	vand.u32 $0x7, v3;
	v4 =	vand.u32 $0xFFFFFFF0, v51  }
0x4a3: {  	v3 =	vor.u32 v3, v4  }
0x4a4: {  	v4 =	vperm.xlane v3, v0;
	_ =	sdelay $0x1  }
0x4a5: {  	v3 =	vperm.xlane v3, v2;
	v4 =	vadd.s32 v1, v4;
	_ =	sdelay $0x1  }
0x4a6: {  	v3 =	vadd.s32 v1, v3;
	_ =	sdelay $0x1  }
0x4a7: {  	s17 =	simm.s32 $0x14F80  }
0x4a8: {  	[tilespmem:s17], [sflag:$0x2] =	stream.indirect_vreg.gather [hbm4b:s1+s3], $0x80, v4, vm0, $0xb8;
	[tilespmem:$0x16F80] =	vst v63  }
0x4a9: {  	s20 =	simm.s32 $0x15780  }
0x4aa: {  	[tilespmem:s20], [sflag:$0x2] =	stream.indirect_vreg.gather [hbm4b:s1+s3], $0x80, v3, vm0, $0xb8;
	[tilespmem:$0x16F80] =	vst v63  }
0x4ab: {  	_ =	swait.ge [sflag:s0], $0x5000  }
0x4ac: {  	[sflag:s0] =	ssyncset.done $0x0  }
0x4ad: {  	s20 =	rddreg [dreg:$0xf];
	[sflag:s0] =	ssyncadd.s32 $0xFFFFB000  }
0x4ae: {  	[hbm4b:s20+s3] =	stream.linear.scatter [tilespmem:s22], [sflag:$0x4], $0x5000, $0x38;
	[tilespmem:$0x16F80] =	vst v63  }
0x4af: {  	_ =	swait.ge [sflag:s26], $0x5000  }
0x4b0: {  	[sflag:s26] =	ssyncset.done $0x0  }
0x4b1: {  	[sflag:s26] =	ssyncadd.s32 $0xFFFFB000  }
0x4b2: {  	v3 =	vld [tilespmem:$0x280];
	_ =	sdelay $0x4  }
0x4b3: {  	v52 =	vshll.u32 v3, $0x1  }
0x4b4: {  	v3 =	vand.u32 $0x7, v3;
	v4 =	vand.u32 $0xFFFFFFF0, v52  }
0x4b5: {  	v3 =	vor.u32 v3, v4  }
0x4b6: {  	v4 =	vperm.xlane v3, v0;
	_ =	sdelay $0x1  }
0x4b7: {  	v3 =	vperm.xlane v3, v2;
	v4 =	vadd.s32 v1, v4;
	_ =	sdelay $0x1  }
0x4b8: {  	v3 =	vadd.s32 v1, v3;
	_ =	sdelay $0x2  }
0x4b9: {  	[tilespmem:s16], [sflag:$0x1] =	stream.indirect_vreg.gather [hbm4b:s1+s3], $0x80, v4, vm0, $0xb8;
	[tilespmem:$0x16F80] =	vst v63  }
0x4ba: {  	s12 =	simm.s32 $0xC780  }
0x4bb: {  	[tilespmem:s12], [sflag:$0x1] =	stream.indirect_vreg.gather [hbm4b:s1+s3], $0x80, v3, vm0, $0xb8;
	[tilespmem:$0x16F80] =	vst v63  }
0x4bc: {  	v3 =	vld [tilespmem:$0x290];
	_ =	sdelay $0x4  }
0x4bd: {  	v53 =	vshll.u32 v3, $0x1  }
0x4be: {  	v3 =	vand.u32 $0x7, v3;
	v4 =	vand.u32 $0xFFFFFFF0, v53  }
0x4bf: {  	v3 =	vor.u32 v3, v4  }
0x4c0: {  	v4 =	vperm.xlane v3, v0;
	_ =	sdelay $0x1  }
0x4c1: {  	v3 =	vperm.xlane v3, v2;
	v4 =	vadd.s32 v1, v4;
	_ =	sdelay $0x1  }
0x4c2: {  	v3 =	vadd.s32 v1, v3;
	_ =	sdelay $0x1  }
0x4c3: {  	s19 =	simm.s32 $0xCF80  }
0x4c4: {  	[tilespmem:s19], [sflag:$0x1] =	stream.indirect_vreg.gather [hbm4b:s1+s3], $0x80, v4, vm0, $0xb8;
	[tilespmem:$0x16F80] =	vst v63  }
0x4c5: {  	s15 =	simm.s32 $0xD780  }
0x4c6: {  	[tilespmem:s15], [sflag:$0x1] =	stream.indirect_vreg.gather [hbm4b:s1+s3], $0x80, v3, vm0, $0xb8;
	[tilespmem:$0x16F80] =	vst v63  }
0x4c7: {  	v3 =	vld [tilespmem:$0x2A0];
	_ =	sdelay $0x4  }
0x4c8: {  	v54 =	vshll.u32 v3, $0x1  }
0x4c9: {  	v3 =	vand.u32 $0x7, v3;
	v4 =	vand.u32 $0xFFFFFFF0, v54  }
0x4ca: {  	v3 =	vor.u32 v3, v4  }
0x4cb: {  	v4 =	vperm.xlane v3, v0;
	_ =	sdelay $0x1  }
0x4cc: {  	v3 =	vperm.xlane v3, v2;
	v4 =	vadd.s32 v1, v4;
	_ =	sdelay $0x1  }
0x4cd: {  	v3 =	vadd.s32 v1, v3;
	_ =	sdelay $0x1  }
0x4ce: {  	s15 =	simm.s32 $0xDF80  }
0x4cf: {  	[tilespmem:s15], [sflag:$0x1] =	stream.indirect_vreg.gather [hbm4b:s1+s3], $0x80, v4, vm0, $0xb8;
	[tilespmem:$0x16F80] =	vst v63  }
0x4d0: {  	s19 =	simm.s32 $0xE780  }
0x4d1: {  	[tilespmem:s19], [sflag:$0x1] =	stream.indirect_vreg.gather [hbm4b:s1+s3], $0x80, v3, vm0, $0xb8;
	[tilespmem:$0x16F80] =	vst v63  }
0x4d2: {  	v3 =	vld [tilespmem:$0x2B0];
	_ =	sdelay $0x4  }
0x4d3: {  	v55 =	vshll.u32 v3, $0x1  }
0x4d4: {  	v3 =	vand.u32 $0x7, v3;
	v4 =	vand.u32 $0xFFFFFFF0, v55  }
0x4d5: {  	v3 =	vor.u32 v3, v4  }
0x4d6: {  	v4 =	vperm.xlane v3, v0;
	_ =	sdelay $0x1  }
0x4d7: {  	v3 =	vperm.xlane v3, v2;
	v4 =	vadd.s32 v1, v4;
	_ =	sdelay $0x1  }
0x4d8: {  	v3 =	vadd.s32 v1, v3;
	_ =	sdelay $0x1  }
0x4d9: {  	s15 =	simm.s32 $0xEF80  }
0x4da: {  	[tilespmem:s15], [sflag:$0x1] =	stream.indirect_vreg.gather [hbm4b:s1+s3], $0x80, v4, vm0, $0xb8;
	[tilespmem:$0x16F80] =	vst v63  }
0x4db: {  	s19 =	simm.s32 $0xF780  }
0x4dc: {  	[tilespmem:s19], [sflag:$0x1] =	stream.indirect_vreg.gather [hbm4b:s1+s3], $0x80, v3, vm0, $0xb8;
	[tilespmem:$0x16F80] =	vst v63  }
0x4dd: {  	v3 =	vld [tilespmem:$0x2C0];
	_ =	sdelay $0x4  }
0x4de: {  	v56 =	vshll.u32 v3, $0x1  }
0x4df: {  	v3 =	vand.u32 $0x7, v3;
	v4 =	vand.u32 $0xFFFFFFF0, v56  }
0x4e0: {  	v3 =	vor.u32 v3, v4  }
0x4e1: {  	v4 =	vperm.xlane v3, v0;
	_ =	sdelay $0x1  }
0x4e2: {  	v3 =	vperm.xlane v3, v2;
	v4 =	vadd.s32 v1, v4;
	_ =	sdelay $0x1  }
0x4e3: {  	v3 =	vadd.s32 v1, v3;
	_ =	sdelay $0x1  }
0x4e4: {  	s15 =	simm.s32 $0xFF80  }
0x4e5: {  	[tilespmem:s15], [sflag:$0x1] =	stream.indirect_vreg.gather [hbm4b:s1+s3], $0x80, v4, vm0, $0xb8;
	[tilespmem:$0x16F80] =	vst v63  }
0x4e6: {  	s8 =	simm.s32 $0x10780  }
0x4e7: {  	[tilespmem:s8], [sflag:$0x1] =	stream.indirect_vreg.gather [hbm4b:s1+s3], $0x80, v3, vm0, $0xb8;
	[tilespmem:$0x16F80] =	vst v63  }
0x4e8: {  	_ =	swait.ge [sflag:s30], $0x5000  }
0x4e9: {  	[sflag:s30] =	ssyncset.done $0x0  }
0x4ea: {  	s19 =	rddreg [dreg:$0x10];
	[sflag:s30] =	ssyncadd.s32 $0xFFFFB000  }
0x4eb: {  	[hbm4b:s19+s3] =	stream.linear.scatter [tilespmem:s16], [sflag:$0x3], $0x5000, $0x38;
	[tilespmem:$0x16F80] =	vst v63  }
0x4ec: {  	_ =	swait.ge [sflag:s28], $0x5000  }
0x4ed: {  	[sflag:s28] =	ssyncset.done $0x0  }
0x4ee: {  	[sflag:s28] =	ssyncadd.s32 $0xFFFFB000  }
0x4ef: {  	v3 =	vld [tilespmem:$0x2D0];
	_ =	sdelay $0x4  }
0x4f0: {  	v57 =	vshll.u32 v3, $0x1  }
0x4f1: {  	v3 =	vand.u32 $0x7, v3;
	v4 =	vand.u32 $0xFFFFFFF0, v57  }
0x4f2: {  	v3 =	vor.u32 v3, v4  }
0x4f3: {  	v4 =	vperm.xlane v3, v0;
	_ =	sdelay $0x1  }
0x4f4: {  	v3 =	vperm.xlane v3, v2;
	v4 =	vadd.s32 v1, v4;
	_ =	sdelay $0x1  }
0x4f5: {  	v3 =	vadd.s32 v1, v3;
	_ =	sdelay $0x2  }
0x4f6: {  	[tilespmem:s22], [sflag:$0x2] =	stream.indirect_vreg.gather [hbm4b:s1+s3], $0x80, v4, vm0, $0xb8;
	[tilespmem:$0x16F80] =	vst v63  }
0x4f7: {  	s21 =	simm.s32 $0x11780  }
0x4f8: {  	[tilespmem:s21], [sflag:$0x2] =	stream.indirect_vreg.gather [hbm4b:s1+s3], $0x80, v3, vm0, $0xb8;
	[tilespmem:$0x16F80] =	vst v63  }
0x4f9: {  	v3 =	vld [tilespmem:$0x2E0];
	_ =	sdelay $0x4  }
0x4fa: {  	v58 =	vshll.u32 v3, $0x1  }
0x4fb: {  	v3 =	vand.u32 $0x7, v3;
	v4 =	vand.u32 $0xFFFFFFF0, v58  }
0x4fc: {  	v3 =	vor.u32 v3, v4  }
0x4fd: {  	v4 =	vperm.xlane v3, v0;
	_ =	sdelay $0x1  }
0x4fe: {  	v3 =	vperm.xlane v3, v2;
	v4 =	vadd.s32 v1, v4;
	_ =	sdelay $0x1  }
0x4ff: {  	v3 =	vadd.s32 v1, v3;
	_ =	sdelay $0x1  }
0x500: {  	s21 =	simm.s32 $0x11F80  }
0x501: {  	[tilespmem:s21], [sflag:$0x2] =	stream.indirect_vreg.gather [hbm4b:s1+s3], $0x80, v4, vm0, $0xb8;
	[tilespmem:$0x16F80] =	vst v63  }
0x502: {  	s6 =	simm.s32 $0x12780  }
0x503: {  	[tilespmem:s6], [sflag:$0x2] =	stream.indirect_vreg.gather [hbm4b:s1+s3], $0x80, v3, vm0, $0xb8;
	[tilespmem:$0x16F80] =	vst v63  }
0x504: {  	v3 =	vld [tilespmem:$0x2F0];
	_ =	sdelay $0x4  }
0x505: {  	v59 =	vshll.u32 v3, $0x1  }
0x506: {  	v3 =	vand.u32 $0x7, v3;
	v4 =	vand.u32 $0xFFFFFFF0, v59  }
0x507: {  	v3 =	vor.u32 v3, v4  }
0x508: {  	v4 =	vperm.xlane v3, v0;
	_ =	sdelay $0x1  }
0x509: {  	v3 =	vperm.xlane v3, v2;
	v4 =	vadd.s32 v1, v4;
	_ =	sdelay $0x1  }
0x50a: {  	v3 =	vadd.s32 v1, v3;
	_ =	sdelay $0x1  }
0x50b: {  	s9 =	simm.s32 $0x12F80  }
0x50c: {  	[tilespmem:s9], [sflag:$0x2] =	stream.indirect_vreg.gather [hbm4b:s1+s3], $0x80, v4, vm0, $0xb8;
	[tilespmem:$0x16F80] =	vst v63  }
0x50d: {  	s11 =	simm.s32 $0x13780  }
0x50e: {  	[tilespmem:s11], [sflag:$0x2] =	stream.indirect_vreg.gather [hbm4b:s1+s3], $0x80, v3, vm0, $0xb8;
	[tilespmem:$0x16F80] =	vst v63  }
0x50f: {  	v3 =	vld [tilespmem:$0x300];
	_ =	sdelay $0x4  }
0x510: {  	v60 =	vshll.u32 v3, $0x1  }
0x511: {  	v3 =	vand.u32 $0x7, v3;
	v4 =	vand.u32 $0xFFFFFFF0, v60  }
0x512: {  	v3 =	vor.u32 v3, v4  }
0x513: {  	v4 =	vperm.xlane v3, v0;
	_ =	sdelay $0x1  }
0x514: {  	v3 =	vperm.xlane v3, v2;
	v4 =	vadd.s32 v1, v4;
	_ =	sdelay $0x1  }
0x515: {  	v3 =	vadd.s32 v1, v3;
	_ =	sdelay $0x1  }
0x516: {  	s10 =	simm.s32 $0x13F80  }
0x517: {  	[tilespmem:s10], [sflag:$0x2] =	stream.indirect_vreg.gather [hbm4b:s1+s3], $0x80, v4, vm0, $0xb8;
	[tilespmem:$0x16F80] =	vst v63  }
0x518: {  	s13 =	simm.s32 $0x14780  }
0x519: {  	[tilespmem:s13], [sflag:$0x2] =	stream.indirect_vreg.gather [hbm4b:s1+s3], $0x80, v3, vm0, $0xb8;
	[tilespmem:$0x16F80] =	vst v63  }
0x51a: {  	v3 =	vld [tilespmem:$0x310];
	_ =	sdelay $0x4  }
0x51b: {  	v61 =	vshll.u32 v3, $0x1  }
0x51c: {  	v3 =	vand.u32 $0x7, v3;
	v4 =	vand.u32 $0xFFFFFFF0, v61  }
0x51d: {  	v3 =	vor.u32 v3, v4  }
0x51e: {  	v4 =	vperm.xlane v3, v0;
	_ =	sdelay $0x1  }
0x51f: {  	v3 =	vperm.xlane v3, v2;
	v4 =	vadd.s32 v1, v4;
	_ =	sdelay $0x1  }
0x520: {  	v3 =	vadd.s32 v1, v3;
	_ =	sdelay $0x1  }
0x521: {  	s14 =	simm.s32 $0x14F80  }
0x522: {  	[tilespmem:s14], [sflag:$0x2] =	stream.indirect_vreg.gather [hbm4b:s1+s3], $0x80, v4, vm0, $0xb8;
	[tilespmem:$0x16F80] =	vst v63  }
0x523: {  	s17 =	simm.s32 $0x15780  }
0x524: {  	[tilespmem:s17], [sflag:$0x2] =	stream.indirect_vreg.gather [hbm4b:s1+s3], $0x80, v3, vm0, $0xb8;
	[tilespmem:$0x16F80] =	vst v63  }
0x525: {  	_ =	swait.ge [sflag:s0], $0x5000  }
0x526: {  	[sflag:s0] =	ssyncset.done $0x0  }
0x527: {  	s15 =	rddreg [dreg:$0x11];
	[sflag:s0] =	ssyncadd.s32 $0xFFFFB000  }
0x528: {  	[hbm4b:s15+s3] =	stream.linear.scatter [tilespmem:s22], [sflag:$0x4], $0x5000, $0x38;
	[tilespmem:$0x16F80] =	vst v63  }
0x529: {  	_ =	swait.ge [sflag:s26], $0x5000  }
0x52a: {  	[sflag:s26] =	ssyncset.done $0x0  }
0x52b: {  	[sflag:s26] =	ssyncadd.s32 $0xFFFFB000  }
0x52c: {  	_ =	swait.ge [sflag:s28], $0x5000  }
0x52d: {  	[sflag:s28] =	ssyncset.done $0x0  }
0x52e: {  	s8 =	simm.s32 $0x5;
	s17 =	rddreg [dreg:$0x12];
	[sflag:s28] =	ssyncadd.s32 $0xFFFFB000  }
0x52f: {  	[tilespmem:s3], [sflag:$0x5] =	stream.linear.gather [hbm4b:s17+s3], $0x20, $0x38;
	[tilespmem:$0x16F80] =	vst v63  }
0x530: {  	_ =	swait.ge [sflag:s8], $0x20  }
0x531: {  	[sflag:s8] =	ssyncset.done $0x0  }
0x532: {  	[sflag:s8] =	ssyncadd.s32 $0xFFFFFFE0  }
0x533: {  	v3 =	vld [tilespmem:$0x0];
	_ =	sdelay $0x4  }
0x534: {  	v62 =	vshll.u32 v3, $0x1  }
0x535: {  	v3 =	vand.u32 $0x7, v3;
	v4 =	vand.u32 $0xFFFFFFF0, v62  }
0x536: {  	v3 =	vor.u32 v3, v4  }
0x537: {  	v4 =	vperm.xlane v3, v0;
	_ =	sdelay $0x1  }
0x538: {  	v3 =	vperm.xlane v3, v2;
	v4 =	vadd.s32 v1, v4;
	_ =	sdelay $0x1  }
0x539: {  	v3 =	vadd.s32 v1, v3;
	_ =	sdelay $0x2  }
0x53a: {  	[tilespmem:s16], [sflag:$0x1] =	stream.indirect_vreg.gather [hbm4b:s1+s3], $0x80, v4, vm0, $0xb8;
	[tilespmem:$0x16F80] =	vst v63  }
0x53b: {  	s20 =	simm.s32 $0xC780  }
0x53c: {  	[tilespmem:s20], [sflag:$0x1] =	stream.indirect_vreg.gather [hbm4b:s1+s3], $0x80, v3, vm0, $0xb8;
	[tilespmem:$0x16F80] =	vst v63  }
0x53d: {  	v3 =	vld [tilespmem:$0x10];
	_ =	sdelay $0x4  }
0x53e: {  	v63 =	vshll.u32 v3, $0x1  }
0x53f: {  	v3 =	vand.u32 $0x7, v3;
	v4 =	vand.u32 $0xFFFFFFF0, v63  }
0x540: {  	v3 =	vor.u32 v3, v4  }
0x541: {  	v4 =	vperm.xlane v3, v0;
	_ =	sdelay $0x1  }
0x542: {  	v3 =	vperm.xlane v3, v2;
	v4 =	vadd.s32 v1, v4;
	_ =	sdelay $0x1  }
0x543: {  	v3 =	vadd.s32 v1, v3;
	_ =	sdelay $0x1  }
0x544: {  	s18 =	simm.s32 $0xCF80  }
0x545: {  	[tilespmem:s18], [sflag:$0x1] =	stream.indirect_vreg.gather [hbm4b:s1+s3], $0x80, v4, vm0, $0xb8;
	[tilespmem:$0x16F80] =	vst v63  }
0x546: {  	s12 =	simm.s32 $0xD780  }
0x547: {  	[tilespmem:s12], [sflag:$0x1] =	stream.indirect_vreg.gather [hbm4b:s1+s3], $0x80, v3, vm0, $0xb8;
	[tilespmem:$0x16F80] =	vst v63  }
0x548: {  	_ =	swait.ge [sflag:s30], $0x2000  }
0x549: {  	[sflag:s30] =	ssyncset.done $0x0  }
0x54a: {  	s19 =	rddreg [dreg:$0x13];
	[sflag:s30] =	ssyncadd.s32 $0xFFFFE000  }
0x54b: {  	[hbm4b:s19+s3] =	stream.linear.scatter [tilespmem:s16], [sflag:$0x5], $0x2000, $0x38;
	[tilespmem:$0x16F80] =	vst v63  }
0x54c: {  	_ =	swait.ge [sflag:s8], $0x2000  }
0x54d: {  	s20 =	rddreg [dreg:$0x15]  }
0x54e: {  	s21 =	rddreg [dreg:$0x14];
	s6 =	sadd.s32 $0x1, s20  }
0x54f: {  	p0 =	sne.s32 s6, s21  }
.Ltmp3:
0x550: {  	_ = 	snop;
	(pc) =	sbr.rel @p0 .LBB2_1-.Ltmp3, $3  }
0x551: {  	_ =	sdelay $0x1  }
0x552: {  	[sflag:s8] =	ssyncset.done $0x0  }
0x553: {  	[sflag:s8] =	ssyncadd.s32 $0xFFFFE000  }
0x554: {  	_ =	sfence.sel $0x180000  }
0x555: {  	[bflag:$0x0] =	sbarrier.arrive $0xFFFF  }
0x556: {  	_ =	strace $0x90000047  }
0x557: {  	s0 =	stileid.u32;
	[bflag:$0x2] =	sbarrier.arrive $0xFFFF  }
0x558: {  	p0 =	sne.s32 s0, $0x0;
	s0 =	rddreg [dreg:$0x5]  }
0x559: {  	s0 =	sadd.s32 @!p0 $0x100000, s0  }
0x55a: {  	[sflag:s0] =	ssyncadd.tile.s32 @!p0 $0x1;
	_ =	shalt  }
.Lfunc_end2:
_tile_overlayer_lowered:
.L_overlay_start_2:
0x55b: {  	(tag) =	ssettag $0x2  }
0x55c: {  	s0 =	rddreg [dreg:$0x0];
	s2 =	stileid.u32  }
0x55d: {  	s1 =	rddreg [dreg:$0x1];
	p0 =	sne.s32 s2, $0x0  }
0x55e: {  	s3 =	rddreg [dreg:$0x2];
	[bflag:$0x3] =	sbarrier.arrive $0xFFFF;
	s2 =	simm.s32 @!p0 $0x1C05  }
0x55f: {  	[timem:s3], [sflag:s2] =	dma.local @!p0 [hbm:s0], s1  }
0x560: {  	s0 =	simm.s32 @!p0 $0x5  }
0x561: {  	_ =	swait.ge @!p0 [sflag:s0], s1  }
0x562: {  	s1 =	ssub.s32 @!p0 $0x0, s1;
	[sflag:s0] =	ssyncset.done @!p0 $0x0  }
0x563: {  	[sflag:s0] =	ssyncadd.s32 @!p0 s1  }
0x564: {  	[bflag:$0x3] =	sbarrier.arrive $0xFFFF  }
0x565: {  	_ =	shalt  }

</sc_bundles>
